<compile_context>
chip_gen: v7x
topology: tpu7x:2x2x1
jax: 0.10.2.dev20260603
libtpu: 0.0.44.dev20260713+nightly
codegen_flags: <defaults>
</compile_context>

<pallas_src>
import functools
import math

import jax
import jax.numpy as jnp
from jax import lax
from jax.experimental import pallas as pl
from jax.experimental.pallas import tpu as pltpu
from jax.experimental.pallas import tpu_sc as plsc

B0, B1 = 4096, 200
D = 64
NW = 32
BW = B0 // NW
NBUF = 4
SCALE = math.sqrt(D)

_mesh = plsc.VectorSubcoreMesh(core_axis_name="c", subcore_axis_name="s")


@functools.partial(
    pl.kernel,
    mesh=_mesh,
    compiler_params=pltpu.CompilerParams(
        use_tc_tiling_on_sc=False, needs_layout_passes=False
    ),
    out_type=jax.ShapeDtypeStruct((B1, D // 8, NW, 8, BW), jnp.float32),
    scratch_types=[
        pltpu.VMEM((B1, BW), jnp.int32),
    ]
    + [pltpu.VMEM((BW, 2 * D), jnp.float32) for _ in range(NBUF)]
    + [pltpu.VMEM((D // 8, 8, BW), jnp.float32) for _ in range(NBUF)]
    + [pltpu.VMEM((16,), jnp.float32)]
    + [pltpu.SemaphoreType.DMA for _ in range(2 * NBUF)],
)
def _emb_lookup(xt_hbm, tab_hbm, out_hbm, idx_v, *rest):
    gbufs = rest[:NBUF]
    tbufs = rest[NBUF:2 * NBUF]
    dummy = rest[2 * NBUF]
    gsem = rest[2 * NBUF + 1:2 * NBUF + 1 + NBUF]
    ssem = rest[2 * NBUF + 1 + NBUF:]
    wid = lax.axis_index("s") * 2 + lax.axis_index("c")
    col0 = wid * BW
    pltpu.sync_copy(xt_hbm.at[:, pl.ds(col0, BW)], idx_v)

    lane = lax.iota(jnp.int32, 16)
    zero16 = jnp.zeros((16,), jnp.int32)

    def fire_gather(s, i):
        pltpu.async_copy(tab_hbm.at[idx_v.at[s]], gbufs[i], gsem[i])

    def drain_gather(i):
        pltpu.make_async_copy(tab_hbm.at[idx_v.at[0]], gbufs[i], gsem[i]).wait()

    def transpose_scale(i):
        def tbody(m, _):
            rows = 16 * m + lane

            for fblock in range(D // 16):
                fbase = 16 * fblock

                @plsc.parallel_loop(
                    0, 16, unroll=8, carry=jnp.zeros((16,), jnp.float32)
                )
                def dbody(d, c):
                    del c
                    fb = fbase + jnp.bitwise_and(d + lane, 15)
                    g = plsc.load_gather(gbufs[i], [rows, fb])
                    gs = g * SCALE
                    plsc.store_scatter(
                        tbufs[i],
                        [lax.shift_right_logical(fb, 3),
                         jnp.bitwise_and(fb, 7),
                         rows],
                        gs,
                    )
                    return gs

                dummy[...] = dbody
            return ()

        lax.fori_loop(0, BW // 16, tbody, ())

    def fire_store(s, i):
        pltpu.async_copy(tbufs[i], out_hbm.at[s, :, wid], ssem[i])

    def drain_store(i):
        pltpu.make_async_copy(tbufs[i], out_hbm.at[0, :, wid], ssem[i]).wait()

    for i in range(NBUF):
        fire_gather(i, i)

    def body(t, _):
        s0 = t * NBUF
        for i in range(NBUF):
            drain_gather(i)
            transpose_scale(i)
            fire_store(s0 + i, i)
            if i >= 1:
                drain_store(i - 1)
                fire_gather(s0 + NBUF + (i - 1), i - 1)
        drain_store(NBUF - 1)
        fire_gather(s0 + NBUF + (NBUF - 1), NBUF - 1)
        return ()

    lax.fori_loop(0, B1 // NBUF - 1, body, ())

    s0 = B1 - NBUF
    for i in range(NBUF):
        drain_gather(i)
        transpose_scale(i)
        fire_store(s0 + i, i)
    for i in range(NBUF):
        drain_store(i)


def kernel(x, table):
    xt = x.astype(jnp.int32).T
    wide = jnp.pad(table, ((0, 0), (0, 2 * D - table.shape[1])))
    out5 = _emb_lookup(xt, wide)
    return out5.transpose(2, 4, 0, 1, 3).reshape(B0, B1, D)

# --- scband reference (transcript-rebuilt; emitter-appended) ---
"""Pipeline reference for scband-embedding-31009663877889 (READ-ONLY COPY).

The authoritative reference and input builder live on the scoring server;
editing this copy changes nothing except your own understanding.
"""

import jax, jax.numpy as jnp
import numpy as np
import math

VOCAB = 1000000
D_MODEL = 64

def setup_inputs(seed: int = 0) -> dict:
    key = jax.random.key(seed)
    k1, k2 = jax.random.split(key)
    x = jax.random.randint(k1, (4096, 200), 0, VOCAB, dtype=jnp.int64 if jax.config.jax_enable_x64 else jnp.int32)
    table = jax.random.normal(k2, (VOCAB, D_MODEL), dtype=jnp.float32)
    return {"x": x, "table": table}

def reference(x, table):
    x_emb = jnp.take(table, x, axis=0)
    result = x_emb * math.sqrt(D_MODEL)
    return result

if __name__ == "__main__":
    import jax
    _d = setup_inputs()
    print(jax.jit(kernel)(*tuple(_d.values())))

</pallas_src>

<mosaic_0001>
#map = affine_map<(d0, d1) -> (0, 0)>
#map1 = affine_map<(d0, d1) -> (0, 0, 0, 0, 0)>
module attributes {stable_mosaic.version = 14 : i64} {
  func.func @_emb_lookup(%arg0: i32, %arg1: i32, %arg2: memref<200x4096xi32, #tpu.memory_space<hbm>>, %arg3: memref<1000000x128xf32, #tpu.memory_space<hbm>>, %arg4: memref<200x8x32x8x128xf32, #tpu.memory_space<hbm>>, %arg5: memref<200x128xi32, #tpu.memory_space<vmem>>, %arg6: memref<128x128xf32, #tpu.memory_space<vmem>>, %arg7: memref<128x128xf32, #tpu.memory_space<vmem>>, %arg8: memref<128x128xf32, #tpu.memory_space<vmem>>, %arg9: memref<128x128xf32, #tpu.memory_space<vmem>>, %arg10: memref<8x8x128xf32, #tpu.memory_space<vmem>>, %arg11: memref<8x8x128xf32, #tpu.memory_space<vmem>>, %arg12: memref<8x8x128xf32, #tpu.memory_space<vmem>>, %arg13: memref<8x8x128xf32, #tpu.memory_space<vmem>>, %arg14: memref<16xf32, #tpu.memory_space<vmem>>, %arg15: memref<!tpu.dma_semaphore, #tpu.memory_space<semaphore_mem>>, %arg16: memref<!tpu.dma_semaphore, #tpu.memory_space<semaphore_mem>>, %arg17: memref<!tpu.dma_semaphore, #tpu.memory_space<semaphore_mem>>, %arg18: memref<!tpu.dma_semaphore, #tpu.memory_space<semaphore_mem>>, %arg19: memref<!tpu.dma_semaphore, #tpu.memory_space<semaphore_mem>>, %arg20: memref<!tpu.dma_semaphore, #tpu.memory_space<semaphore_mem>>, %arg21: memref<!tpu.dma_semaphore, #tpu.memory_space<semaphore_mem>>, %arg22: memref<!tpu.dma_semaphore, #tpu.memory_space<semaphore_mem>>) attributes {dimension_semantics = [#tpu.dimension_semantics<core_parallel>, #tpu.dimension_semantics<subcore_parallel>], iteration_bounds = array<i64: 2, 16>, scalar_prefetch = 0 : i64, scratch_operands = 18 : i64, tpu.core_type = #tpu.core_type<sc_vector_subcore>, window_params = [{transform_indices = #map}, {transform_indices = #map}, {transform_indices = #map1}]} {
    %mul3A = arith.constant 2 : i32
    %mul3A_0 = arith.muli %arg1, %mul3A : i32
    %add3A = arith.addi %mul3A_0, %arg0 : i32
    %mul3A_1 = arith.constant 128 : i32
    %mul3A_2 = arith.muli %add3A, %mul3A_1 : i32
    "tpu.region"() ({
      %run_scoped3A = tpu.sem_alloc : memref<!tpu.dma_semaphore, #tpu.memory_space<semaphore_mem>>
      %dma_start3A_170 = arith.constant 0 : i32
      %dma_start3A_171 = tpu.memref_slice %arg2[%dma_start3A_170, %mul3A_2] : memref<200x4096xi32, #tpu.memory_space<hbm>> -> memref<200x128xi32, #tpu.memory_space<hbm>>
      %dma_start3A_172 = arith.constant 0 : i32
      %dma_start3A_173 = tpu.memref_slice %arg2[%dma_start3A_172, %mul3A_2] : memref<200x4096xi32, #tpu.memory_space<hbm>> -> memref<200x128xi32, #tpu.memory_space<hbm>>
      tpu.enqueue_dma source(%dma_start3A_173 : memref<200x128xi32, #tpu.memory_space<hbm>>) target(%arg5 : memref<200x128xi32, #tpu.memory_space<vmem>>) target_semaphore(%run_scoped3A : memref<!tpu.dma_semaphore, #tpu.memory_space<semaphore_mem>>)
      %dma_wait3A_174 = arith.constant 0 : i32
      %dma_wait3A_175 = tpu.memref_slice %arg2[%dma_wait3A_174, %mul3A_2] : memref<200x4096xi32, #tpu.memory_space<hbm>> -> memref<200x128xi32, #tpu.memory_space<hbm>>
      %dma_wait3A_176 = arith.constant 0 : i32
      %dma_wait3A_177 = tpu.memref_slice %arg2[%dma_wait3A_176, %mul3A_2] : memref<200x4096xi32, #tpu.memory_space<hbm>> -> memref<200x128xi32, #tpu.memory_space<hbm>>
      tpu.wait_dma2 semaphore(%run_scoped3A : memref<!tpu.dma_semaphore, #tpu.memory_space<semaphore_mem>>) src(%dma_wait3A_177 : memref<200x128xi32, #tpu.memory_space<hbm>>) dst(%arg5 : memref<200x128xi32, #tpu.memory_space<vmem>>)
      tpu.yield
    }) : () -> ()
    %iota3A = tpu.iota {dimensions = array<i32: 0>} : vector<16xi32>
    %broadcast_in_dim3A = arith.constant 0 : i32
    %broadcast_in_dim3A_3 = vector.broadcast %broadcast_in_dim3A : i32 to vector<16xi32>
    %dma_start3A = arith.constant 0 : i32
    %dma_start3A_4 = arith.constant 0 : i32
    %dma_start3A_5 = tpu.memref_slice %arg5[%dma_start3A, %dma_start3A_4] : memref<200x128xi32, #tpu.memory_space<vmem>> -> memref<1x128xi32, #tpu.memory_space<vmem>>
    %dma_start3A_6 = tpu.memref_squeeze %dma_start3A_5 : memref<1x128xi32, #tpu.memory_space<vmem>> -> memref<128xi32, #tpu.memory_space<vmem>>
    %dma_start3A_7 = arith.constant 0 : i32
    %dma_start3A_8 = arith.constant 0 : i32
    %dma_start3A_9 = tpu.memref_slice %arg3[%dma_start3A_7, %dma_start3A_8] : memref<1000000x128xf32, #tpu.memory_space<hbm>> -> memref<1000000x128xf32, #tpu.memory_space<hbm>>
    tpu.enqueue_indirect_dma source(%dma_start3A_9 : memref<1000000x128xf32, #tpu.memory_space<hbm>>) target(%arg6 : memref<128x128xf32, #tpu.memory_space<vmem>>) offsets(%dma_start3A_6 : memref<128xi32, #tpu.memory_space<vmem>>) semaphore(%arg15 : memref<!tpu.dma_semaphore, #tpu.memory_space<semaphore_mem>>)
    %dma_start3A_10 = arith.constant 1 : i32
    %dma_start3A_11 = arith.constant 0 : i32
    %dma_start3A_12 = tpu.memref_slice %arg5[%dma_start3A_10, %dma_start3A_11] : memref<200x128xi32, #tpu.memory_space<vmem>> -> memref<1x128xi32, #tpu.memory_space<vmem>>
    %dma_start3A_13 = tpu.memref_squeeze %dma_start3A_12 : memref<1x128xi32, #tpu.memory_space<vmem>> -> memref<128xi32, #tpu.memory_space<vmem>>
    %dma_start3A_14 = arith.constant 0 : i32
    %dma_start3A_15 = arith.constant 0 : i32
    %dma_start3A_16 = tpu.memref_slice %arg3[%dma_start3A_14, %dma_start3A_15] : memref<1000000x128xf32, #tpu.memory_space<hbm>> -> memref<1000000x128xf32, #tpu.memory_space<hbm>>
    tpu.enqueue_indirect_dma source(%dma_start3A_16 : memref<1000000x128xf32, #tpu.memory_space<hbm>>) target(%arg7 : memref<128x128xf32, #tpu.memory_space<vmem>>) offsets(%dma_start3A_13 : memref<128xi32, #tpu.memory_space<vmem>>) semaphore(%arg16 : memref<!tpu.dma_semaphore, #tpu.memory_space<semaphore_mem>>)
    %dma_start3A_17 = arith.constant 2 : i32
    %dma_start3A_18 = arith.constant 0 : i32
    %dma_start3A_19 = tpu.memref_slice %arg5[%dma_start3A_17, %dma_start3A_18] : memref<200x128xi32, #tpu.memory_space<vmem>> -> memref<1x128xi32, #tpu.memory_space<vmem>>
    %dma_start3A_20 = tpu.memref_squeeze %dma_start3A_19 : memref<1x128xi32, #tpu.memory_space<vmem>> -> memref<128xi32, #tpu.memory_space<vmem>>
    %dma_start3A_21 = arith.constant 0 : i32
    %dma_start3A_22 = arith.constant 0 : i32
    %dma_start3A_23 = tpu.memref_slice %arg3[%dma_start3A_21, %dma_start3A_22] : memref<1000000x128xf32, #tpu.memory_space<hbm>> -> memref<1000000x128xf32, #tpu.memory_space<hbm>>
    tpu.enqueue_indirect_dma source(%dma_start3A_23 : memref<1000000x128xf32, #tpu.memory_space<hbm>>) target(%arg8 : memref<128x128xf32, #tpu.memory_space<vmem>>) offsets(%dma_start3A_20 : memref<128xi32, #tpu.memory_space<vmem>>) semaphore(%arg17 : memref<!tpu.dma_semaphore, #tpu.memory_space<semaphore_mem>>)
    %dma_start3A_24 = arith.constant 3 : i32
    %dma_start3A_25 = arith.constant 0 : i32
    %dma_start3A_26 = tpu.memref_slice %arg5[%dma_start3A_24, %dma_start3A_25] : memref<200x128xi32, #tpu.memory_space<vmem>> -> memref<1x128xi32, #tpu.memory_space<vmem>>
    %dma_start3A_27 = tpu.memref_squeeze %dma_start3A_26 : memref<1x128xi32, #tpu.memory_space<vmem>> -> memref<128xi32, #tpu.memory_space<vmem>>
    %dma_start3A_28 = arith.constant 0 : i32
    %dma_start3A_29 = arith.constant 0 : i32
    %dma_start3A_30 = tpu.memref_slice %arg3[%dma_start3A_28, %dma_start3A_29] : memref<1000000x128xf32, #tpu.memory_space<hbm>> -> memref<1000000x128xf32, #tpu.memory_space<hbm>>
    tpu.enqueue_indirect_dma source(%dma_start3A_30 : memref<1000000x128xf32, #tpu.memory_space<hbm>>) target(%arg9 : memref<128x128xf32, #tpu.memory_space<vmem>>) offsets(%dma_start3A_27 : memref<128xi32, #tpu.memory_space<vmem>>) semaphore(%arg18 : memref<!tpu.dma_semaphore, #tpu.memory_space<semaphore_mem>>)
    %scan3A = arith.constant 0 : i32
    %scan3A_31 = arith.constant 49 : i32
    %scan3A_32 = arith.addi %scan3A, %scan3A_31 : i32
    %scan3A_33 = arith.constant 1 : i32
    scf.for %scan3A_170 = %scan3A to %scan3A_32 step %scan3A_33  : i32 {
      %mul3A_171 = arith.constant 4 : i32
      %mul3A_172 = arith.muli %scan3A_170, %mul3A_171 : i32
      %dma_wait3A_173 = arith.constant 0 : i32
      %dma_wait3A_174 = arith.constant 0 : i32
      %dma_wait3A_175 = tpu.memref_slice %arg5[%dma_wait3A_173, %dma_wait3A_174] : memref<200x128xi32, #tpu.memory_space<vmem>> -> memref<1x128xi32, #tpu.memory_space<vmem>>
      %dma_wait3A_176 = tpu.memref_squeeze %dma_wait3A_175 : memref<1x128xi32, #tpu.memory_space<vmem>> -> memref<128xi32, #tpu.memory_space<vmem>>
      %dma_wait3A_177 = arith.constant 0 : i32
      %dma_wait3A_178 = arith.constant 0 : i32
      %dma_wait3A_179 = tpu.memref_slice %arg3[%dma_wait3A_177, %dma_wait3A_178] : memref<1000000x128xf32, #tpu.memory_space<hbm>> -> memref<1000000x128xf32, #tpu.memory_space<hbm>>
      tpu.wait_indirect_dma semaphore(%arg15 : memref<!tpu.dma_semaphore, #tpu.memory_space<semaphore_mem>>) src(%dma_wait3A_179 : memref<1000000x128xf32, #tpu.memory_space<hbm>>) dst(%arg6 : memref<128x128xf32, #tpu.memory_space<vmem>>)
      %scan3A_180 = arith.constant 0 : i32
      %scan3A_181 = arith.constant 8 : i32
      %scan3A_182 = arith.addi %scan3A_180, %scan3A_181 : i32
      %scan3A_183 = arith.constant 1 : i32
      scf.for %scan3A_353 = %scan3A_180 to %scan3A_182 step %scan3A_183  : i32 {
        %mul3A_354 = arith.constant 16 : i32
        %mul3A_355 = arith.muli %mul3A_354, %scan3A_353 : i32
        %add3A_356 = vector.broadcast %mul3A_355 : i32 to vector<16xi32>
        %add3A_357 = arith.addi %add3A_356, %iota3A : vector<16xi32>
        %broadcast_in_dim3A_358 = arith.constant 0.000000e+00 : f32
        %broadcast_in_dim3A_359 = vector.broadcast %broadcast_in_dim3A_358 : f32 to vector<16xf32>
        %parallel_loop3A = arith.constant 0 : i32
        %parallel_loop3A_360 = arith.constant 16 : i32
        %parallel_loop3A_361 = arith.constant 1 : i32
        %parallel_loop3A_362 = scf.for %parallel_loop3A_388 = %parallel_loop3A to %parallel_loop3A_360 step %parallel_loop3A_361 iter_args(%parallel_loop3A_389 = %broadcast_in_dim3A_359) -> (vector<16xf32>)  : i32 {
          %parallel_loop3A_390 = vector.broadcast %parallel_loop3A_388 : i32 to vector<16xi32>
          %parallel_loop3A_391 = arith.addi %parallel_loop3A_390, %iota3A : vector<16xi32>
          %parallel_loop3A_392 = arith.constant 15 : i32
          %parallel_loop3A_393 = vector.broadcast %parallel_loop3A_392 : i32 to vector<16xi32>
          %parallel_loop3A_394 = arith.andi %parallel_loop3A_391, %parallel_loop3A_393 : vector<16xi32>
          %parallel_loop3A_395 = arith.constant 0 : i32
          %parallel_loop3A_396 = vector.broadcast %parallel_loop3A_395 : i32 to vector<16xi32>
          %parallel_loop3A_397 = arith.addi %parallel_loop3A_396, %parallel_loop3A_394 : vector<16xi32>
          %parallel_loop3A_398 = tpu.vector_load_idx %arg6[%add3A_357, %parallel_loop3A_397] : memref<128x128xf32, #tpu.memory_space<vmem>>[vector<16xi32>, vector<16xi32>], vector<16xf32>,
          %parallel_loop3A_399 = arith.constant 8.000000e+00 : f32
          %parallel_loop3A_400 = vector.broadcast %parallel_loop3A_399 : f32 to vector<16xf32>
          %parallel_loop3A_401 = arith.mulf %parallel_loop3A_398, %parallel_loop3A_400 : vector<16xf32>
          %parallel_loop3A_402 = arith.constant 3 : i32
          %parallel_loop3A_403 = vector.broadcast %parallel_loop3A_402 : i32 to vector<16xi32>
          %parallel_loop3A_404 = arith.shrui %parallel_loop3A_397, %parallel_loop3A_403 : vector<16xi32>
          %parallel_loop3A_405 = arith.constant 7 : i32
          %parallel_loop3A_406 = vector.broadcast %parallel_loop3A_405 : i32 to vector<16xi32>
          %parallel_loop3A_407 = arith.andi %parallel_loop3A_397, %parallel_loop3A_406 : vector<16xi32>
          tpu.vector_store_idx %arg10[%parallel_loop3A_404, %parallel_loop3A_407, %add3A_357], %parallel_loop3A_401 : memref<8x8x128xf32, #tpu.memory_space<vmem>>[vector<16xi32>, vector<16xi32>, vector<16xi32>], vector<16xf32>,
          scf.yield %parallel_loop3A_401 : vector<16xf32>
        } {sc.loop_unroll_factor = 8 : i64, sc.parallel_access}
        %swap3A = arith.constant 0 : index
        %swap3A_363 = tpu.vector_load %arg14[%swap3A] {strides = array<i32>} : memref<16xf32, #tpu.memory_space<vmem>>, vector<16xf32>,
        tpu.vector_store %arg14[%swap3A], %parallel_loop3A_362 {strides = array<i32>} : memref<16xf32, #tpu.memory_space<vmem>>, vector<16xf32>,
        %broadcast_in_dim3A_364 = arith.constant 0.000000e+00 : f32
        %broadcast_in_dim3A_365 = vector.broadcast %broadcast_in_dim3A_364 : f32 to vector<16xf32>
        %parallel_loop3A_366 = arith.constant 0 : i32
        %parallel_loop3A_367 = arith.constant 16 : i32
        %parallel_loop3A_368 = arith.constant 1 : i32
        %parallel_loop3A_369 = scf.for %parallel_loop3A_388 = %parallel_loop3A_366 to %parallel_loop3A_367 step %parallel_loop3A_368 iter_args(%parallel_loop3A_389 = %broadcast_in_dim3A_365) -> (vector<16xf32>)  : i32 {
          %parallel_loop3A_390 = vector.broadcast %parallel_loop3A_388 : i32 to vector<16xi32>
          %parallel_loop3A_391 = arith.addi %parallel_loop3A_390, %iota3A : vector<16xi32>
          %parallel_loop3A_392 = arith.constant 15 : i32
          %parallel_loop3A_393 = vector.broadcast %parallel_loop3A_392 : i32 to vector<16xi32>
          %parallel_loop3A_394 = arith.andi %parallel_loop3A_391, %parallel_loop3A_393 : vector<16xi32>
          %parallel_loop3A_395 = arith.constant 16 : i32
          %parallel_loop3A_396 = vector.broadcast %parallel_loop3A_395 : i32 to vector<16xi32>
          %parallel_loop3A_397 = arith.addi %parallel_loop3A_396, %parallel_loop3A_394 : vector<16xi32>
          %parallel_loop3A_398 = tpu.vector_load_idx %arg6[%add3A_357, %parallel_loop3A_397] : memref<128x128xf32, #tpu.memory_space<vmem>>[vector<16xi32>, vector<16xi32>], vector<16xf32>,
          %parallel_loop3A_399 = arith.constant 8.000000e+00 : f32
          %parallel_loop3A_400 = vector.broadcast %parallel_loop3A_399 : f32 to vector<16xf32>
          %parallel_loop3A_401 = arith.mulf %parallel_loop3A_398, %parallel_loop3A_400 : vector<16xf32>
          %parallel_loop3A_402 = arith.constant 3 : i32
          %parallel_loop3A_403 = vector.broadcast %parallel_loop3A_402 : i32 to vector<16xi32>
          %parallel_loop3A_404 = arith.shrui %parallel_loop3A_397, %parallel_loop3A_403 : vector<16xi32>
          %parallel_loop3A_405 = arith.constant 7 : i32
          %parallel_loop3A_406 = vector.broadcast %parallel_loop3A_405 : i32 to vector<16xi32>
          %parallel_loop3A_407 = arith.andi %parallel_loop3A_397, %parallel_loop3A_406 : vector<16xi32>
          tpu.vector_store_idx %arg10[%parallel_loop3A_404, %parallel_loop3A_407, %add3A_357], %parallel_loop3A_401 : memref<8x8x128xf32, #tpu.memory_space<vmem>>[vector<16xi32>, vector<16xi32>, vector<16xi32>], vector<16xf32>,
          scf.yield %parallel_loop3A_401 : vector<16xf32>
        } {sc.loop_unroll_factor = 8 : i64, sc.parallel_access}
        %swap3A_370 = arith.constant 0 : index
        %swap3A_371 = tpu.vector_load %arg14[%swap3A_370] {strides = array<i32>} : memref<16xf32, #tpu.memory_space<vmem>>, vector<16xf32>,
        tpu.vector_store %arg14[%swap3A_370], %parallel_loop3A_369 {strides = array<i32>} : memref<16xf32, #tpu.memory_space<vmem>>, vector<16xf32>,
        %broadcast_in_dim3A_372 = arith.constant 0.000000e+00 : f32
        %broadcast_in_dim3A_373 = vector.broadcast %broadcast_in_dim3A_372 : f32 to vector<16xf32>
        %parallel_loop3A_374 = arith.constant 0 : i32
        %parallel_loop3A_375 = arith.constant 16 : i32
        %parallel_loop3A_376 = arith.constant 1 : i32
        %parallel_loop3A_377 = scf.for %parallel_loop3A_388 = %parallel_loop3A_374 to %parallel_loop3A_375 step %parallel_loop3A_376 iter_args(%parallel_loop3A_389 = %broadcast_in_dim3A_373) -> (vector<16xf32>)  : i32 {
          %parallel_loop3A_390 = vector.broadcast %parallel_loop3A_388 : i32 to vector<16xi32>
          %parallel_loop3A_391 = arith.addi %parallel_loop3A_390, %iota3A : vector<16xi32>
          %parallel_loop3A_392 = arith.constant 15 : i32
          %parallel_loop3A_393 = vector.broadcast %parallel_loop3A_392 : i32 to vector<16xi32>
          %parallel_loop3A_394 = arith.andi %parallel_loop3A_391, %parallel_loop3A_393 : vector<16xi32>
          %parallel_loop3A_395 = arith.constant 32 : i32
          %parallel_loop3A_396 = vector.broadcast %parallel_loop3A_395 : i32 to vector<16xi32>
          %parallel_loop3A_397 = arith.addi %parallel_loop3A_396, %parallel_loop3A_394 : vector<16xi32>
          %parallel_loop3A_398 = tpu.vector_load_idx %arg6[%add3A_357, %parallel_loop3A_397] : memref<128x128xf32, #tpu.memory_space<vmem>>[vector<16xi32>, vector<16xi32>], vector<16xf32>,
          %parallel_loop3A_399 = arith.constant 8.000000e+00 : f32
          %parallel_loop3A_400 = vector.broadcast %parallel_loop3A_399 : f32 to vector<16xf32>
          %parallel_loop3A_401 = arith.mulf %parallel_loop3A_398, %parallel_loop3A_400 : vector<16xf32>
          %parallel_loop3A_402 = arith.constant 3 : i32
          %parallel_loop3A_403 = vector.broadcast %parallel_loop3A_402 : i32 to vector<16xi32>
          %parallel_loop3A_404 = arith.shrui %parallel_loop3A_397, %parallel_loop3A_403 : vector<16xi32>
          %parallel_loop3A_405 = arith.constant 7 : i32
          %parallel_loop3A_406 = vector.broadcast %parallel_loop3A_405 : i32 to vector<16xi32>
          %parallel_loop3A_407 = arith.andi %parallel_loop3A_397, %parallel_loop3A_406 : vector<16xi32>
          tpu.vector_store_idx %arg10[%parallel_loop3A_404, %parallel_loop3A_407, %add3A_357], %parallel_loop3A_401 : memref<8x8x128xf32, #tpu.memory_space<vmem>>[vector<16xi32>, vector<16xi32>, vector<16xi32>], vector<16xf32>,
          scf.yield %parallel_loop3A_401 : vector<16xf32>
        } {sc.loop_unroll_factor = 8 : i64, sc.parallel_access}
        %swap3A_378 = arith.constant 0 : index
        %swap3A_379 = tpu.vector_load %arg14[%swap3A_378] {strides = array<i32>} : memref<16xf32, #tpu.memory_space<vmem>>, vector<16xf32>,
        tpu.vector_store %arg14[%swap3A_378], %parallel_loop3A_377 {strides = array<i32>} : memref<16xf32, #tpu.memory_space<vmem>>, vector<16xf32>,
        %broadcast_in_dim3A_380 = arith.constant 0.000000e+00 : f32
        %broadcast_in_dim3A_381 = vector.broadcast %broadcast_in_dim3A_380 : f32 to vector<16xf32>
        %parallel_loop3A_382 = arith.constant 0 : i32
        %parallel_loop3A_383 = arith.constant 16 : i32
        %parallel_loop3A_384 = arith.constant 1 : i32
        %parallel_loop3A_385 = scf.for %parallel_loop3A_388 = %parallel_loop3A_382 to %parallel_loop3A_383 step %parallel_loop3A_384 iter_args(%parallel_loop3A_389 = %broadcast_in_dim3A_381) -> (vector<16xf32>)  : i32 {
          %parallel_loop3A_390 = vector.broadcast %parallel_loop3A_388 : i32 to vector<16xi32>
          %parallel_loop3A_391 = arith.addi %parallel_loop3A_390, %iota3A : vector<16xi32>
          %parallel_loop3A_392 = arith.constant 15 : i32
          %parallel_loop3A_393 = vector.broadcast %parallel_loop3A_392 : i32 to vector<16xi32>
          %parallel_loop3A_394 = arith.andi %parallel_loop3A_391, %parallel_loop3A_393 : vector<16xi32>
          %parallel_loop3A_395 = arith.constant 48 : i32
          %parallel_loop3A_396 = vector.broadcast %parallel_loop3A_395 : i32 to vector<16xi32>
          %parallel_loop3A_397 = arith.addi %parallel_loop3A_396, %parallel_loop3A_394 : vector<16xi32>
          %parallel_loop3A_398 = tpu.vector_load_idx %arg6[%add3A_357, %parallel_loop3A_397] : memref<128x128xf32, #tpu.memory_space<vmem>>[vector<16xi32>, vector<16xi32>], vector<16xf32>,
          %parallel_loop3A_399 = arith.constant 8.000000e+00 : f32
          %parallel_loop3A_400 = vector.broadcast %parallel_loop3A_399 : f32 to vector<16xf32>
          %parallel_loop3A_401 = arith.mulf %parallel_loop3A_398, %parallel_loop3A_400 : vector<16xf32>
          %parallel_loop3A_402 = arith.constant 3 : i32
          %parallel_loop3A_403 = vector.broadcast %parallel_loop3A_402 : i32 to vector<16xi32>
          %parallel_loop3A_404 = arith.shrui %parallel_loop3A_397, %parallel_loop3A_403 : vector<16xi32>
          %parallel_loop3A_405 = arith.constant 7 : i32
          %parallel_loop3A_406 = vector.broadcast %parallel_loop3A_405 : i32 to vector<16xi32>
          %parallel_loop3A_407 = arith.andi %parallel_loop3A_397, %parallel_loop3A_406 : vector<16xi32>
          tpu.vector_store_idx %arg10[%parallel_loop3A_404, %parallel_loop3A_407, %add3A_357], %parallel_loop3A_401 : memref<8x8x128xf32, #tpu.memory_space<vmem>>[vector<16xi32>, vector<16xi32>, vector<16xi32>], vector<16xf32>,
          scf.yield %parallel_loop3A_401 : vector<16xf32>
        } {sc.loop_unroll_factor = 8 : i64, sc.parallel_access}
        %swap3A_386 = arith.constant 0 : index
        %swap3A_387 = tpu.vector_load %arg14[%swap3A_386] {strides = array<i32>} : memref<16xf32, #tpu.memory_space<vmem>>, vector<16xf32>,
        tpu.vector_store %arg14[%swap3A_386], %parallel_loop3A_385 {strides = array<i32>} : memref<16xf32, #tpu.memory_space<vmem>>, vector<16xf32>,
      }
      %scan3A_184 = arith.constant 8 : i32
      %add3A_185 = arith.constant 0 : i32
      %add3A_186 = arith.addi %mul3A_172, %add3A_185 : i32
      %dma_start3A_187 = arith.constant 0 : i32
      %dma_start3A_188 = arith.constant 0 : i32
      %dma_start3A_189 = arith.constant 0 : i32
      %dma_start3A_190 = tpu.memref_slice %arg4[%add3A_186, %dma_start3A_187, %add3A, %dma_start3A_188, %dma_start3A_189] : memref<200x8x32x8x128xf32, #tpu.memory_space<hbm>> -> memref<1x8x1x8x128xf32, #tpu.memory_space<hbm>>
      %dma_start3A_191 = tpu.memref_squeeze %dma_start3A_190 : memref<1x8x1x8x128xf32, #tpu.memory_space<hbm>> -> memref<8x8x128xf32, #tpu.memory_space<hbm>>
      %dma_start3A_192 = arith.constant 0 : i32
      %dma_start3A_193 = arith.constant 0 : i32
      %dma_start3A_194 = arith.constant 0 : i32
      %dma_start3A_195 = tpu.memref_slice %arg4[%add3A_186, %dma_start3A_192, %add3A, %dma_start3A_193, %dma_start3A_194] : memref<200x8x32x8x128xf32, #tpu.memory_space<hbm>> -> memref<1x8x1x8x128xf32, #tpu.memory_space<hbm>>
      %dma_start3A_196 = tpu.memref_squeeze %dma_start3A_195 : memref<1x8x1x8x128xf32, #tpu.memory_space<hbm>> -> memref<8x8x128xf32, #tpu.memory_space<hbm>>
      tpu.enqueue_dma source(%arg10 : memref<8x8x128xf32, #tpu.memory_space<vmem>>) target(%dma_start3A_196 : memref<8x8x128xf32, #tpu.memory_space<hbm>>) target_semaphore(%arg19 : memref<!tpu.dma_semaphore, #tpu.memory_space<semaphore_mem>>)
      %dma_wait3A_197 = arith.constant 0 : i32
      %dma_wait3A_198 = arith.constant 0 : i32
      %dma_wait3A_199 = tpu.memref_slice %arg5[%dma_wait3A_197, %dma_wait3A_198] : memref<200x128xi32, #tpu.memory_space<vmem>> -> memref<1x128xi32, #tpu.memory_space<vmem>>
      %dma_wait3A_200 = tpu.memref_squeeze %dma_wait3A_199 : memref<1x128xi32, #tpu.memory_space<vmem>> -> memref<128xi32, #tpu.memory_space<vmem>>
      %dma_wait3A_201 = arith.constant 0 : i32
      %dma_wait3A_202 = arith.constant 0 : i32
      %dma_wait3A_203 = tpu.memref_slice %arg3[%dma_wait3A_201, %dma_wait3A_202] : memref<1000000x128xf32, #tpu.memory_space<hbm>> -> memref<1000000x128xf32, #tpu.memory_space<hbm>>
      tpu.wait_indirect_dma semaphore(%arg16 : memref<!tpu.dma_semaphore, #tpu.memory_space<semaphore_mem>>) src(%dma_wait3A_203 : memref<1000000x128xf32, #tpu.memory_space<hbm>>) dst(%arg7 : memref<128x128xf32, #tpu.memory_space<vmem>>)
      %scan3A_204 = arith.constant 0 : i32
      %scan3A_205 = arith.constant 8 : i32
      %scan3A_206 = arith.addi %scan3A_204, %scan3A_205 : i32
      %scan3A_207 = arith.constant 1 : i32
      scf.for %scan3A_353 = %scan3A_204 to %scan3A_206 step %scan3A_207  : i32 {
        %mul3A_354 = arith.constant 16 : i32
        %mul3A_355 = arith.muli %mul3A_354, %scan3A_353 : i32
        %add3A_356 = vector.broadcast %mul3A_355 : i32 to vector<16xi32>
        %add3A_357 = arith.addi %add3A_356, %iota3A : vector<16xi32>
        %broadcast_in_dim3A_358 = arith.constant 0.000000e+00 : f32
        %broadcast_in_dim3A_359 = vector.broadcast %broadcast_in_dim3A_358 : f32 to vector<16xf32>
        %parallel_loop3A = arith.constant 0 : i32
        %parallel_loop3A_360 = arith.constant 16 : i32
        %parallel_loop3A_361 = arith.constant 1 : i32
        %parallel_loop3A_362 = scf.for %parallel_loop3A_388 = %parallel_loop3A to %parallel_loop3A_360 step %parallel_loop3A_361 iter_args(%parallel_loop3A_389 = %broadcast_in_dim3A_359) -> (vector<16xf32>)  : i32 {
          %parallel_loop3A_390 = vector.broadcast %parallel_loop3A_388 : i32 to vector<16xi32>
          %parallel_loop3A_391 = arith.addi %parallel_loop3A_390, %iota3A : vector<16xi32>
          %parallel_loop3A_392 = arith.constant 15 : i32
          %parallel_loop3A_393 = vector.broadcast %parallel_loop3A_392 : i32 to vector<16xi32>
          %parallel_loop3A_394 = arith.andi %parallel_loop3A_391, %parallel_loop3A_393 : vector<16xi32>
          %parallel_loop3A_395 = arith.constant 0 : i32
          %parallel_loop3A_396 = vector.broadcast %parallel_loop3A_395 : i32 to vector<16xi32>
          %parallel_loop3A_397 = arith.addi %parallel_loop3A_396, %parallel_loop3A_394 : vector<16xi32>
          %parallel_loop3A_398 = tpu.vector_load_idx %arg7[%add3A_357, %parallel_loop3A_397] : memref<128x128xf32, #tpu.memory_space<vmem>>[vector<16xi32>, vector<16xi32>], vector<16xf32>,
          %parallel_loop3A_399 = arith.constant 8.000000e+00 : f32
          %parallel_loop3A_400 = vector.broadcast %parallel_loop3A_399 : f32 to vector<16xf32>
          %parallel_loop3A_401 = arith.mulf %parallel_loop3A_398, %parallel_loop3A_400 : vector<16xf32>
          %parallel_loop3A_402 = arith.constant 3 : i32
          %parallel_loop3A_403 = vector.broadcast %parallel_loop3A_402 : i32 to vector<16xi32>
          %parallel_loop3A_404 = arith.shrui %parallel_loop3A_397, %parallel_loop3A_403 : vector<16xi32>
          %parallel_loop3A_405 = arith.constant 7 : i32
          %parallel_loop3A_406 = vector.broadcast %parallel_loop3A_405 : i32 to vector<16xi32>
          %parallel_loop3A_407 = arith.andi %parallel_loop3A_397, %parallel_loop3A_406 : vector<16xi32>
          tpu.vector_store_idx %arg11[%parallel_loop3A_404, %parallel_loop3A_407, %add3A_357], %parallel_loop3A_401 : memref<8x8x128xf32, #tpu.memory_space<vmem>>[vector<16xi32>, vector<16xi32>, vector<16xi32>], vector<16xf32>,
          scf.yield %parallel_loop3A_401 : vector<16xf32>
        } {sc.loop_unroll_factor = 8 : i64, sc.parallel_access}
        %swap3A = arith.constant 0 : index
        %swap3A_363 = tpu.vector_load %arg14[%swap3A] {strides = array<i32>} : memref<16xf32, #tpu.memory_space<vmem>>, vector<16xf32>,
        tpu.vector_store %arg14[%swap3A], %parallel_loop3A_362 {strides = array<i32>} : memref<16xf32, #tpu.memory_space<vmem>>, vector<16xf32>,
        %broadcast_in_dim3A_364 = arith.constant 0.000000e+00 : f32
        %broadcast_in_dim3A_365 = vector.broadcast %broadcast_in_dim3A_364 : f32 to vector<16xf32>
        %parallel_loop3A_366 = arith.constant 0 : i32
        %parallel_loop3A_367 = arith.constant 16 : i32
        %parallel_loop3A_368 = arith.constant 1 : i32
        %parallel_loop3A_369 = scf.for %parallel_loop3A_388 = %parallel_loop3A_366 to %parallel_loop3A_367 step %parallel_loop3A_368 iter_args(%parallel_loop3A_389 = %broadcast_in_dim3A_365) -> (vector<16xf32>)  : i32 {
          %parallel_loop3A_390 = vector.broadcast %parallel_loop3A_388 : i32 to vector<16xi32>
          %parallel_loop3A_391 = arith.addi %parallel_loop3A_390, %iota3A : vector<16xi32>
          %parallel_loop3A_392 = arith.constant 15 : i32
          %parallel_loop3A_393 = vector.broadcast %parallel_loop3A_392 : i32 to vector<16xi32>
          %parallel_loop3A_394 = arith.andi %parallel_loop3A_391, %parallel_loop3A_393 : vector<16xi32>
          %parallel_loop3A_395 = arith.constant 16 : i32
          %parallel_loop3A_396 = vector.broadcast %parallel_loop3A_395 : i32 to vector<16xi32>
          %parallel_loop3A_397 = arith.addi %parallel_loop3A_396, %parallel_loop3A_394 : vector<16xi32>
          %parallel_loop3A_398 = tpu.vector_load_idx %arg7[%add3A_357, %parallel_loop3A_397] : memref<128x128xf32, #tpu.memory_space<vmem>>[vector<16xi32>, vector<16xi32>], vector<16xf32>,
          %parallel_loop3A_399 = arith.constant 8.000000e+00 : f32
          %parallel_loop3A_400 = vector.broadcast %parallel_loop3A_399 : f32 to vector<16xf32>
          %parallel_loop3A_401 = arith.mulf %parallel_loop3A_398, %parallel_loop3A_400 : vector<16xf32>
          %parallel_loop3A_402 = arith.constant 3 : i32
          %parallel_loop3A_403 = vector.broadcast %parallel_loop3A_402 : i32 to vector<16xi32>
          %parallel_loop3A_404 = arith.shrui %parallel_loop3A_397, %parallel_loop3A_403 : vector<16xi32>
          %parallel_loop3A_405 = arith.constant 7 : i32
          %parallel_loop3A_406 = vector.broadcast %parallel_loop3A_405 : i32 to vector<16xi32>
          %parallel_loop3A_407 = arith.andi %parallel_loop3A_397, %parallel_loop3A_406 : vector<16xi32>
          tpu.vector_store_idx %arg11[%parallel_loop3A_404, %parallel_loop3A_407, %add3A_357], %parallel_loop3A_401 : memref<8x8x128xf32, #tpu.memory_space<vmem>>[vector<16xi32>, vector<16xi32>, vector<16xi32>], vector<16xf32>,
          scf.yield %parallel_loop3A_401 : vector<16xf32>
        } {sc.loop_unroll_factor = 8 : i64, sc.parallel_access}
        %swap3A_370 = arith.constant 0 : index
        %swap3A_371 = tpu.vector_load %arg14[%swap3A_370] {strides = array<i32>} : memref<16xf32, #tpu.memory_space<vmem>>, vector<16xf32>,
        tpu.vector_store %arg14[%swap3A_370], %parallel_loop3A_369 {strides = array<i32>} : memref<16xf32, #tpu.memory_space<vmem>>, vector<16xf32>,
        %broadcast_in_dim3A_372 = arith.constant 0.000000e+00 : f32
        %broadcast_in_dim3A_373 = vector.broadcast %broadcast_in_dim3A_372 : f32 to vector<16xf32>
        %parallel_loop3A_374 = arith.constant 0 : i32
        %parallel_loop3A_375 = arith.constant 16 : i32
        %parallel_loop3A_376 = arith.constant 1 : i32
        %parallel_loop3A_377 = scf.for %parallel_loop3A_388 = %parallel_loop3A_374 to %parallel_loop3A_375 step %parallel_loop3A_376 iter_args(%parallel_loop3A_389 = %broadcast_in_dim3A_373) -> (vector<16xf32>)  : i32 {
          %parallel_loop3A_390 = vector.broadcast %parallel_loop3A_388 : i32 to vector<16xi32>
          %parallel_loop3A_391 = arith.addi %parallel_loop3A_390, %iota3A : vector<16xi32>
          %parallel_loop3A_392 = arith.constant 15 : i32
          %parallel_loop3A_393 = vector.broadcast %parallel_loop3A_392 : i32 to vector<16xi32>
          %parallel_loop3A_394 = arith.andi %parallel_loop3A_391, %parallel_loop3A_393 : vector<16xi32>
          %parallel_loop3A_395 = arith.constant 32 : i32
          %parallel_loop3A_396 = vector.broadcast %parallel_loop3A_395 : i32 to vector<16xi32>
          %parallel_loop3A_397 = arith.addi %parallel_loop3A_396, %parallel_loop3A_394 : vector<16xi32>
          %parallel_loop3A_398 = tpu.vector_load_idx %arg7[%add3A_357, %parallel_loop3A_397] : memref<128x128xf32, #tpu.memory_space<vmem>>[vector<16xi32>, vector<16xi32>], vector<16xf32>,
          %parallel_loop3A_399 = arith.constant 8.000000e+00 : f32
          %parallel_loop3A_400 = vector.broadcast %parallel_loop3A_399 : f32 to vector<16xf32>
          %parallel_loop3A_401 = arith.mulf %parallel_loop3A_398, %parallel_loop3A_400 : vector<16xf32>
          %parallel_loop3A_402 = arith.constant 3 : i32
          %parallel_loop3A_403 = vector.broadcast %parallel_loop3A_402 : i32 to vector<16xi32>
          %parallel_loop3A_404 = arith.shrui %parallel_loop3A_397, %parallel_loop3A_403 : vector<16xi32>
          %parallel_loop3A_405 = arith.constant 7 : i32
          %parallel_loop3A_406 = vector.broadcast %parallel_loop3A_405 : i32 to vector<16xi32>
          %parallel_loop3A_407 = arith.andi %parallel_loop3A_397, %parallel_loop3A_406 : vector<16xi32>
          tpu.vector_store_idx %arg11[%parallel_loop3A_404, %parallel_loop3A_407, %add3A_357], %parallel_loop3A_401 : memref<8x8x128xf32, #tpu.memory_space<vmem>>[vector<16xi32>, vector<16xi32>, vector<16xi32>], vector<16xf32>,
          scf.yield %parallel_loop3A_401 : vector<16xf32>
        } {sc.loop_unroll_factor = 8 : i64, sc.parallel_access}
        %swap3A_378 = arith.constant 0 : index
        %swap3A_379 = tpu.vector_load %arg14[%swap3A_378] {strides = array<i32>} : memref<16xf32, #tpu.memory_space<vmem>>, vector<16xf32>,
        tpu.vector_store %arg14[%swap3A_378], %parallel_loop3A_377 {strides = array<i32>} : memref<16xf32, #tpu.memory_space<vmem>>, vector<16xf32>,
        %broadcast_in_dim3A_380 = arith.constant 0.000000e+00 : f32
        %broadcast_in_dim3A_381 = vector.broadcast %broadcast_in_dim3A_380 : f32 to vector<16xf32>
        %parallel_loop3A_382 = arith.constant 0 : i32
        %parallel_loop3A_383 = arith.constant 16 : i32
        %parallel_loop3A_384 = arith.constant 1 : i32
        %parallel_loop3A_385 = scf.for %parallel_loop3A_388 = %parallel_loop3A_382 to %parallel_loop3A_383 step %parallel_loop3A_384 iter_args(%parallel_loop3A_389 = %broadcast_in_dim3A_381) -> (vector<16xf32>)  : i32 {
          %parallel_loop3A_390 = vector.broadcast %parallel_loop3A_388 : i32 to vector<16xi32>
          %parallel_loop3A_391 = arith.addi %parallel_loop3A_390, %iota3A : vector<16xi32>
          %parallel_loop3A_392 = arith.constant 15 : i32
          %parallel_loop3A_393 = vector.broadcast %parallel_loop3A_392 : i32 to vector<16xi32>
          %parallel_loop3A_394 = arith.andi %parallel_loop3A_391, %parallel_loop3A_393 : vector<16xi32>
          %parallel_loop3A_395 = arith.constant 48 : i32
          %parallel_loop3A_396 = vector.broadcast %parallel_loop3A_395 : i32 to vector<16xi32>
          %parallel_loop3A_397 = arith.addi %parallel_loop3A_396, %parallel_loop3A_394 : vector<16xi32>
          %parallel_loop3A_398 = tpu.vector_load_idx %arg7[%add3A_357, %parallel_loop3A_397] : memref<128x128xf32, #tpu.memory_space<vmem>>[vector<16xi32>, vector<16xi32>], vector<16xf32>,
          %parallel_loop3A_399 = arith.constant 8.000000e+00 : f32
          %parallel_loop3A_400 = vector.broadcast %parallel_loop3A_399 : f32 to vector<16xf32>
          %parallel_loop3A_401 = arith.mulf %parallel_loop3A_398, %parallel_loop3A_400 : vector<16xf32>
          %parallel_loop3A_402 = arith.constant 3 : i32
          %parallel_loop3A_403 = vector.broadcast %parallel_loop3A_402 : i32 to vector<16xi32>
          %parallel_loop3A_404 = arith.shrui %parallel_loop3A_397, %parallel_loop3A_403 : vector<16xi32>
          %parallel_loop3A_405 = arith.constant 7 : i32
          %parallel_loop3A_406 = vector.broadcast %parallel_loop3A_405 : i32 to vector<16xi32>
          %parallel_loop3A_407 = arith.andi %parallel_loop3A_397, %parallel_loop3A_406 : vector<16xi32>
          tpu.vector_store_idx %arg11[%parallel_loop3A_404, %parallel_loop3A_407, %add3A_357], %parallel_loop3A_401 : memref<8x8x128xf32, #tpu.memory_space<vmem>>[vector<16xi32>, vector<16xi32>, vector<16xi32>], vector<16xf32>,
          scf.yield %parallel_loop3A_401 : vector<16xf32>
        } {sc.loop_unroll_factor = 8 : i64, sc.parallel_access}
        %swap3A_386 = arith.constant 0 : index
        %swap3A_387 = tpu.vector_load %arg14[%swap3A_386] {strides = array<i32>} : memref<16xf32, #tpu.memory_space<vmem>>, vector<16xf32>,
        tpu.vector_store %arg14[%swap3A_386], %parallel_loop3A_385 {strides = array<i32>} : memref<16xf32, #tpu.memory_space<vmem>>, vector<16xf32>,
      }
      %scan3A_208 = arith.constant 8 : i32
      %add3A_209 = arith.constant 1 : i32
      %add3A_210 = arith.addi %mul3A_172, %add3A_209 : i32
      %dma_start3A_211 = arith.constant 0 : i32
      %dma_start3A_212 = arith.constant 0 : i32
      %dma_start3A_213 = arith.constant 0 : i32
      %dma_start3A_214 = tpu.memref_slice %arg4[%add3A_210, %dma_start3A_211, %add3A, %dma_start3A_212, %dma_start3A_213] : memref<200x8x32x8x128xf32, #tpu.memory_space<hbm>> -> memref<1x8x1x8x128xf32, #tpu.memory_space<hbm>>
      %dma_start3A_215 = tpu.memref_squeeze %dma_start3A_214 : memref<1x8x1x8x128xf32, #tpu.memory_space<hbm>> -> memref<8x8x128xf32, #tpu.memory_space<hbm>>
      %dma_start3A_216 = arith.constant 0 : i32
      %dma_start3A_217 = arith.constant 0 : i32
      %dma_start3A_218 = arith.constant 0 : i32
      %dma_start3A_219 = tpu.memref_slice %arg4[%add3A_210, %dma_start3A_216, %add3A, %dma_start3A_217, %dma_start3A_218] : memref<200x8x32x8x128xf32, #tpu.memory_space<hbm>> -> memref<1x8x1x8x128xf32, #tpu.memory_space<hbm>>
      %dma_start3A_220 = tpu.memref_squeeze %dma_start3A_219 : memref<1x8x1x8x128xf32, #tpu.memory_space<hbm>> -> memref<8x8x128xf32, #tpu.memory_space<hbm>>
      tpu.enqueue_dma source(%arg11 : memref<8x8x128xf32, #tpu.memory_space<vmem>>) target(%dma_start3A_220 : memref<8x8x128xf32, #tpu.memory_space<hbm>>) target_semaphore(%arg20 : memref<!tpu.dma_semaphore, #tpu.memory_space<semaphore_mem>>)
      %dma_wait3A_221 = arith.constant 0 : i32
      %dma_wait3A_222 = arith.constant 0 : i32
      %dma_wait3A_223 = arith.constant 0 : i32
      %dma_wait3A_224 = arith.constant 0 : i32
      %dma_wait3A_225 = tpu.memref_slice %arg4[%dma_wait3A_221, %dma_wait3A_222, %add3A, %dma_wait3A_223, %dma_wait3A_224] : memref<200x8x32x8x128xf32, #tpu.memory_space<hbm>> -> memref<1x8x1x8x128xf32, #tpu.memory_space<hbm>>
      %dma_wait3A_226 = tpu.memref_squeeze %dma_wait3A_225 : memref<1x8x1x8x128xf32, #tpu.memory_space<hbm>> -> memref<8x8x128xf32, #tpu.memory_space<hbm>>
      %dma_wait3A_227 = arith.constant 0 : i32
      %dma_wait3A_228 = arith.constant 0 : i32
      %dma_wait3A_229 = arith.constant 0 : i32
      %dma_wait3A_230 = tpu.memref_slice %arg4[%dma_wait3A_221, %dma_wait3A_227, %add3A, %dma_wait3A_228, %dma_wait3A_229] : memref<200x8x32x8x128xf32, #tpu.memory_space<hbm>> -> memref<1x8x1x8x128xf32, #tpu.memory_space<hbm>>
      %dma_wait3A_231 = tpu.memref_squeeze %dma_wait3A_230 : memref<1x8x1x8x128xf32, #tpu.memory_space<hbm>> -> memref<8x8x128xf32, #tpu.memory_space<hbm>>
      tpu.wait_dma2 semaphore(%arg19 : memref<!tpu.dma_semaphore, #tpu.memory_space<semaphore_mem>>) src(%arg10 : memref<8x8x128xf32, #tpu.memory_space<vmem>>) dst(%dma_wait3A_231 : memref<8x8x128xf32, #tpu.memory_space<hbm>>)
      %add3A_232 = arith.constant 4 : i32
      %add3A_233 = arith.addi %mul3A_172, %add3A_232 : i32
      %add3A_234 = arith.constant 0 : i32
      %add3A_235 = arith.addi %add3A_233, %add3A_234 : i32
      %dma_start3A_236 = arith.constant 0 : i32
      %dma_start3A_237 = tpu.memref_slice %arg5[%add3A_235, %dma_start3A_236] : memref<200x128xi32, #tpu.memory_space<vmem>> -> memref<1x128xi32, #tpu.memory_space<vmem>>
      %dma_start3A_238 = tpu.memref_squeeze %dma_start3A_237 : memref<1x128xi32, #tpu.memory_space<vmem>> -> memref<128xi32, #tpu.memory_space<vmem>>
      %dma_start3A_239 = arith.constant 0 : i32
      %dma_start3A_240 = arith.constant 0 : i32
      %dma_start3A_241 = tpu.memref_slice %arg3[%dma_start3A_239, %dma_start3A_240] : memref<1000000x128xf32, #tpu.memory_space<hbm>> -> memref<1000000x128xf32, #tpu.memory_space<hbm>>
      tpu.enqueue_indirect_dma source(%dma_start3A_241 : memref<1000000x128xf32, #tpu.memory_space<hbm>>) target(%arg6 : memref<128x128xf32, #tpu.memory_space<vmem>>) offsets(%dma_start3A_238 : memref<128xi32, #tpu.memory_space<vmem>>) semaphore(%arg15 : memref<!tpu.dma_semaphore, #tpu.memory_space<semaphore_mem>>)
      %dma_wait3A_242 = arith.constant 0 : i32
      %dma_wait3A_243 = arith.constant 0 : i32
      %dma_wait3A_244 = tpu.memref_slice %arg5[%dma_wait3A_242, %dma_wait3A_243] : memref<200x128xi32, #tpu.memory_space<vmem>> -> memref<1x128xi32, #tpu.memory_space<vmem>>
      %dma_wait3A_245 = tpu.memref_squeeze %dma_wait3A_244 : memref<1x128xi32, #tpu.memory_space<vmem>> -> memref<128xi32, #tpu.memory_space<vmem>>
      %dma_wait3A_246 = arith.constant 0 : i32
      %dma_wait3A_247 = arith.constant 0 : i32
      %dma_wait3A_248 = tpu.memref_slice %arg3[%dma_wait3A_246, %dma_wait3A_247] : memref<1000000x128xf32, #tpu.memory_space<hbm>> -> memref<1000000x128xf32, #tpu.memory_space<hbm>>
      tpu.wait_indirect_dma semaphore(%arg17 : memref<!tpu.dma_semaphore, #tpu.memory_space<semaphore_mem>>) src(%dma_wait3A_248 : memref<1000000x128xf32, #tpu.memory_space<hbm>>) dst(%arg8 : memref<128x128xf32, #tpu.memory_space<vmem>>)
      %scan3A_249 = arith.constant 0 : i32
      %scan3A_250 = arith.constant 8 : i32
      %scan3A_251 = arith.addi %scan3A_249, %scan3A_250 : i32
      %scan3A_252 = arith.constant 1 : i32
      scf.for %scan3A_353 = %scan3A_249 to %scan3A_251 step %scan3A_252  : i32 {
        %mul3A_354 = arith.constant 16 : i32
        %mul3A_355 = arith.muli %mul3A_354, %scan3A_353 : i32
        %add3A_356 = vector.broadcast %mul3A_355 : i32 to vector<16xi32>
        %add3A_357 = arith.addi %add3A_356, %iota3A : vector<16xi32>
        %broadcast_in_dim3A_358 = arith.constant 0.000000e+00 : f32
        %broadcast_in_dim3A_359 = vector.broadcast %broadcast_in_dim3A_358 : f32 to vector<16xf32>
        %parallel_loop3A = arith.constant 0 : i32
        %parallel_loop3A_360 = arith.constant 16 : i32
        %parallel_loop3A_361 = arith.constant 1 : i32
        %parallel_loop3A_362 = scf.for %parallel_loop3A_388 = %parallel_loop3A to %parallel_loop3A_360 step %parallel_loop3A_361 iter_args(%parallel_loop3A_389 = %broadcast_in_dim3A_359) -> (vector<16xf32>)  : i32 {
          %parallel_loop3A_390 = vector.broadcast %parallel_loop3A_388 : i32 to vector<16xi32>
          %parallel_loop3A_391 = arith.addi %parallel_loop3A_390, %iota3A : vector<16xi32>
          %parallel_loop3A_392 = arith.constant 15 : i32
          %parallel_loop3A_393 = vector.broadcast %parallel_loop3A_392 : i32 to vector<16xi32>
          %parallel_loop3A_394 = arith.andi %parallel_loop3A_391, %parallel_loop3A_393 : vector<16xi32>
          %parallel_loop3A_395 = arith.constant 0 : i32
          %parallel_loop3A_396 = vector.broadcast %parallel_loop3A_395 : i32 to vector<16xi32>
          %parallel_loop3A_397 = arith.addi %parallel_loop3A_396, %parallel_loop3A_394 : vector<16xi32>
          %parallel_loop3A_398 = tpu.vector_load_idx %arg8[%add3A_357, %parallel_loop3A_397] : memref<128x128xf32, #tpu.memory_space<vmem>>[vector<16xi32>, vector<16xi32>], vector<16xf32>,
          %parallel_loop3A_399 = arith.constant 8.000000e+00 : f32
          %parallel_loop3A_400 = vector.broadcast %parallel_loop3A_399 : f32 to vector<16xf32>
          %parallel_loop3A_401 = arith.mulf %parallel_loop3A_398, %parallel_loop3A_400 : vector<16xf32>
          %parallel_loop3A_402 = arith.constant 3 : i32
          %parallel_loop3A_403 = vector.broadcast %parallel_loop3A_402 : i32 to vector<16xi32>
          %parallel_loop3A_404 = arith.shrui %parallel_loop3A_397, %parallel_loop3A_403 : vector<16xi32>
          %parallel_loop3A_405 = arith.constant 7 : i32
          %parallel_loop3A_406 = vector.broadcast %parallel_loop3A_405 : i32 to vector<16xi32>
          %parallel_loop3A_407 = arith.andi %parallel_loop3A_397, %parallel_loop3A_406 : vector<16xi32>
          tpu.vector_store_idx %arg12[%parallel_loop3A_404, %parallel_loop3A_407, %add3A_357], %parallel_loop3A_401 : memref<8x8x128xf32, #tpu.memory_space<vmem>>[vector<16xi32>, vector<16xi32>, vector<16xi32>], vector<16xf32>,
          scf.yield %parallel_loop3A_401 : vector<16xf32>
        } {sc.loop_unroll_factor = 8 : i64, sc.parallel_access}
        %swap3A = arith.constant 0 : index
        %swap3A_363 = tpu.vector_load %arg14[%swap3A] {strides = array<i32>} : memref<16xf32, #tpu.memory_space<vmem>>, vector<16xf32>,
        tpu.vector_store %arg14[%swap3A], %parallel_loop3A_362 {strides = array<i32>} : memref<16xf32, #tpu.memory_space<vmem>>, vector<16xf32>,
        %broadcast_in_dim3A_364 = arith.constant 0.000000e+00 : f32
        %broadcast_in_dim3A_365 = vector.broadcast %broadcast_in_dim3A_364 : f32 to vector<16xf32>
        %parallel_loop3A_366 = arith.constant 0 : i32
        %parallel_loop3A_367 = arith.constant 16 : i32
        %parallel_loop3A_368 = arith.constant 1 : i32
        %parallel_loop3A_369 = scf.for %parallel_loop3A_388 = %parallel_loop3A_366 to %parallel_loop3A_367 step %parallel_loop3A_368 iter_args(%parallel_loop3A_389 = %broadcast_in_dim3A_365) -> (vector<16xf32>)  : i32 {
          %parallel_loop3A_390 = vector.broadcast %parallel_loop3A_388 : i32 to vector<16xi32>
          %parallel_loop3A_391 = arith.addi %parallel_loop3A_390, %iota3A : vector<16xi32>
          %parallel_loop3A_392 = arith.constant 15 : i32
          %parallel_loop3A_393 = vector.broadcast %parallel_loop3A_392 : i32 to vector<16xi32>
          %parallel_loop3A_394 = arith.andi %parallel_loop3A_391, %parallel_loop3A_393 : vector<16xi32>
          %parallel_loop3A_395 = arith.constant 16 : i32
          %parallel_loop3A_396 = vector.broadcast %parallel_loop3A_395 : i32 to vector<16xi32>
          %parallel_loop3A_397 = arith.addi %parallel_loop3A_396, %parallel_loop3A_394 : vector<16xi32>
          %parallel_loop3A_398 = tpu.vector_load_idx %arg8[%add3A_357, %parallel_loop3A_397] : memref<128x128xf32, #tpu.memory_space<vmem>>[vector<16xi32>, vector<16xi32>], vector<16xf32>,
          %parallel_loop3A_399 = arith.constant 8.000000e+00 : f32
          %parallel_loop3A_400 = vector.broadcast %parallel_loop3A_399 : f32 to vector<16xf32>
          %parallel_loop3A_401 = arith.mulf %parallel_loop3A_398, %parallel_loop3A_400 : vector<16xf32>
          %parallel_loop3A_402 = arith.constant 3 : i32
          %parallel_loop3A_403 = vector.broadcast %parallel_loop3A_402 : i32 to vector<16xi32>
          %parallel_loop3A_404 = arith.shrui %parallel_loop3A_397, %parallel_loop3A_403 : vector<16xi32>
          %parallel_loop3A_405 = arith.constant 7 : i32
          %parallel_loop3A_406 = vector.broadcast %parallel_loop3A_405 : i32 to vector<16xi32>
          %parallel_loop3A_407 = arith.andi %parallel_loop3A_397, %parallel_loop3A_406 : vector<16xi32>
          tpu.vector_store_idx %arg12[%parallel_loop3A_404, %parallel_loop3A_407, %add3A_357], %parallel_loop3A_401 : memref<8x8x128xf32, #tpu.memory_space<vmem>>[vector<16xi32>, vector<16xi32>, vector<16xi32>], vector<16xf32>,
          scf.yield %parallel_loop3A_401 : vector<16xf32>
        } {sc.loop_unroll_factor = 8 : i64, sc.parallel_access}
        %swap3A_370 = arith.constant 0 : index
        %swap3A_371 = tpu.vector_load %arg14[%swap3A_370] {strides = array<i32>} : memref<16xf32, #tpu.memory_space<vmem>>, vector<16xf32>,
        tpu.vector_store %arg14[%swap3A_370], %parallel_loop3A_369 {strides = array<i32>} : memref<16xf32, #tpu.memory_space<vmem>>, vector<16xf32>,
        %broadcast_in_dim3A_372 = arith.constant 0.000000e+00 : f32
        %broadcast_in_dim3A_373 = vector.broadcast %broadcast_in_dim3A_372 : f32 to vector<16xf32>
        %parallel_loop3A_374 = arith.constant 0 : i32
        %parallel_loop3A_375 = arith.constant 16 : i32
        %parallel_loop3A_376 = arith.constant 1 : i32
        %parallel_loop3A_377 = scf.for %parallel_loop3A_388 = %parallel_loop3A_374 to %parallel_loop3A_375 step %parallel_loop3A_376 iter_args(%parallel_loop3A_389 = %broadcast_in_dim3A_373) -> (vector<16xf32>)  : i32 {
          %parallel_loop3A_390 = vector.broadcast %parallel_loop3A_388 : i32 to vector<16xi32>
          %parallel_loop3A_391 = arith.addi %parallel_loop3A_390, %iota3A : vector<16xi32>
          %parallel_loop3A_392 = arith.constant 15 : i32
          %parallel_loop3A_393 = vector.broadcast %parallel_loop3A_392 : i32 to vector<16xi32>
          %parallel_loop3A_394 = arith.andi %parallel_loop3A_391, %parallel_loop3A_393 : vector<16xi32>
          %parallel_loop3A_395 = arith.constant 32 : i32
          %parallel_loop3A_396 = vector.broadcast %parallel_loop3A_395 : i32 to vector<16xi32>
          %parallel_loop3A_397 = arith.addi %parallel_loop3A_396, %parallel_loop3A_394 : vector<16xi32>
          %parallel_loop3A_398 = tpu.vector_load_idx %arg8[%add3A_357, %parallel_loop3A_397] : memref<128x128xf32, #tpu.memory_space<vmem>>[vector<16xi32>, vector<16xi32>], vector<16xf32>,
          %parallel_loop3A_399 = arith.constant 8.000000e+00 : f32
          %parallel_loop3A_400 = vector.broadcast %parallel_loop3A_399 : f32 to vector<16xf32>
          %parallel_loop3A_401 = arith.mulf %parallel_loop3A_398, %parallel_loop3A_400 : vector<16xf32>
          %parallel_loop3A_402 = arith.constant 3 : i32
          %parallel_loop3A_403 = vector.broadcast %parallel_loop3A_402 : i32 to vector<16xi32>
          %parallel_loop3A_404 = arith.shrui %parallel_loop3A_397, %parallel_loop3A_403 : vector<16xi32>
          %parallel_loop3A_405 = arith.constant 7 : i32
          %parallel_loop3A_406 = vector.broadcast %parallel_loop3A_405 : i32 to vector<16xi32>
          %parallel_loop3A_407 = arith.andi %parallel_loop3A_397, %parallel_loop3A_406 : vector<16xi32>
          tpu.vector_store_idx %arg12[%parallel_loop3A_404, %parallel_loop3A_407, %add3A_357], %parallel_loop3A_401 : memref<8x8x128xf32, #tpu.memory_space<vmem>>[vector<16xi32>, vector<16xi32>, vector<16xi32>], vector<16xf32>,
          scf.yield %parallel_loop3A_401 : vector<16xf32>
        } {sc.loop_unroll_factor = 8 : i64, sc.parallel_access}
        %swap3A_378 = arith.constant 0 : index
        %swap3A_379 = tpu.vector_load %arg14[%swap3A_378] {strides = array<i32>} : memref<16xf32, #tpu.memory_space<vmem>>, vector<16xf32>,
        tpu.vector_store %arg14[%swap3A_378], %parallel_loop3A_377 {strides = array<i32>} : memref<16xf32, #tpu.memory_space<vmem>>, vector<16xf32>,
        %broadcast_in_dim3A_380 = arith.constant 0.000000e+00 : f32
        %broadcast_in_dim3A_381 = vector.broadcast %broadcast_in_dim3A_380 : f32 to vector<16xf32>
        %parallel_loop3A_382 = arith.constant 0 : i32
        %parallel_loop3A_383 = arith.constant 16 : i32
        %parallel_loop3A_384 = arith.constant 1 : i32
        %parallel_loop3A_385 = scf.for %parallel_loop3A_388 = %parallel_loop3A_382 to %parallel_loop3A_383 step %parallel_loop3A_384 iter_args(%parallel_loop3A_389 = %broadcast_in_dim3A_381) -> (vector<16xf32>)  : i32 {
          %parallel_loop3A_390 = vector.broadcast %parallel_loop3A_388 : i32 to vector<16xi32>
          %parallel_loop3A_391 = arith.addi %parallel_loop3A_390, %iota3A : vector<16xi32>
          %parallel_loop3A_392 = arith.constant 15 : i32
          %parallel_loop3A_393 = vector.broadcast %parallel_loop3A_392 : i32 to vector<16xi32>
          %parallel_loop3A_394 = arith.andi %parallel_loop3A_391, %parallel_loop3A_393 : vector<16xi32>
          %parallel_loop3A_395 = arith.constant 48 : i32
          %parallel_loop3A_396 = vector.broadcast %parallel_loop3A_395 : i32 to vector<16xi32>
          %parallel_loop3A_397 = arith.addi %parallel_loop3A_396, %parallel_loop3A_394 : vector<16xi32>
          %parallel_loop3A_398 = tpu.vector_load_idx %arg8[%add3A_357, %parallel_loop3A_397] : memref<128x128xf32, #tpu.memory_space<vmem>>[vector<16xi32>, vector<16xi32>], vector<16xf32>,
          %parallel_loop3A_399 = arith.constant 8.000000e+00 : f32
          %parallel_loop3A_400 = vector.broadcast %parallel_loop3A_399 : f32 to vector<16xf32>
          %parallel_loop3A_401 = arith.mulf %parallel_loop3A_398, %parallel_loop3A_400 : vector<16xf32>
          %parallel_loop3A_402 = arith.constant 3 : i32
          %parallel_loop3A_403 = vector.broadcast %parallel_loop3A_402 : i32 to vector<16xi32>
          %parallel_loop3A_404 = arith.shrui %parallel_loop3A_397, %parallel_loop3A_403 : vector<16xi32>
          %parallel_loop3A_405 = arith.constant 7 : i32
          %parallel_loop3A_406 = vector.broadcast %parallel_loop3A_405 : i32 to vector<16xi32>
          %parallel_loop3A_407 = arith.andi %parallel_loop3A_397, %parallel_loop3A_406 : vector<16xi32>
          tpu.vector_store_idx %arg12[%parallel_loop3A_404, %parallel_loop3A_407, %add3A_357], %parallel_loop3A_401 : memref<8x8x128xf32, #tpu.memory_space<vmem>>[vector<16xi32>, vector<16xi32>, vector<16xi32>], vector<16xf32>,
          scf.yield %parallel_loop3A_401 : vector<16xf32>
        } {sc.loop_unroll_factor = 8 : i64, sc.parallel_access}
        %swap3A_386 = arith.constant 0 : index
        %swap3A_387 = tpu.vector_load %arg14[%swap3A_386] {strides = array<i32>} : memref<16xf32, #tpu.memory_space<vmem>>, vector<16xf32>,
        tpu.vector_store %arg14[%swap3A_386], %parallel_loop3A_385 {strides = array<i32>} : memref<16xf32, #tpu.memory_space<vmem>>, vector<16xf32>,
      }
      %scan3A_253 = arith.constant 8 : i32
      %add3A_254 = arith.constant 2 : i32
      %add3A_255 = arith.addi %mul3A_172, %add3A_254 : i32
      %dma_start3A_256 = arith.constant 0 : i32
      %dma_start3A_257 = arith.constant 0 : i32
      %dma_start3A_258 = arith.constant 0 : i32
      %dma_start3A_259 = tpu.memref_slice %arg4[%add3A_255, %dma_start3A_256, %add3A, %dma_start3A_257, %dma_start3A_258] : memref<200x8x32x8x128xf32, #tpu.memory_space<hbm>> -> memref<1x8x1x8x128xf32, #tpu.memory_space<hbm>>
      %dma_start3A_260 = tpu.memref_squeeze %dma_start3A_259 : memref<1x8x1x8x128xf32, #tpu.memory_space<hbm>> -> memref<8x8x128xf32, #tpu.memory_space<hbm>>
      %dma_start3A_261 = arith.constant 0 : i32
      %dma_start3A_262 = arith.constant 0 : i32
      %dma_start3A_263 = arith.constant 0 : i32
      %dma_start3A_264 = tpu.memref_slice %arg4[%add3A_255, %dma_start3A_261, %add3A, %dma_start3A_262, %dma_start3A_263] : memref<200x8x32x8x128xf32, #tpu.memory_space<hbm>> -> memref<1x8x1x8x128xf32, #tpu.memory_space<hbm>>
      %dma_start3A_265 = tpu.memref_squeeze %dma_start3A_264 : memref<1x8x1x8x128xf32, #tpu.memory_space<hbm>> -> memref<8x8x128xf32, #tpu.memory_space<hbm>>
      tpu.enqueue_dma source(%arg12 : memref<8x8x128xf32, #tpu.memory_space<vmem>>) target(%dma_start3A_265 : memref<8x8x128xf32, #tpu.memory_space<hbm>>) target_semaphore(%arg21 : memref<!tpu.dma_semaphore, #tpu.memory_space<semaphore_mem>>)
      %dma_wait3A_266 = arith.constant 0 : i32
      %dma_wait3A_267 = arith.constant 0 : i32
      %dma_wait3A_268 = arith.constant 0 : i32
      %dma_wait3A_269 = arith.constant 0 : i32
      %dma_wait3A_270 = tpu.memref_slice %arg4[%dma_wait3A_266, %dma_wait3A_267, %add3A, %dma_wait3A_268, %dma_wait3A_269] : memref<200x8x32x8x128xf32, #tpu.memory_space<hbm>> -> memref<1x8x1x8x128xf32, #tpu.memory_space<hbm>>
      %dma_wait3A_271 = tpu.memref_squeeze %dma_wait3A_270 : memref<1x8x1x8x128xf32, #tpu.memory_space<hbm>> -> memref<8x8x128xf32, #tpu.memory_space<hbm>>
      %dma_wait3A_272 = arith.constant 0 : i32
      %dma_wait3A_273 = arith.constant 0 : i32
      %dma_wait3A_274 = arith.constant 0 : i32
      %dma_wait3A_275 = tpu.memref_slice %arg4[%dma_wait3A_266, %dma_wait3A_272, %add3A, %dma_wait3A_273, %dma_wait3A_274] : memref<200x8x32x8x128xf32, #tpu.memory_space<hbm>> -> memref<1x8x1x8x128xf32, #tpu.memory_space<hbm>>
      %dma_wait3A_276 = tpu.memref_squeeze %dma_wait3A_275 : memref<1x8x1x8x128xf32, #tpu.memory_space<hbm>> -> memref<8x8x128xf32, #tpu.memory_space<hbm>>
      tpu.wait_dma2 semaphore(%arg20 : memref<!tpu.dma_semaphore, #tpu.memory_space<semaphore_mem>>) src(%arg11 : memref<8x8x128xf32, #tpu.memory_space<vmem>>) dst(%dma_wait3A_276 : memref<8x8x128xf32, #tpu.memory_space<hbm>>)
      %add3A_277 = arith.constant 4 : i32
      %add3A_278 = arith.addi %mul3A_172, %add3A_277 : i32
      %add3A_279 = arith.constant 1 : i32
      %add3A_280 = arith.addi %add3A_278, %add3A_279 : i32
      %dma_start3A_281 = arith.constant 0 : i32
      %dma_start3A_282 = tpu.memref_slice %arg5[%add3A_280, %dma_start3A_281] : memref<200x128xi32, #tpu.memory_space<vmem>> -> memref<1x128xi32, #tpu.memory_space<vmem>>
      %dma_start3A_283 = tpu.memref_squeeze %dma_start3A_282 : memref<1x128xi32, #tpu.memory_space<vmem>> -> memref<128xi32, #tpu.memory_space<vmem>>
      %dma_start3A_284 = arith.constant 0 : i32
      %dma_start3A_285 = arith.constant 0 : i32
      %dma_start3A_286 = tpu.memref_slice %arg3[%dma_start3A_284, %dma_start3A_285] : memref<1000000x128xf32, #tpu.memory_space<hbm>> -> memref<1000000x128xf32, #tpu.memory_space<hbm>>
      tpu.enqueue_indirect_dma source(%dma_start3A_286 : memref<1000000x128xf32, #tpu.memory_space<hbm>>) target(%arg7 : memref<128x128xf32, #tpu.memory_space<vmem>>) offsets(%dma_start3A_283 : memref<128xi32, #tpu.memory_space<vmem>>) semaphore(%arg16 : memref<!tpu.dma_semaphore, #tpu.memory_space<semaphore_mem>>)
      %dma_wait3A_287 = arith.constant 0 : i32
      %dma_wait3A_288 = arith.constant 0 : i32
      %dma_wait3A_289 = tpu.memref_slice %arg5[%dma_wait3A_287, %dma_wait3A_288] : memref<200x128xi32, #tpu.memory_space<vmem>> -> memref<1x128xi32, #tpu.memory_space<vmem>>
      %dma_wait3A_290 = tpu.memref_squeeze %dma_wait3A_289 : memref<1x128xi32, #tpu.memory_space<vmem>> -> memref<128xi32, #tpu.memory_space<vmem>>
      %dma_wait3A_291 = arith.constant 0 : i32
      %dma_wait3A_292 = arith.constant 0 : i32
      %dma_wait3A_293 = tpu.memref_slice %arg3[%dma_wait3A_291, %dma_wait3A_292] : memref<1000000x128xf32, #tpu.memory_space<hbm>> -> memref<1000000x128xf32, #tpu.memory_space<hbm>>
      tpu.wait_indirect_dma semaphore(%arg18 : memref<!tpu.dma_semaphore, #tpu.memory_space<semaphore_mem>>) src(%dma_wait3A_293 : memref<1000000x128xf32, #tpu.memory_space<hbm>>) dst(%arg9 : memref<128x128xf32, #tpu.memory_space<vmem>>)
      %scan3A_294 = arith.constant 0 : i32
      %scan3A_295 = arith.constant 8 : i32
      %scan3A_296 = arith.addi %scan3A_294, %scan3A_295 : i32
      %scan3A_297 = arith.constant 1 : i32
      scf.for %scan3A_353 = %scan3A_294 to %scan3A_296 step %scan3A_297  : i32 {
        %mul3A_354 = arith.constant 16 : i32
        %mul3A_355 = arith.muli %mul3A_354, %scan3A_353 : i32
        %add3A_356 = vector.broadcast %mul3A_355 : i32 to vector<16xi32>
        %add3A_357 = arith.addi %add3A_356, %iota3A : vector<16xi32>
        %broadcast_in_dim3A_358 = arith.constant 0.000000e+00 : f32
        %broadcast_in_dim3A_359 = vector.broadcast %broadcast_in_dim3A_358 : f32 to vector<16xf32>
        %parallel_loop3A = arith.constant 0 : i32
        %parallel_loop3A_360 = arith.constant 16 : i32
        %parallel_loop3A_361 = arith.constant 1 : i32
        %parallel_loop3A_362 = scf.for %parallel_loop3A_388 = %parallel_loop3A to %parallel_loop3A_360 step %parallel_loop3A_361 iter_args(%parallel_loop3A_389 = %broadcast_in_dim3A_359) -> (vector<16xf32>)  : i32 {
          %parallel_loop3A_390 = vector.broadcast %parallel_loop3A_388 : i32 to vector<16xi32>
          %parallel_loop3A_391 = arith.addi %parallel_loop3A_390, %iota3A : vector<16xi32>
          %parallel_loop3A_392 = arith.constant 15 : i32
          %parallel_loop3A_393 = vector.broadcast %parallel_loop3A_392 : i32 to vector<16xi32>
          %parallel_loop3A_394 = arith.andi %parallel_loop3A_391, %parallel_loop3A_393 : vector<16xi32>
          %parallel_loop3A_395 = arith.constant 0 : i32
          %parallel_loop3A_396 = vector.broadcast %parallel_loop3A_395 : i32 to vector<16xi32>
          %parallel_loop3A_397 = arith.addi %parallel_loop3A_396, %parallel_loop3A_394 : vector<16xi32>
          %parallel_loop3A_398 = tpu.vector_load_idx %arg9[%add3A_357, %parallel_loop3A_397] : memref<128x128xf32, #tpu.memory_space<vmem>>[vector<16xi32>, vector<16xi32>], vector<16xf32>,
          %parallel_loop3A_399 = arith.constant 8.000000e+00 : f32
          %parallel_loop3A_400 = vector.broadcast %parallel_loop3A_399 : f32 to vector<16xf32>
          %parallel_loop3A_401 = arith.mulf %parallel_loop3A_398, %parallel_loop3A_400 : vector<16xf32>
          %parallel_loop3A_402 = arith.constant 3 : i32
          %parallel_loop3A_403 = vector.broadcast %parallel_loop3A_402 : i32 to vector<16xi32>
          %parallel_loop3A_404 = arith.shrui %parallel_loop3A_397, %parallel_loop3A_403 : vector<16xi32>
          %parallel_loop3A_405 = arith.constant 7 : i32
          %parallel_loop3A_406 = vector.broadcast %parallel_loop3A_405 : i32 to vector<16xi32>
          %parallel_loop3A_407 = arith.andi %parallel_loop3A_397, %parallel_loop3A_406 : vector<16xi32>
          tpu.vector_store_idx %arg13[%parallel_loop3A_404, %parallel_loop3A_407, %add3A_357], %parallel_loop3A_401 : memref<8x8x128xf32, #tpu.memory_space<vmem>>[vector<16xi32>, vector<16xi32>, vector<16xi32>], vector<16xf32>,
          scf.yield %parallel_loop3A_401 : vector<16xf32>
        } {sc.loop_unroll_factor = 8 : i64, sc.parallel_access}
        %swap3A = arith.constant 0 : index
        %swap3A_363 = tpu.vector_load %arg14[%swap3A] {strides = array<i32>} : memref<16xf32, #tpu.memory_space<vmem>>, vector<16xf32>,
        tpu.vector_store %arg14[%swap3A], %parallel_loop3A_362 {strides = array<i32>} : memref<16xf32, #tpu.memory_space<vmem>>, vector<16xf32>,
        %broadcast_in_dim3A_364 = arith.constant 0.000000e+00 : f32
        %broadcast_in_dim3A_365 = vector.broadcast %broadcast_in_dim3A_364 : f32 to vector<16xf32>
        %parallel_loop3A_366 = arith.constant 0 : i32
        %parallel_loop3A_367 = arith.constant 16 : i32
        %parallel_loop3A_368 = arith.constant 1 : i32
        %parallel_loop3A_369 = scf.for %parallel_loop3A_388 = %parallel_loop3A_366 to %parallel_loop3A_367 step %parallel_loop3A_368 iter_args(%parallel_loop3A_389 = %broadcast_in_dim3A_365) -> (vector<16xf32>)  : i32 {
          %parallel_loop3A_390 = vector.broadcast %parallel_loop3A_388 : i32 to vector<16xi32>
          %parallel_loop3A_391 = arith.addi %parallel_loop3A_390, %iota3A : vector<16xi32>
          %parallel_loop3A_392 = arith.constant 15 : i32
          %parallel_loop3A_393 = vector.broadcast %parallel_loop3A_392 : i32 to vector<16xi32>
          %parallel_loop3A_394 = arith.andi %parallel_loop3A_391, %parallel_loop3A_393 : vector<16xi32>
          %parallel_loop3A_395 = arith.constant 16 : i32
          %parallel_loop3A_396 = vector.broadcast %parallel_loop3A_395 : i32 to vector<16xi32>
          %parallel_loop3A_397 = arith.addi %parallel_loop3A_396, %parallel_loop3A_394 : vector<16xi32>
          %parallel_loop3A_398 = tpu.vector_load_idx %arg9[%add3A_357, %parallel_loop3A_397] : memref<128x128xf32, #tpu.memory_space<vmem>>[vector<16xi32>, vector<16xi32>], vector<16xf32>,
          %parallel_loop3A_399 = arith.constant 8.000000e+00 : f32
          %parallel_loop3A_400 = vector.broadcast %parallel_loop3A_399 : f32 to vector<16xf32>
          %parallel_loop3A_401 = arith.mulf %parallel_loop3A_398, %parallel_loop3A_400 : vector<16xf32>
          %parallel_loop3A_402 = arith.constant 3 : i32
          %parallel_loop3A_403 = vector.broadcast %parallel_loop3A_402 : i32 to vector<16xi32>
          %parallel_loop3A_404 = arith.shrui %parallel_loop3A_397, %parallel_loop3A_403 : vector<16xi32>
          %parallel_loop3A_405 = arith.constant 7 : i32
          %parallel_loop3A_406 = vector.broadcast %parallel_loop3A_405 : i32 to vector<16xi32>
          %parallel_loop3A_407 = arith.andi %parallel_loop3A_397, %parallel_loop3A_406 : vector<16xi32>
          tpu.vector_store_idx %arg13[%parallel_loop3A_404, %parallel_loop3A_407, %add3A_357], %parallel_loop3A_401 : memref<8x8x128xf32, #tpu.memory_space<vmem>>[vector<16xi32>, vector<16xi32>, vector<16xi32>], vector<16xf32>,
          scf.yield %parallel_loop3A_401 : vector<16xf32>
        } {sc.loop_unroll_factor = 8 : i64, sc.parallel_access}
        %swap3A_370 = arith.constant 0 : index
        %swap3A_371 = tpu.vector_load %arg14[%swap3A_370] {strides = array<i32>} : memref<16xf32, #tpu.memory_space<vmem>>, vector<16xf32>,
        tpu.vector_store %arg14[%swap3A_370], %parallel_loop3A_369 {strides = array<i32>} : memref<16xf32, #tpu.memory_space<vmem>>, vector<16xf32>,
        %broadcast_in_dim3A_372 = arith.constant 0.000000e+00 : f32
        %broadcast_in_dim3A_373 = vector.broadcast %broadcast_in_dim3A_372 : f32 to vector<16xf32>
        %parallel_loop3A_374 = arith.constant 0 : i32
        %parallel_loop3A_375 = arith.constant 16 : i32
        %parallel_loop3A_376 = arith.constant 1 : i32
        %parallel_loop3A_377 = scf.for %parallel_loop3A_388 = %parallel_loop3A_374 to %parallel_loop3A_375 step %parallel_loop3A_376 iter_args(%parallel_loop3A_389 = %broadcast_in_dim3A_373) -> (vector<16xf32>)  : i32 {
          %parallel_loop3A_390 = vector.broadcast %parallel_loop3A_388 : i32 to vector<16xi32>
          %parallel_loop3A_391 = arith.addi %parallel_loop3A_390, %iota3A : vector<16xi32>
          %parallel_loop3A_392 = arith.constant 15 : i32
          %parallel_loop3A_393 = vector.broadcast %parallel_loop3A_392 : i32 to vector<16xi32>
          %parallel_loop3A_394 = arith.andi %parallel_loop3A_391, %parallel_loop3A_393 : vector<16xi32>
          %parallel_loop3A_395 = arith.constant 32 : i32
          %parallel_loop3A_396 = vector.broadcast %parallel_loop3A_395 : i32 to vector<16xi32>
          %parallel_loop3A_397 = arith.addi %parallel_loop3A_396, %parallel_loop3A_394 : vector<16xi32>
          %parallel_loop3A_398 = tpu.vector_load_idx %arg9[%add3A_357, %parallel_loop3A_397] : memref<128x128xf32, #tpu.memory_space<vmem>>[vector<16xi32>, vector<16xi32>], vector<16xf32>,
          %parallel_loop3A_399 = arith.constant 8.000000e+00 : f32
          %parallel_loop3A_400 = vector.broadcast %parallel_loop3A_399 : f32 to vector<16xf32>
          %parallel_loop3A_401 = arith.mulf %parallel_loop3A_398, %parallel_loop3A_400 : vector<16xf32>
          %parallel_loop3A_402 = arith.constant 3 : i32
          %parallel_loop3A_403 = vector.broadcast %parallel_loop3A_402 : i32 to vector<16xi32>
          %parallel_loop3A_404 = arith.shrui %parallel_loop3A_397, %parallel_loop3A_403 : vector<16xi32>
          %parallel_loop3A_405 = arith.constant 7 : i32
          %parallel_loop3A_406 = vector.broadcast %parallel_loop3A_405 : i32 to vector<16xi32>
          %parallel_loop3A_407 = arith.andi %parallel_loop3A_397, %parallel_loop3A_406 : vector<16xi32>
          tpu.vector_store_idx %arg13[%parallel_loop3A_404, %parallel_loop3A_407, %add3A_357], %parallel_loop3A_401 : memref<8x8x128xf32, #tpu.memory_space<vmem>>[vector<16xi32>, vector<16xi32>, vector<16xi32>], vector<16xf32>,
          scf.yield %parallel_loop3A_401 : vector<16xf32>
        } {sc.loop_unroll_factor = 8 : i64, sc.parallel_access}
        %swap3A_378 = arith.constant 0 : index
        %swap3A_379 = tpu.vector_load %arg14[%swap3A_378] {strides = array<i32>} : memref<16xf32, #tpu.memory_space<vmem>>, vector<16xf32>,
        tpu.vector_store %arg14[%swap3A_378], %parallel_loop3A_377 {strides = array<i32>} : memref<16xf32, #tpu.memory_space<vmem>>, vector<16xf32>,
        %broadcast_in_dim3A_380 = arith.constant 0.000000e+00 : f32
        %broadcast_in_dim3A_381 = vector.broadcast %broadcast_in_dim3A_380 : f32 to vector<16xf32>
        %parallel_loop3A_382 = arith.constant 0 : i32
        %parallel_loop3A_383 = arith.constant 16 : i32
        %parallel_loop3A_384 = arith.constant 1 : i32
        %parallel_loop3A_385 = scf.for %parallel_loop3A_388 = %parallel_loop3A_382 to %parallel_loop3A_383 step %parallel_loop3A_384 iter_args(%parallel_loop3A_389 = %broadcast_in_dim3A_381) -> (vector<16xf32>)  : i32 {
          %parallel_loop3A_390 = vector.broadcast %parallel_loop3A_388 : i32 to vector<16xi32>
          %parallel_loop3A_391 = arith.addi %parallel_loop3A_390, %iota3A : vector<16xi32>
          %parallel_loop3A_392 = arith.constant 15 : i32
          %parallel_loop3A_393 = vector.broadcast %parallel_loop3A_392 : i32 to vector<16xi32>
          %parallel_loop3A_394 = arith.andi %parallel_loop3A_391, %parallel_loop3A_393 : vector<16xi32>
          %parallel_loop3A_395 = arith.constant 48 : i32
          %parallel_loop3A_396 = vector.broadcast %parallel_loop3A_395 : i32 to vector<16xi32>
          %parallel_loop3A_397 = arith.addi %parallel_loop3A_396, %parallel_loop3A_394 : vector<16xi32>
          %parallel_loop3A_398 = tpu.vector_load_idx %arg9[%add3A_357, %parallel_loop3A_397] : memref<128x128xf32, #tpu.memory_space<vmem>>[vector<16xi32>, vector<16xi32>], vector<16xf32>,
          %parallel_loop3A_399 = arith.constant 8.000000e+00 : f32
          %parallel_loop3A_400 = vector.broadcast %parallel_loop3A_399 : f32 to vector<16xf32>
          %parallel_loop3A_401 = arith.mulf %parallel_loop3A_398, %parallel_loop3A_400 : vector<16xf32>
          %parallel_loop3A_402 = arith.constant 3 : i32
          %parallel_loop3A_403 = vector.broadcast %parallel_loop3A_402 : i32 to vector<16xi32>
          %parallel_loop3A_404 = arith.shrui %parallel_loop3A_397, %parallel_loop3A_403 : vector<16xi32>
          %parallel_loop3A_405 = arith.constant 7 : i32
          %parallel_loop3A_406 = vector.broadcast %parallel_loop3A_405 : i32 to vector<16xi32>
          %parallel_loop3A_407 = arith.andi %parallel_loop3A_397, %parallel_loop3A_406 : vector<16xi32>
          tpu.vector_store_idx %arg13[%parallel_loop3A_404, %parallel_loop3A_407, %add3A_357], %parallel_loop3A_401 : memref<8x8x128xf32, #tpu.memory_space<vmem>>[vector<16xi32>, vector<16xi32>, vector<16xi32>], vector<16xf32>,
          scf.yield %parallel_loop3A_401 : vector<16xf32>
        } {sc.loop_unroll_factor = 8 : i64, sc.parallel_access}
        %swap3A_386 = arith.constant 0 : index
        %swap3A_387 = tpu.vector_load %arg14[%swap3A_386] {strides = array<i32>} : memref<16xf32, #tpu.memory_space<vmem>>, vector<16xf32>,
        tpu.vector_store %arg14[%swap3A_386], %parallel_loop3A_385 {strides = array<i32>} : memref<16xf32, #tpu.memory_space<vmem>>, vector<16xf32>,
      }
      %scan3A_298 = arith.constant 8 : i32
      %add3A_299 = arith.constant 3 : i32
      %add3A_300 = arith.addi %mul3A_172, %add3A_299 : i32
      %dma_start3A_301 = arith.constant 0 : i32
      %dma_start3A_302 = arith.constant 0 : i32
      %dma_start3A_303 = arith.constant 0 : i32
      %dma_start3A_304 = tpu.memref_slice %arg4[%add3A_300, %dma_start3A_301, %add3A, %dma_start3A_302, %dma_start3A_303] : memref<200x8x32x8x128xf32, #tpu.memory_space<hbm>> -> memref<1x8x1x8x128xf32, #tpu.memory_space<hbm>>
      %dma_start3A_305 = tpu.memref_squeeze %dma_start3A_304 : memref<1x8x1x8x128xf32, #tpu.memory_space<hbm>> -> memref<8x8x128xf32, #tpu.memory_space<hbm>>
      %dma_start3A_306 = arith.constant 0 : i32
      %dma_start3A_307 = arith.constant 0 : i32
      %dma_start3A_308 = arith.constant 0 : i32
      %dma_start3A_309 = tpu.memref_slice %arg4[%add3A_300, %dma_start3A_306, %add3A, %dma_start3A_307, %dma_start3A_308] : memref<200x8x32x8x128xf32, #tpu.memory_space<hbm>> -> memref<1x8x1x8x128xf32, #tpu.memory_space<hbm>>
      %dma_start3A_310 = tpu.memref_squeeze %dma_start3A_309 : memref<1x8x1x8x128xf32, #tpu.memory_space<hbm>> -> memref<8x8x128xf32, #tpu.memory_space<hbm>>
      tpu.enqueue_dma source(%arg13 : memref<8x8x128xf32, #tpu.memory_space<vmem>>) target(%dma_start3A_310 : memref<8x8x128xf32, #tpu.memory_space<hbm>>) target_semaphore(%arg22 : memref<!tpu.dma_semaphore, #tpu.memory_space<semaphore_mem>>)
      %dma_wait3A_311 = arith.constant 0 : i32
      %dma_wait3A_312 = arith.constant 0 : i32
      %dma_wait3A_313 = arith.constant 0 : i32
      %dma_wait3A_314 = arith.constant 0 : i32
      %dma_wait3A_315 = tpu.memref_slice %arg4[%dma_wait3A_311, %dma_wait3A_312, %add3A, %dma_wait3A_313, %dma_wait3A_314] : memref<200x8x32x8x128xf32, #tpu.memory_space<hbm>> -> memref<1x8x1x8x128xf32, #tpu.memory_space<hbm>>
      %dma_wait3A_316 = tpu.memref_squeeze %dma_wait3A_315 : memref<1x8x1x8x128xf32, #tpu.memory_space<hbm>> -> memref<8x8x128xf32, #tpu.memory_space<hbm>>
      %dma_wait3A_317 = arith.constant 0 : i32
      %dma_wait3A_318 = arith.constant 0 : i32
      %dma_wait3A_319 = arith.constant 0 : i32
      %dma_wait3A_320 = tpu.memref_slice %arg4[%dma_wait3A_311, %dma_wait3A_317, %add3A, %dma_wait3A_318, %dma_wait3A_319] : memref<200x8x32x8x128xf32, #tpu.memory_space<hbm>> -> memref<1x8x1x8x128xf32, #tpu.memory_space<hbm>>
      %dma_wait3A_321 = tpu.memref_squeeze %dma_wait3A_320 : memref<1x8x1x8x128xf32, #tpu.memory_space<hbm>> -> memref<8x8x128xf32, #tpu.memory_space<hbm>>
      tpu.wait_dma2 semaphore(%arg21 : memref<!tpu.dma_semaphore, #tpu.memory_space<semaphore_mem>>) src(%arg12 : memref<8x8x128xf32, #tpu.memory_space<vmem>>) dst(%dma_wait3A_321 : memref<8x8x128xf32, #tpu.memory_space<hbm>>)
      %add3A_322 = arith.constant 4 : i32
      %add3A_323 = arith.addi %mul3A_172, %add3A_322 : i32
      %add3A_324 = arith.constant 2 : i32
      %add3A_325 = arith.addi %add3A_323, %add3A_324 : i32
      %dma_start3A_326 = arith.constant 0 : i32
      %dma_start3A_327 = tpu.memref_slice %arg5[%add3A_325, %dma_start3A_326] : memref<200x128xi32, #tpu.memory_space<vmem>> -> memref<1x128xi32, #tpu.memory_space<vmem>>
      %dma_start3A_328 = tpu.memref_squeeze %dma_start3A_327 : memref<1x128xi32, #tpu.memory_space<vmem>> -> memref<128xi32, #tpu.memory_space<vmem>>
      %dma_start3A_329 = arith.constant 0 : i32
      %dma_start3A_330 = arith.constant 0 : i32
      %dma_start3A_331 = tpu.memref_slice %arg3[%dma_start3A_329, %dma_start3A_330] : memref<1000000x128xf32, #tpu.memory_space<hbm>> -> memref<1000000x128xf32, #tpu.memory_space<hbm>>
      tpu.enqueue_indirect_dma source(%dma_start3A_331 : memref<1000000x128xf32, #tpu.memory_space<hbm>>) target(%arg8 : memref<128x128xf32, #tpu.memory_space<vmem>>) offsets(%dma_start3A_328 : memref<128xi32, #tpu.memory_space<vmem>>) semaphore(%arg17 : memref<!tpu.dma_semaphore, #tpu.memory_space<semaphore_mem>>)
      %dma_wait3A_332 = arith.constant 0 : i32
      %dma_wait3A_333 = arith.constant 0 : i32
      %dma_wait3A_334 = arith.constant 0 : i32
      %dma_wait3A_335 = arith.constant 0 : i32
      %dma_wait3A_336 = tpu.memref_slice %arg4[%dma_wait3A_332, %dma_wait3A_333, %add3A, %dma_wait3A_334, %dma_wait3A_335] : memref<200x8x32x8x128xf32, #tpu.memory_space<hbm>> -> memref<1x8x1x8x128xf32, #tpu.memory_space<hbm>>
      %dma_wait3A_337 = tpu.memref_squeeze %dma_wait3A_336 : memref<1x8x1x8x128xf32, #tpu.memory_space<hbm>> -> memref<8x8x128xf32, #tpu.memory_space<hbm>>
      %dma_wait3A_338 = arith.constant 0 : i32
      %dma_wait3A_339 = arith.constant 0 : i32
      %dma_wait3A_340 = arith.constant 0 : i32
      %dma_wait3A_341 = tpu.memref_slice %arg4[%dma_wait3A_332, %dma_wait3A_338, %add3A, %dma_wait3A_339, %dma_wait3A_340] : memref<200x8x32x8x128xf32, #tpu.memory_space<hbm>> -> memref<1x8x1x8x128xf32, #tpu.memory_space<hbm>>
      %dma_wait3A_342 = tpu.memref_squeeze %dma_wait3A_341 : memref<1x8x1x8x128xf32, #tpu.memory_space<hbm>> -> memref<8x8x128xf32, #tpu.memory_space<hbm>>
      tpu.wait_dma2 semaphore(%arg22 : memref<!tpu.dma_semaphore, #tpu.memory_space<semaphore_mem>>) src(%arg13 : memref<8x8x128xf32, #tpu.memory_space<vmem>>) dst(%dma_wait3A_342 : memref<8x8x128xf32, #tpu.memory_space<hbm>>)
      %add3A_343 = arith.constant 4 : i32
      %add3A_344 = arith.addi %mul3A_172, %add3A_343 : i32
      %add3A_345 = arith.constant 3 : i32
      %add3A_346 = arith.addi %add3A_344, %add3A_345 : i32
      %dma_start3A_347 = arith.constant 0 : i32
      %dma_start3A_348 = tpu.memref_slice %arg5[%add3A_346, %dma_start3A_347] : memref<200x128xi32, #tpu.memory_space<vmem>> -> memref<1x128xi32, #tpu.memory_space<vmem>>
      %dma_start3A_349 = tpu.memref_squeeze %dma_start3A_348 : memref<1x128xi32, #tpu.memory_space<vmem>> -> memref<128xi32, #tpu.memory_space<vmem>>
      %dma_start3A_350 = arith.constant 0 : i32
      %dma_start3A_351 = arith.constant 0 : i32
      %dma_start3A_352 = tpu.memref_slice %arg3[%dma_start3A_350, %dma_start3A_351] : memref<1000000x128xf32, #tpu.memory_space<hbm>> -> memref<1000000x128xf32, #tpu.memory_space<hbm>>
      tpu.enqueue_indirect_dma source(%dma_start3A_352 : memref<1000000x128xf32, #tpu.memory_space<hbm>>) target(%arg9 : memref<128x128xf32, #tpu.memory_space<vmem>>) offsets(%dma_start3A_349 : memref<128xi32, #tpu.memory_space<vmem>>) semaphore(%arg18 : memref<!tpu.dma_semaphore, #tpu.memory_space<semaphore_mem>>)
    }
    %scan3A_34 = arith.constant 49 : i32
    %dma_wait3A = arith.constant 0 : i32
    %dma_wait3A_35 = arith.constant 0 : i32
    %dma_wait3A_36 = tpu.memref_slice %arg5[%dma_wait3A, %dma_wait3A_35] : memref<200x128xi32, #tpu.memory_space<vmem>> -> memref<1x128xi32, #tpu.memory_space<vmem>>
    %dma_wait3A_37 = tpu.memref_squeeze %dma_wait3A_36 : memref<1x128xi32, #tpu.memory_space<vmem>> -> memref<128xi32, #tpu.memory_space<vmem>>
    %dma_wait3A_38 = arith.constant 0 : i32
    %dma_wait3A_39 = arith.constant 0 : i32
    %dma_wait3A_40 = tpu.memref_slice %arg3[%dma_wait3A_38, %dma_wait3A_39] : memref<1000000x128xf32, #tpu.memory_space<hbm>> -> memref<1000000x128xf32, #tpu.memory_space<hbm>>
    tpu.wait_indirect_dma semaphore(%arg15 : memref<!tpu.dma_semaphore, #tpu.memory_space<semaphore_mem>>) src(%dma_wait3A_40 : memref<1000000x128xf32, #tpu.memory_space<hbm>>) dst(%arg6 : memref<128x128xf32, #tpu.memory_space<vmem>>)
    %scan3A_41 = arith.constant 0 : i32
    %scan3A_42 = arith.constant 8 : i32
    %scan3A_43 = arith.addi %scan3A_41, %scan3A_42 : i32
    %scan3A_44 = arith.constant 1 : i32
    scf.for %scan3A_170 = %scan3A_41 to %scan3A_43 step %scan3A_44  : i32 {
      %mul3A_171 = arith.constant 16 : i32
      %mul3A_172 = arith.muli %mul3A_171, %scan3A_170 : i32
      %add3A_173 = vector.broadcast %mul3A_172 : i32 to vector<16xi32>
      %add3A_174 = arith.addi %add3A_173, %iota3A : vector<16xi32>
      %broadcast_in_dim3A_175 = arith.constant 0.000000e+00 : f32
      %broadcast_in_dim3A_176 = vector.broadcast %broadcast_in_dim3A_175 : f32 to vector<16xf32>
      %parallel_loop3A = arith.constant 0 : i32
      %parallel_loop3A_177 = arith.constant 16 : i32
      %parallel_loop3A_178 = arith.constant 1 : i32
      %parallel_loop3A_179 = scf.for %parallel_loop3A_205 = %parallel_loop3A to %parallel_loop3A_177 step %parallel_loop3A_178 iter_args(%parallel_loop3A_206 = %broadcast_in_dim3A_176) -> (vector<16xf32>)  : i32 {
        %parallel_loop3A_207 = vector.broadcast %parallel_loop3A_205 : i32 to vector<16xi32>
        %parallel_loop3A_208 = arith.addi %parallel_loop3A_207, %iota3A : vector<16xi32>
        %parallel_loop3A_209 = arith.constant 15 : i32
        %parallel_loop3A_210 = vector.broadcast %parallel_loop3A_209 : i32 to vector<16xi32>
        %parallel_loop3A_211 = arith.andi %parallel_loop3A_208, %parallel_loop3A_210 : vector<16xi32>
        %parallel_loop3A_212 = arith.constant 0 : i32
        %parallel_loop3A_213 = vector.broadcast %parallel_loop3A_212 : i32 to vector<16xi32>
        %parallel_loop3A_214 = arith.addi %parallel_loop3A_213, %parallel_loop3A_211 : vector<16xi32>
        %parallel_loop3A_215 = tpu.vector_load_idx %arg6[%add3A_174, %parallel_loop3A_214] : memref<128x128xf32, #tpu.memory_space<vmem>>[vector<16xi32>, vector<16xi32>], vector<16xf32>,
        %parallel_loop3A_216 = arith.constant 8.000000e+00 : f32
        %parallel_loop3A_217 = vector.broadcast %parallel_loop3A_216 : f32 to vector<16xf32>
        %parallel_loop3A_218 = arith.mulf %parallel_loop3A_215, %parallel_loop3A_217 : vector<16xf32>
        %parallel_loop3A_219 = arith.constant 3 : i32
        %parallel_loop3A_220 = vector.broadcast %parallel_loop3A_219 : i32 to vector<16xi32>
        %parallel_loop3A_221 = arith.shrui %parallel_loop3A_214, %parallel_loop3A_220 : vector<16xi32>
        %parallel_loop3A_222 = arith.constant 7 : i32
        %parallel_loop3A_223 = vector.broadcast %parallel_loop3A_222 : i32 to vector<16xi32>
        %parallel_loop3A_224 = arith.andi %parallel_loop3A_214, %parallel_loop3A_223 : vector<16xi32>
        tpu.vector_store_idx %arg10[%parallel_loop3A_221, %parallel_loop3A_224, %add3A_174], %parallel_loop3A_218 : memref<8x8x128xf32, #tpu.memory_space<vmem>>[vector<16xi32>, vector<16xi32>, vector<16xi32>], vector<16xf32>,
        scf.yield %parallel_loop3A_218 : vector<16xf32>
      } {sc.loop_unroll_factor = 8 : i64, sc.parallel_access}
      %swap3A = arith.constant 0 : index
      %swap3A_180 = tpu.vector_load %arg14[%swap3A] {strides = array<i32>} : memref<16xf32, #tpu.memory_space<vmem>>, vector<16xf32>,
      tpu.vector_store %arg14[%swap3A], %parallel_loop3A_179 {strides = array<i32>} : memref<16xf32, #tpu.memory_space<vmem>>, vector<16xf32>,
      %broadcast_in_dim3A_181 = arith.constant 0.000000e+00 : f32
      %broadcast_in_dim3A_182 = vector.broadcast %broadcast_in_dim3A_181 : f32 to vector<16xf32>
      %parallel_loop3A_183 = arith.constant 0 : i32
      %parallel_loop3A_184 = arith.constant 16 : i32
      %parallel_loop3A_185 = arith.constant 1 : i32
      %parallel_loop3A_186 = scf.for %parallel_loop3A_205 = %parallel_loop3A_183 to %parallel_loop3A_184 step %parallel_loop3A_185 iter_args(%parallel_loop3A_206 = %broadcast_in_dim3A_182) -> (vector<16xf32>)  : i32 {
        %parallel_loop3A_207 = vector.broadcast %parallel_loop3A_205 : i32 to vector<16xi32>
        %parallel_loop3A_208 = arith.addi %parallel_loop3A_207, %iota3A : vector<16xi32>
        %parallel_loop3A_209 = arith.constant 15 : i32
        %parallel_loop3A_210 = vector.broadcast %parallel_loop3A_209 : i32 to vector<16xi32>
        %parallel_loop3A_211 = arith.andi %parallel_loop3A_208, %parallel_loop3A_210 : vector<16xi32>
        %parallel_loop3A_212 = arith.constant 16 : i32
        %parallel_loop3A_213 = vector.broadcast %parallel_loop3A_212 : i32 to vector<16xi32>
        %parallel_loop3A_214 = arith.addi %parallel_loop3A_213, %parallel_loop3A_211 : vector<16xi32>
        %parallel_loop3A_215 = tpu.vector_load_idx %arg6[%add3A_174, %parallel_loop3A_214] : memref<128x128xf32, #tpu.memory_space<vmem>>[vector<16xi32>, vector<16xi32>], vector<16xf32>,
        %parallel_loop3A_216 = arith.constant 8.000000e+00 : f32
        %parallel_loop3A_217 = vector.broadcast %parallel_loop3A_216 : f32 to vector<16xf32>
        %parallel_loop3A_218 = arith.mulf %parallel_loop3A_215, %parallel_loop3A_217 : vector<16xf32>
        %parallel_loop3A_219 = arith.constant 3 : i32
        %parallel_loop3A_220 = vector.broadcast %parallel_loop3A_219 : i32 to vector<16xi32>
        %parallel_loop3A_221 = arith.shrui %parallel_loop3A_214, %parallel_loop3A_220 : vector<16xi32>
        %parallel_loop3A_222 = arith.constant 7 : i32
        %parallel_loop3A_223 = vector.broadcast %parallel_loop3A_222 : i32 to vector<16xi32>
        %parallel_loop3A_224 = arith.andi %parallel_loop3A_214, %parallel_loop3A_223 : vector<16xi32>
        tpu.vector_store_idx %arg10[%parallel_loop3A_221, %parallel_loop3A_224, %add3A_174], %parallel_loop3A_218 : memref<8x8x128xf32, #tpu.memory_space<vmem>>[vector<16xi32>, vector<16xi32>, vector<16xi32>], vector<16xf32>,
        scf.yield %parallel_loop3A_218 : vector<16xf32>
      } {sc.loop_unroll_factor = 8 : i64, sc.parallel_access}
      %swap3A_187 = arith.constant 0 : index
      %swap3A_188 = tpu.vector_load %arg14[%swap3A_187] {strides = array<i32>} : memref<16xf32, #tpu.memory_space<vmem>>, vector<16xf32>,
      tpu.vector_store %arg14[%swap3A_187], %parallel_loop3A_186 {strides = array<i32>} : memref<16xf32, #tpu.memory_space<vmem>>, vector<16xf32>,
      %broadcast_in_dim3A_189 = arith.constant 0.000000e+00 : f32
      %broadcast_in_dim3A_190 = vector.broadcast %broadcast_in_dim3A_189 : f32 to vector<16xf32>
      %parallel_loop3A_191 = arith.constant 0 : i32
      %parallel_loop3A_192 = arith.constant 16 : i32
      %parallel_loop3A_193 = arith.constant 1 : i32
      %parallel_loop3A_194 = scf.for %parallel_loop3A_205 = %parallel_loop3A_191 to %parallel_loop3A_192 step %parallel_loop3A_193 iter_args(%parallel_loop3A_206 = %broadcast_in_dim3A_190) -> (vector<16xf32>)  : i32 {
        %parallel_loop3A_207 = vector.broadcast %parallel_loop3A_205 : i32 to vector<16xi32>
        %parallel_loop3A_208 = arith.addi %parallel_loop3A_207, %iota3A : vector<16xi32>
        %parallel_loop3A_209 = arith.constant 15 : i32
        %parallel_loop3A_210 = vector.broadcast %parallel_loop3A_209 : i32 to vector<16xi32>
        %parallel_loop3A_211 = arith.andi %parallel_loop3A_208, %parallel_loop3A_210 : vector<16xi32>
        %parallel_loop3A_212 = arith.constant 32 : i32
        %parallel_loop3A_213 = vector.broadcast %parallel_loop3A_212 : i32 to vector<16xi32>
        %parallel_loop3A_214 = arith.addi %parallel_loop3A_213, %parallel_loop3A_211 : vector<16xi32>
        %parallel_loop3A_215 = tpu.vector_load_idx %arg6[%add3A_174, %parallel_loop3A_214] : memref<128x128xf32, #tpu.memory_space<vmem>>[vector<16xi32>, vector<16xi32>], vector<16xf32>,
        %parallel_loop3A_216 = arith.constant 8.000000e+00 : f32
        %parallel_loop3A_217 = vector.broadcast %parallel_loop3A_216 : f32 to vector<16xf32>
        %parallel_loop3A_218 = arith.mulf %parallel_loop3A_215, %parallel_loop3A_217 : vector<16xf32>
        %parallel_loop3A_219 = arith.constant 3 : i32
        %parallel_loop3A_220 = vector.broadcast %parallel_loop3A_219 : i32 to vector<16xi32>
        %parallel_loop3A_221 = arith.shrui %parallel_loop3A_214, %parallel_loop3A_220 : vector<16xi32>
        %parallel_loop3A_222 = arith.constant 7 : i32
        %parallel_loop3A_223 = vector.broadcast %parallel_loop3A_222 : i32 to vector<16xi32>
        %parallel_loop3A_224 = arith.andi %parallel_loop3A_214, %parallel_loop3A_223 : vector<16xi32>
        tpu.vector_store_idx %arg10[%parallel_loop3A_221, %parallel_loop3A_224, %add3A_174], %parallel_loop3A_218 : memref<8x8x128xf32, #tpu.memory_space<vmem>>[vector<16xi32>, vector<16xi32>, vector<16xi32>], vector<16xf32>,
        scf.yield %parallel_loop3A_218 : vector<16xf32>
      } {sc.loop_unroll_factor = 8 : i64, sc.parallel_access}
      %swap3A_195 = arith.constant 0 : index
      %swap3A_196 = tpu.vector_load %arg14[%swap3A_195] {strides = array<i32>} : memref<16xf32, #tpu.memory_space<vmem>>, vector<16xf32>,
      tpu.vector_store %arg14[%swap3A_195], %parallel_loop3A_194 {strides = array<i32>} : memref<16xf32, #tpu.memory_space<vmem>>, vector<16xf32>,
      %broadcast_in_dim3A_197 = arith.constant 0.000000e+00 : f32
      %broadcast_in_dim3A_198 = vector.broadcast %broadcast_in_dim3A_197 : f32 to vector<16xf32>
      %parallel_loop3A_199 = arith.constant 0 : i32
      %parallel_loop3A_200 = arith.constant 16 : i32
      %parallel_loop3A_201 = arith.constant 1 : i32
      %parallel_loop3A_202 = scf.for %parallel_loop3A_205 = %parallel_loop3A_199 to %parallel_loop3A_200 step %parallel_loop3A_201 iter_args(%parallel_loop3A_206 = %broadcast_in_dim3A_198) -> (vector<16xf32>)  : i32 {
        %parallel_loop3A_207 = vector.broadcast %parallel_loop3A_205 : i32 to vector<16xi32>
        %parallel_loop3A_208 = arith.addi %parallel_loop3A_207, %iota3A : vector<16xi32>
        %parallel_loop3A_209 = arith.constant 15 : i32
        %parallel_loop3A_210 = vector.broadcast %parallel_loop3A_209 : i32 to vector<16xi32>
        %parallel_loop3A_211 = arith.andi %parallel_loop3A_208, %parallel_loop3A_210 : vector<16xi32>
        %parallel_loop3A_212 = arith.constant 48 : i32
        %parallel_loop3A_213 = vector.broadcast %parallel_loop3A_212 : i32 to vector<16xi32>
        %parallel_loop3A_214 = arith.addi %parallel_loop3A_213, %parallel_loop3A_211 : vector<16xi32>
        %parallel_loop3A_215 = tpu.vector_load_idx %arg6[%add3A_174, %parallel_loop3A_214] : memref<128x128xf32, #tpu.memory_space<vmem>>[vector<16xi32>, vector<16xi32>], vector<16xf32>,
        %parallel_loop3A_216 = arith.constant 8.000000e+00 : f32
        %parallel_loop3A_217 = vector.broadcast %parallel_loop3A_216 : f32 to vector<16xf32>
        %parallel_loop3A_218 = arith.mulf %parallel_loop3A_215, %parallel_loop3A_217 : vector<16xf32>
        %parallel_loop3A_219 = arith.constant 3 : i32
        %parallel_loop3A_220 = vector.broadcast %parallel_loop3A_219 : i32 to vector<16xi32>
        %parallel_loop3A_221 = arith.shrui %parallel_loop3A_214, %parallel_loop3A_220 : vector<16xi32>
        %parallel_loop3A_222 = arith.constant 7 : i32
        %parallel_loop3A_223 = vector.broadcast %parallel_loop3A_222 : i32 to vector<16xi32>
        %parallel_loop3A_224 = arith.andi %parallel_loop3A_214, %parallel_loop3A_223 : vector<16xi32>
        tpu.vector_store_idx %arg10[%parallel_loop3A_221, %parallel_loop3A_224, %add3A_174], %parallel_loop3A_218 : memref<8x8x128xf32, #tpu.memory_space<vmem>>[vector<16xi32>, vector<16xi32>, vector<16xi32>], vector<16xf32>,
        scf.yield %parallel_loop3A_218 : vector<16xf32>
      } {sc.loop_unroll_factor = 8 : i64, sc.parallel_access}
      %swap3A_203 = arith.constant 0 : index
      %swap3A_204 = tpu.vector_load %arg14[%swap3A_203] {strides = array<i32>} : memref<16xf32, #tpu.memory_space<vmem>>, vector<16xf32>,
      tpu.vector_store %arg14[%swap3A_203], %parallel_loop3A_202 {strides = array<i32>} : memref<16xf32, #tpu.memory_space<vmem>>, vector<16xf32>,
    }
    %scan3A_45 = arith.constant 8 : i32
    %dma_start3A_46 = arith.constant 196 : i32
    %dma_start3A_47 = arith.constant 0 : i32
    %dma_start3A_48 = arith.constant 0 : i32
    %dma_start3A_49 = arith.constant 0 : i32
    %dma_start3A_50 = tpu.memref_slice %arg4[%dma_start3A_46, %dma_start3A_47, %add3A, %dma_start3A_48, %dma_start3A_49] : memref<200x8x32x8x128xf32, #tpu.memory_space<hbm>> -> memref<1x8x1x8x128xf32, #tpu.memory_space<hbm>>
    %dma_start3A_51 = tpu.memref_squeeze %dma_start3A_50 : memref<1x8x1x8x128xf32, #tpu.memory_space<hbm>> -> memref<8x8x128xf32, #tpu.memory_space<hbm>>
    %dma_start3A_52 = arith.constant 0 : i32
    %dma_start3A_53 = arith.constant 0 : i32
    %dma_start3A_54 = arith.constant 0 : i32
    %dma_start3A_55 = tpu.memref_slice %arg4[%dma_start3A_46, %dma_start3A_52, %add3A, %dma_start3A_53, %dma_start3A_54] : memref<200x8x32x8x128xf32, #tpu.memory_space<hbm>> -> memref<1x8x1x8x128xf32, #tpu.memory_space<hbm>>
    %dma_start3A_56 = tpu.memref_squeeze %dma_start3A_55 : memref<1x8x1x8x128xf32, #tpu.memory_space<hbm>> -> memref<8x8x128xf32, #tpu.memory_space<hbm>>
    tpu.enqueue_dma source(%arg10 : memref<8x8x128xf32, #tpu.memory_space<vmem>>) target(%dma_start3A_56 : memref<8x8x128xf32, #tpu.memory_space<hbm>>) target_semaphore(%arg19 : memref<!tpu.dma_semaphore, #tpu.memory_space<semaphore_mem>>)
    %dma_wait3A_57 = arith.constant 0 : i32
    %dma_wait3A_58 = arith.constant 0 : i32
    %dma_wait3A_59 = tpu.memref_slice %arg5[%dma_wait3A_57, %dma_wait3A_58] : memref<200x128xi32, #tpu.memory_space<vmem>> -> memref<1x128xi32, #tpu.memory_space<vmem>>
    %dma_wait3A_60 = tpu.memref_squeeze %dma_wait3A_59 : memref<1x128xi32, #tpu.memory_space<vmem>> -> memref<128xi32, #tpu.memory_space<vmem>>
    %dma_wait3A_61 = arith.constant 0 : i32
    %dma_wait3A_62 = arith.constant 0 : i32
    %dma_wait3A_63 = tpu.memref_slice %arg3[%dma_wait3A_61, %dma_wait3A_62] : memref<1000000x128xf32, #tpu.memory_space<hbm>> -> memref<1000000x128xf32, #tpu.memory_space<hbm>>
    tpu.wait_indirect_dma semaphore(%arg16 : memref<!tpu.dma_semaphore, #tpu.memory_space<semaphore_mem>>) src(%dma_wait3A_63 : memref<1000000x128xf32, #tpu.memory_space<hbm>>) dst(%arg7 : memref<128x128xf32, #tpu.memory_space<vmem>>)
    %scan3A_64 = arith.constant 0 : i32
    %scan3A_65 = arith.constant 8 : i32
    %scan3A_66 = arith.addi %scan3A_64, %scan3A_65 : i32
    %scan3A_67 = arith.constant 1 : i32
    scf.for %scan3A_170 = %scan3A_64 to %scan3A_66 step %scan3A_67  : i32 {
      %mul3A_171 = arith.constant 16 : i32
      %mul3A_172 = arith.muli %mul3A_171, %scan3A_170 : i32
      %add3A_173 = vector.broadcast %mul3A_172 : i32 to vector<16xi32>
      %add3A_174 = arith.addi %add3A_173, %iota3A : vector<16xi32>
      %broadcast_in_dim3A_175 = arith.constant 0.000000e+00 : f32
      %broadcast_in_dim3A_176 = vector.broadcast %broadcast_in_dim3A_175 : f32 to vector<16xf32>
      %parallel_loop3A = arith.constant 0 : i32
      %parallel_loop3A_177 = arith.constant 16 : i32
      %parallel_loop3A_178 = arith.constant 1 : i32
      %parallel_loop3A_179 = scf.for %parallel_loop3A_205 = %parallel_loop3A to %parallel_loop3A_177 step %parallel_loop3A_178 iter_args(%parallel_loop3A_206 = %broadcast_in_dim3A_176) -> (vector<16xf32>)  : i32 {
        %parallel_loop3A_207 = vector.broadcast %parallel_loop3A_205 : i32 to vector<16xi32>
        %parallel_loop3A_208 = arith.addi %parallel_loop3A_207, %iota3A : vector<16xi32>
        %parallel_loop3A_209 = arith.constant 15 : i32
        %parallel_loop3A_210 = vector.broadcast %parallel_loop3A_209 : i32 to vector<16xi32>
        %parallel_loop3A_211 = arith.andi %parallel_loop3A_208, %parallel_loop3A_210 : vector<16xi32>
        %parallel_loop3A_212 = arith.constant 0 : i32
        %parallel_loop3A_213 = vector.broadcast %parallel_loop3A_212 : i32 to vector<16xi32>
        %parallel_loop3A_214 = arith.addi %parallel_loop3A_213, %parallel_loop3A_211 : vector<16xi32>
        %parallel_loop3A_215 = tpu.vector_load_idx %arg7[%add3A_174, %parallel_loop3A_214] : memref<128x128xf32, #tpu.memory_space<vmem>>[vector<16xi32>, vector<16xi32>], vector<16xf32>,
        %parallel_loop3A_216 = arith.constant 8.000000e+00 : f32
        %parallel_loop3A_217 = vector.broadcast %parallel_loop3A_216 : f32 to vector<16xf32>
        %parallel_loop3A_218 = arith.mulf %parallel_loop3A_215, %parallel_loop3A_217 : vector<16xf32>
        %parallel_loop3A_219 = arith.constant 3 : i32
        %parallel_loop3A_220 = vector.broadcast %parallel_loop3A_219 : i32 to vector<16xi32>
        %parallel_loop3A_221 = arith.shrui %parallel_loop3A_214, %parallel_loop3A_220 : vector<16xi32>
        %parallel_loop3A_222 = arith.constant 7 : i32
        %parallel_loop3A_223 = vector.broadcast %parallel_loop3A_222 : i32 to vector<16xi32>
        %parallel_loop3A_224 = arith.andi %parallel_loop3A_214, %parallel_loop3A_223 : vector<16xi32>
        tpu.vector_store_idx %arg11[%parallel_loop3A_221, %parallel_loop3A_224, %add3A_174], %parallel_loop3A_218 : memref<8x8x128xf32, #tpu.memory_space<vmem>>[vector<16xi32>, vector<16xi32>, vector<16xi32>], vector<16xf32>,
        scf.yield %parallel_loop3A_218 : vector<16xf32>
      } {sc.loop_unroll_factor = 8 : i64, sc.parallel_access}
      %swap3A = arith.constant 0 : index
      %swap3A_180 = tpu.vector_load %arg14[%swap3A] {strides = array<i32>} : memref<16xf32, #tpu.memory_space<vmem>>, vector<16xf32>,
      tpu.vector_store %arg14[%swap3A], %parallel_loop3A_179 {strides = array<i32>} : memref<16xf32, #tpu.memory_space<vmem>>, vector<16xf32>,
      %broadcast_in_dim3A_181 = arith.constant 0.000000e+00 : f32
      %broadcast_in_dim3A_182 = vector.broadcast %broadcast_in_dim3A_181 : f32 to vector<16xf32>
      %parallel_loop3A_183 = arith.constant 0 : i32
      %parallel_loop3A_184 = arith.constant 16 : i32
      %parallel_loop3A_185 = arith.constant 1 : i32
      %parallel_loop3A_186 = scf.for %parallel_loop3A_205 = %parallel_loop3A_183 to %parallel_loop3A_184 step %parallel_loop3A_185 iter_args(%parallel_loop3A_206 = %broadcast_in_dim3A_182) -> (vector<16xf32>)  : i32 {
        %parallel_loop3A_207 = vector.broadcast %parallel_loop3A_205 : i32 to vector<16xi32>
        %parallel_loop3A_208 = arith.addi %parallel_loop3A_207, %iota3A : vector<16xi32>
        %parallel_loop3A_209 = arith.constant 15 : i32
        %parallel_loop3A_210 = vector.broadcast %parallel_loop3A_209 : i32 to vector<16xi32>
        %parallel_loop3A_211 = arith.andi %parallel_loop3A_208, %parallel_loop3A_210 : vector<16xi32>
        %parallel_loop3A_212 = arith.constant 16 : i32
        %parallel_loop3A_213 = vector.broadcast %parallel_loop3A_212 : i32 to vector<16xi32>
        %parallel_loop3A_214 = arith.addi %parallel_loop3A_213, %parallel_loop3A_211 : vector<16xi32>
        %parallel_loop3A_215 = tpu.vector_load_idx %arg7[%add3A_174, %parallel_loop3A_214] : memref<128x128xf32, #tpu.memory_space<vmem>>[vector<16xi32>, vector<16xi32>], vector<16xf32>,
        %parallel_loop3A_216 = arith.constant 8.000000e+00 : f32
        %parallel_loop3A_217 = vector.broadcast %parallel_loop3A_216 : f32 to vector<16xf32>
        %parallel_loop3A_218 = arith.mulf %parallel_loop3A_215, %parallel_loop3A_217 : vector<16xf32>
        %parallel_loop3A_219 = arith.constant 3 : i32
        %parallel_loop3A_220 = vector.broadcast %parallel_loop3A_219 : i32 to vector<16xi32>
        %parallel_loop3A_221 = arith.shrui %parallel_loop3A_214, %parallel_loop3A_220 : vector<16xi32>
        %parallel_loop3A_222 = arith.constant 7 : i32
        %parallel_loop3A_223 = vector.broadcast %parallel_loop3A_222 : i32 to vector<16xi32>
        %parallel_loop3A_224 = arith.andi %parallel_loop3A_214, %parallel_loop3A_223 : vector<16xi32>
        tpu.vector_store_idx %arg11[%parallel_loop3A_221, %parallel_loop3A_224, %add3A_174], %parallel_loop3A_218 : memref<8x8x128xf32, #tpu.memory_space<vmem>>[vector<16xi32>, vector<16xi32>, vector<16xi32>], vector<16xf32>,
        scf.yield %parallel_loop3A_218 : vector<16xf32>
      } {sc.loop_unroll_factor = 8 : i64, sc.parallel_access}
      %swap3A_187 = arith.constant 0 : index
      %swap3A_188 = tpu.vector_load %arg14[%swap3A_187] {strides = array<i32>} : memref<16xf32, #tpu.memory_space<vmem>>, vector<16xf32>,
      tpu.vector_store %arg14[%swap3A_187], %parallel_loop3A_186 {strides = array<i32>} : memref<16xf32, #tpu.memory_space<vmem>>, vector<16xf32>,
      %broadcast_in_dim3A_189 = arith.constant 0.000000e+00 : f32
      %broadcast_in_dim3A_190 = vector.broadcast %broadcast_in_dim3A_189 : f32 to vector<16xf32>
      %parallel_loop3A_191 = arith.constant 0 : i32
      %parallel_loop3A_192 = arith.constant 16 : i32
      %parallel_loop3A_193 = arith.constant 1 : i32
      %parallel_loop3A_194 = scf.for %parallel_loop3A_205 = %parallel_loop3A_191 to %parallel_loop3A_192 step %parallel_loop3A_193 iter_args(%parallel_loop3A_206 = %broadcast_in_dim3A_190) -> (vector<16xf32>)  : i32 {
        %parallel_loop3A_207 = vector.broadcast %parallel_loop3A_205 : i32 to vector<16xi32>
        %parallel_loop3A_208 = arith.addi %parallel_loop3A_207, %iota3A : vector<16xi32>
        %parallel_loop3A_209 = arith.constant 15 : i32
        %parallel_loop3A_210 = vector.broadcast %parallel_loop3A_209 : i32 to vector<16xi32>
        %parallel_loop3A_211 = arith.andi %parallel_loop3A_208, %parallel_loop3A_210 : vector<16xi32>
        %parallel_loop3A_212 = arith.constant 32 : i32
        %parallel_loop3A_213 = vector.broadcast %parallel_loop3A_212 : i32 to vector<16xi32>
        %parallel_loop3A_214 = arith.addi %parallel_loop3A_213, %parallel_loop3A_211 : vector<16xi32>
        %parallel_loop3A_215 = tpu.vector_load_idx %arg7[%add3A_174, %parallel_loop3A_214] : memref<128x128xf32, #tpu.memory_space<vmem>>[vector<16xi32>, vector<16xi32>], vector<16xf32>,
        %parallel_loop3A_216 = arith.constant 8.000000e+00 : f32
        %parallel_loop3A_217 = vector.broadcast %parallel_loop3A_216 : f32 to vector<16xf32>
        %parallel_loop3A_218 = arith.mulf %parallel_loop3A_215, %parallel_loop3A_217 : vector<16xf32>
        %parallel_loop3A_219 = arith.constant 3 : i32
        %parallel_loop3A_220 = vector.broadcast %parallel_loop3A_219 : i32 to vector<16xi32>
        %parallel_loop3A_221 = arith.shrui %parallel_loop3A_214, %parallel_loop3A_220 : vector<16xi32>
        %parallel_loop3A_222 = arith.constant 7 : i32
        %parallel_loop3A_223 = vector.broadcast %parallel_loop3A_222 : i32 to vector<16xi32>
        %parallel_loop3A_224 = arith.andi %parallel_loop3A_214, %parallel_loop3A_223 : vector<16xi32>
        tpu.vector_store_idx %arg11[%parallel_loop3A_221, %parallel_loop3A_224, %add3A_174], %parallel_loop3A_218 : memref<8x8x128xf32, #tpu.memory_space<vmem>>[vector<16xi32>, vector<16xi32>, vector<16xi32>], vector<16xf32>,
        scf.yield %parallel_loop3A_218 : vector<16xf32>
      } {sc.loop_unroll_factor = 8 : i64, sc.parallel_access}
      %swap3A_195 = arith.constant 0 : index
      %swap3A_196 = tpu.vector_load %arg14[%swap3A_195] {strides = array<i32>} : memref<16xf32, #tpu.memory_space<vmem>>, vector<16xf32>,
      tpu.vector_store %arg14[%swap3A_195], %parallel_loop3A_194 {strides = array<i32>} : memref<16xf32, #tpu.memory_space<vmem>>, vector<16xf32>,
      %broadcast_in_dim3A_197 = arith.constant 0.000000e+00 : f32
      %broadcast_in_dim3A_198 = vector.broadcast %broadcast_in_dim3A_197 : f32 to vector<16xf32>
      %parallel_loop3A_199 = arith.constant 0 : i32
      %parallel_loop3A_200 = arith.constant 16 : i32
      %parallel_loop3A_201 = arith.constant 1 : i32
      %parallel_loop3A_202 = scf.for %parallel_loop3A_205 = %parallel_loop3A_199 to %parallel_loop3A_200 step %parallel_loop3A_201 iter_args(%parallel_loop3A_206 = %broadcast_in_dim3A_198) -> (vector<16xf32>)  : i32 {
        %parallel_loop3A_207 = vector.broadcast %parallel_loop3A_205 : i32 to vector<16xi32>
        %parallel_loop3A_208 = arith.addi %parallel_loop3A_207, %iota3A : vector<16xi32>
        %parallel_loop3A_209 = arith.constant 15 : i32
        %parallel_loop3A_210 = vector.broadcast %parallel_loop3A_209 : i32 to vector<16xi32>
        %parallel_loop3A_211 = arith.andi %parallel_loop3A_208, %parallel_loop3A_210 : vector<16xi32>
        %parallel_loop3A_212 = arith.constant 48 : i32
        %parallel_loop3A_213 = vector.broadcast %parallel_loop3A_212 : i32 to vector<16xi32>
        %parallel_loop3A_214 = arith.addi %parallel_loop3A_213, %parallel_loop3A_211 : vector<16xi32>
        %parallel_loop3A_215 = tpu.vector_load_idx %arg7[%add3A_174, %parallel_loop3A_214] : memref<128x128xf32, #tpu.memory_space<vmem>>[vector<16xi32>, vector<16xi32>], vector<16xf32>,
        %parallel_loop3A_216 = arith.constant 8.000000e+00 : f32
        %parallel_loop3A_217 = vector.broadcast %parallel_loop3A_216 : f32 to vector<16xf32>
        %parallel_loop3A_218 = arith.mulf %parallel_loop3A_215, %parallel_loop3A_217 : vector<16xf32>
        %parallel_loop3A_219 = arith.constant 3 : i32
        %parallel_loop3A_220 = vector.broadcast %parallel_loop3A_219 : i32 to vector<16xi32>
        %parallel_loop3A_221 = arith.shrui %parallel_loop3A_214, %parallel_loop3A_220 : vector<16xi32>
        %parallel_loop3A_222 = arith.constant 7 : i32
        %parallel_loop3A_223 = vector.broadcast %parallel_loop3A_222 : i32 to vector<16xi32>
        %parallel_loop3A_224 = arith.andi %parallel_loop3A_214, %parallel_loop3A_223 : vector<16xi32>
        tpu.vector_store_idx %arg11[%parallel_loop3A_221, %parallel_loop3A_224, %add3A_174], %parallel_loop3A_218 : memref<8x8x128xf32, #tpu.memory_space<vmem>>[vector<16xi32>, vector<16xi32>, vector<16xi32>], vector<16xf32>,
        scf.yield %parallel_loop3A_218 : vector<16xf32>
      } {sc.loop_unroll_factor = 8 : i64, sc.parallel_access}
      %swap3A_203 = arith.constant 0 : index
      %swap3A_204 = tpu.vector_load %arg14[%swap3A_203] {strides = array<i32>} : memref<16xf32, #tpu.memory_space<vmem>>, vector<16xf32>,
      tpu.vector_store %arg14[%swap3A_203], %parallel_loop3A_202 {strides = array<i32>} : memref<16xf32, #tpu.memory_space<vmem>>, vector<16xf32>,
    }
    %scan3A_68 = arith.constant 8 : i32
    %dma_start3A_69 = arith.constant 197 : i32
    %dma_start3A_70 = arith.constant 0 : i32
    %dma_start3A_71 = arith.constant 0 : i32
    %dma_start3A_72 = arith.constant 0 : i32
    %dma_start3A_73 = tpu.memref_slice %arg4[%dma_start3A_69, %dma_start3A_70, %add3A, %dma_start3A_71, %dma_start3A_72] : memref<200x8x32x8x128xf32, #tpu.memory_space<hbm>> -> memref<1x8x1x8x128xf32, #tpu.memory_space<hbm>>
    %dma_start3A_74 = tpu.memref_squeeze %dma_start3A_73 : memref<1x8x1x8x128xf32, #tpu.memory_space<hbm>> -> memref<8x8x128xf32, #tpu.memory_space<hbm>>
    %dma_start3A_75 = arith.constant 0 : i32
    %dma_start3A_76 = arith.constant 0 : i32
    %dma_start3A_77 = arith.constant 0 : i32
    %dma_start3A_78 = tpu.memref_slice %arg4[%dma_start3A_69, %dma_start3A_75, %add3A, %dma_start3A_76, %dma_start3A_77] : memref<200x8x32x8x128xf32, #tpu.memory_space<hbm>> -> memref<1x8x1x8x128xf32, #tpu.memory_space<hbm>>
    %dma_start3A_79 = tpu.memref_squeeze %dma_start3A_78 : memref<1x8x1x8x128xf32, #tpu.memory_space<hbm>> -> memref<8x8x128xf32, #tpu.memory_space<hbm>>
    tpu.enqueue_dma source(%arg11 : memref<8x8x128xf32, #tpu.memory_space<vmem>>) target(%dma_start3A_79 : memref<8x8x128xf32, #tpu.memory_space<hbm>>) target_semaphore(%arg20 : memref<!tpu.dma_semaphore, #tpu.memory_space<semaphore_mem>>)
    %dma_wait3A_80 = arith.constant 0 : i32
    %dma_wait3A_81 = arith.constant 0 : i32
    %dma_wait3A_82 = tpu.memref_slice %arg5[%dma_wait3A_80, %dma_wait3A_81] : memref<200x128xi32, #tpu.memory_space<vmem>> -> memref<1x128xi32, #tpu.memory_space<vmem>>
    %dma_wait3A_83 = tpu.memref_squeeze %dma_wait3A_82 : memref<1x128xi32, #tpu.memory_space<vmem>> -> memref<128xi32, #tpu.memory_space<vmem>>
    %dma_wait3A_84 = arith.constant 0 : i32
    %dma_wait3A_85 = arith.constant 0 : i32
    %dma_wait3A_86 = tpu.memref_slice %arg3[%dma_wait3A_84, %dma_wait3A_85] : memref<1000000x128xf32, #tpu.memory_space<hbm>> -> memref<1000000x128xf32, #tpu.memory_space<hbm>>
    tpu.wait_indirect_dma semaphore(%arg17 : memref<!tpu.dma_semaphore, #tpu.memory_space<semaphore_mem>>) src(%dma_wait3A_86 : memref<1000000x128xf32, #tpu.memory_space<hbm>>) dst(%arg8 : memref<128x128xf32, #tpu.memory_space<vmem>>)
    %scan3A_87 = arith.constant 0 : i32
    %scan3A_88 = arith.constant 8 : i32
    %scan3A_89 = arith.addi %scan3A_87, %scan3A_88 : i32
    %scan3A_90 = arith.constant 1 : i32
    scf.for %scan3A_170 = %scan3A_87 to %scan3A_89 step %scan3A_90  : i32 {
      %mul3A_171 = arith.constant 16 : i32
      %mul3A_172 = arith.muli %mul3A_171, %scan3A_170 : i32
      %add3A_173 = vector.broadcast %mul3A_172 : i32 to vector<16xi32>
      %add3A_174 = arith.addi %add3A_173, %iota3A : vector<16xi32>
      %broadcast_in_dim3A_175 = arith.constant 0.000000e+00 : f32
      %broadcast_in_dim3A_176 = vector.broadcast %broadcast_in_dim3A_175 : f32 to vector<16xf32>
      %parallel_loop3A = arith.constant 0 : i32
      %parallel_loop3A_177 = arith.constant 16 : i32
      %parallel_loop3A_178 = arith.constant 1 : i32
      %parallel_loop3A_179 = scf.for %parallel_loop3A_205 = %parallel_loop3A to %parallel_loop3A_177 step %parallel_loop3A_178 iter_args(%parallel_loop3A_206 = %broadcast_in_dim3A_176) -> (vector<16xf32>)  : i32 {
        %parallel_loop3A_207 = vector.broadcast %parallel_loop3A_205 : i32 to vector<16xi32>
        %parallel_loop3A_208 = arith.addi %parallel_loop3A_207, %iota3A : vector<16xi32>
        %parallel_loop3A_209 = arith.constant 15 : i32
        %parallel_loop3A_210 = vector.broadcast %parallel_loop3A_209 : i32 to vector<16xi32>
        %parallel_loop3A_211 = arith.andi %parallel_loop3A_208, %parallel_loop3A_210 : vector<16xi32>
        %parallel_loop3A_212 = arith.constant 0 : i32
        %parallel_loop3A_213 = vector.broadcast %parallel_loop3A_212 : i32 to vector<16xi32>
        %parallel_loop3A_214 = arith.addi %parallel_loop3A_213, %parallel_loop3A_211 : vector<16xi32>
        %parallel_loop3A_215 = tpu.vector_load_idx %arg8[%add3A_174, %parallel_loop3A_214] : memref<128x128xf32, #tpu.memory_space<vmem>>[vector<16xi32>, vector<16xi32>], vector<16xf32>,
        %parallel_loop3A_216 = arith.constant 8.000000e+00 : f32
        %parallel_loop3A_217 = vector.broadcast %parallel_loop3A_216 : f32 to vector<16xf32>
        %parallel_loop3A_218 = arith.mulf %parallel_loop3A_215, %parallel_loop3A_217 : vector<16xf32>
        %parallel_loop3A_219 = arith.constant 3 : i32
        %parallel_loop3A_220 = vector.broadcast %parallel_loop3A_219 : i32 to vector<16xi32>
        %parallel_loop3A_221 = arith.shrui %parallel_loop3A_214, %parallel_loop3A_220 : vector<16xi32>
        %parallel_loop3A_222 = arith.constant 7 : i32
        %parallel_loop3A_223 = vector.broadcast %parallel_loop3A_222 : i32 to vector<16xi32>
        %parallel_loop3A_224 = arith.andi %parallel_loop3A_214, %parallel_loop3A_223 : vector<16xi32>
        tpu.vector_store_idx %arg12[%parallel_loop3A_221, %parallel_loop3A_224, %add3A_174], %parallel_loop3A_218 : memref<8x8x128xf32, #tpu.memory_space<vmem>>[vector<16xi32>, vector<16xi32>, vector<16xi32>], vector<16xf32>,
        scf.yield %parallel_loop3A_218 : vector<16xf32>
      } {sc.loop_unroll_factor = 8 : i64, sc.parallel_access}
      %swap3A = arith.constant 0 : index
      %swap3A_180 = tpu.vector_load %arg14[%swap3A] {strides = array<i32>} : memref<16xf32, #tpu.memory_space<vmem>>, vector<16xf32>,
      tpu.vector_store %arg14[%swap3A], %parallel_loop3A_179 {strides = array<i32>} : memref<16xf32, #tpu.memory_space<vmem>>, vector<16xf32>,
      %broadcast_in_dim3A_181 = arith.constant 0.000000e+00 : f32
      %broadcast_in_dim3A_182 = vector.broadcast %broadcast_in_dim3A_181 : f32 to vector<16xf32>
      %parallel_loop3A_183 = arith.constant 0 : i32
      %parallel_loop3A_184 = arith.constant 16 : i32
      %parallel_loop3A_185 = arith.constant 1 : i32
      %parallel_loop3A_186 = scf.for %parallel_loop3A_205 = %parallel_loop3A_183 to %parallel_loop3A_184 step %parallel_loop3A_185 iter_args(%parallel_loop3A_206 = %broadcast_in_dim3A_182) -> (vector<16xf32>)  : i32 {
        %parallel_loop3A_207 = vector.broadcast %parallel_loop3A_205 : i32 to vector<16xi32>
        %parallel_loop3A_208 = arith.addi %parallel_loop3A_207, %iota3A : vector<16xi32>
        %parallel_loop3A_209 = arith.constant 15 : i32
        %parallel_loop3A_210 = vector.broadcast %parallel_loop3A_209 : i32 to vector<16xi32>
        %parallel_loop3A_211 = arith.andi %parallel_loop3A_208, %parallel_loop3A_210 : vector<16xi32>
        %parallel_loop3A_212 = arith.constant 16 : i32
        %parallel_loop3A_213 = vector.broadcast %parallel_loop3A_212 : i32 to vector<16xi32>
        %parallel_loop3A_214 = arith.addi %parallel_loop3A_213, %parallel_loop3A_211 : vector<16xi32>
        %parallel_loop3A_215 = tpu.vector_load_idx %arg8[%add3A_174, %parallel_loop3A_214] : memref<128x128xf32, #tpu.memory_space<vmem>>[vector<16xi32>, vector<16xi32>], vector<16xf32>,
        %parallel_loop3A_216 = arith.constant 8.000000e+00 : f32
        %parallel_loop3A_217 = vector.broadcast %parallel_loop3A_216 : f32 to vector<16xf32>
        %parallel_loop3A_218 = arith.mulf %parallel_loop3A_215, %parallel_loop3A_217 : vector<16xf32>
        %parallel_loop3A_219 = arith.constant 3 : i32
        %parallel_loop3A_220 = vector.broadcast %parallel_loop3A_219 : i32 to vector<16xi32>
        %parallel_loop3A_221 = arith.shrui %parallel_loop3A_214, %parallel_loop3A_220 : vector<16xi32>
        %parallel_loop3A_222 = arith.constant 7 : i32
        %parallel_loop3A_223 = vector.broadcast %parallel_loop3A_222 : i32 to vector<16xi32>
        %parallel_loop3A_224 = arith.andi %parallel_loop3A_214, %parallel_loop3A_223 : vector<16xi32>
        tpu.vector_store_idx %arg12[%parallel_loop3A_221, %parallel_loop3A_224, %add3A_174], %parallel_loop3A_218 : memref<8x8x128xf32, #tpu.memory_space<vmem>>[vector<16xi32>, vector<16xi32>, vector<16xi32>], vector<16xf32>,
        scf.yield %parallel_loop3A_218 : vector<16xf32>
      } {sc.loop_unroll_factor = 8 : i64, sc.parallel_access}
      %swap3A_187 = arith.constant 0 : index
      %swap3A_188 = tpu.vector_load %arg14[%swap3A_187] {strides = array<i32>} : memref<16xf32, #tpu.memory_space<vmem>>, vector<16xf32>,
      tpu.vector_store %arg14[%swap3A_187], %parallel_loop3A_186 {strides = array<i32>} : memref<16xf32, #tpu.memory_space<vmem>>, vector<16xf32>,
      %broadcast_in_dim3A_189 = arith.constant 0.000000e+00 : f32
      %broadcast_in_dim3A_190 = vector.broadcast %broadcast_in_dim3A_189 : f32 to vector<16xf32>
      %parallel_loop3A_191 = arith.constant 0 : i32
      %parallel_loop3A_192 = arith.constant 16 : i32
      %parallel_loop3A_193 = arith.constant 1 : i32
      %parallel_loop3A_194 = scf.for %parallel_loop3A_205 = %parallel_loop3A_191 to %parallel_loop3A_192 step %parallel_loop3A_193 iter_args(%parallel_loop3A_206 = %broadcast_in_dim3A_190) -> (vector<16xf32>)  : i32 {
        %parallel_loop3A_207 = vector.broadcast %parallel_loop3A_205 : i32 to vector<16xi32>
        %parallel_loop3A_208 = arith.addi %parallel_loop3A_207, %iota3A : vector<16xi32>
        %parallel_loop3A_209 = arith.constant 15 : i32
        %parallel_loop3A_210 = vector.broadcast %parallel_loop3A_209 : i32 to vector<16xi32>
        %parallel_loop3A_211 = arith.andi %parallel_loop3A_208, %parallel_loop3A_210 : vector<16xi32>
        %parallel_loop3A_212 = arith.constant 32 : i32
        %parallel_loop3A_213 = vector.broadcast %parallel_loop3A_212 : i32 to vector<16xi32>
        %parallel_loop3A_214 = arith.addi %parallel_loop3A_213, %parallel_loop3A_211 : vector<16xi32>
        %parallel_loop3A_215 = tpu.vector_load_idx %arg8[%add3A_174, %parallel_loop3A_214] : memref<128x128xf32, #tpu.memory_space<vmem>>[vector<16xi32>, vector<16xi32>], vector<16xf32>,
        %parallel_loop3A_216 = arith.constant 8.000000e+00 : f32
        %parallel_loop3A_217 = vector.broadcast %parallel_loop3A_216 : f32 to vector<16xf32>
        %parallel_loop3A_218 = arith.mulf %parallel_loop3A_215, %parallel_loop3A_217 : vector<16xf32>
        %parallel_loop3A_219 = arith.constant 3 : i32
        %parallel_loop3A_220 = vector.broadcast %parallel_loop3A_219 : i32 to vector<16xi32>
        %parallel_loop3A_221 = arith.shrui %parallel_loop3A_214, %parallel_loop3A_220 : vector<16xi32>
        %parallel_loop3A_222 = arith.constant 7 : i32
        %parallel_loop3A_223 = vector.broadcast %parallel_loop3A_222 : i32 to vector<16xi32>
        %parallel_loop3A_224 = arith.andi %parallel_loop3A_214, %parallel_loop3A_223 : vector<16xi32>
        tpu.vector_store_idx %arg12[%parallel_loop3A_221, %parallel_loop3A_224, %add3A_174], %parallel_loop3A_218 : memref<8x8x128xf32, #tpu.memory_space<vmem>>[vector<16xi32>, vector<16xi32>, vector<16xi32>], vector<16xf32>,
        scf.yield %parallel_loop3A_218 : vector<16xf32>
      } {sc.loop_unroll_factor = 8 : i64, sc.parallel_access}
      %swap3A_195 = arith.constant 0 : index
      %swap3A_196 = tpu.vector_load %arg14[%swap3A_195] {strides = array<i32>} : memref<16xf32, #tpu.memory_space<vmem>>, vector<16xf32>,
      tpu.vector_store %arg14[%swap3A_195], %parallel_loop3A_194 {strides = array<i32>} : memref<16xf32, #tpu.memory_space<vmem>>, vector<16xf32>,
      %broadcast_in_dim3A_197 = arith.constant 0.000000e+00 : f32
      %broadcast_in_dim3A_198 = vector.broadcast %broadcast_in_dim3A_197 : f32 to vector<16xf32>
      %parallel_loop3A_199 = arith.constant 0 : i32
      %parallel_loop3A_200 = arith.constant 16 : i32
      %parallel_loop3A_201 = arith.constant 1 : i32
      %parallel_loop3A_202 = scf.for %parallel_loop3A_205 = %parallel_loop3A_199 to %parallel_loop3A_200 step %parallel_loop3A_201 iter_args(%parallel_loop3A_206 = %broadcast_in_dim3A_198) -> (vector<16xf32>)  : i32 {
        %parallel_loop3A_207 = vector.broadcast %parallel_loop3A_205 : i32 to vector<16xi32>
        %parallel_loop3A_208 = arith.addi %parallel_loop3A_207, %iota3A : vector<16xi32>
        %parallel_loop3A_209 = arith.constant 15 : i32
        %parallel_loop3A_210 = vector.broadcast %parallel_loop3A_209 : i32 to vector<16xi32>
        %parallel_loop3A_211 = arith.andi %parallel_loop3A_208, %parallel_loop3A_210 : vector<16xi32>
        %parallel_loop3A_212 = arith.constant 48 : i32
        %parallel_loop3A_213 = vector.broadcast %parallel_loop3A_212 : i32 to vector<16xi32>
        %parallel_loop3A_214 = arith.addi %parallel_loop3A_213, %parallel_loop3A_211 : vector<16xi32>
        %parallel_loop3A_215 = tpu.vector_load_idx %arg8[%add3A_174, %parallel_loop3A_214] : memref<128x128xf32, #tpu.memory_space<vmem>>[vector<16xi32>, vector<16xi32>], vector<16xf32>,
        %parallel_loop3A_216 = arith.constant 8.000000e+00 : f32
        %parallel_loop3A_217 = vector.broadcast %parallel_loop3A_216 : f32 to vector<16xf32>
        %parallel_loop3A_218 = arith.mulf %parallel_loop3A_215, %parallel_loop3A_217 : vector<16xf32>
        %parallel_loop3A_219 = arith.constant 3 : i32
        %parallel_loop3A_220 = vector.broadcast %parallel_loop3A_219 : i32 to vector<16xi32>
        %parallel_loop3A_221 = arith.shrui %parallel_loop3A_214, %parallel_loop3A_220 : vector<16xi32>
        %parallel_loop3A_222 = arith.constant 7 : i32
        %parallel_loop3A_223 = vector.broadcast %parallel_loop3A_222 : i32 to vector<16xi32>
        %parallel_loop3A_224 = arith.andi %parallel_loop3A_214, %parallel_loop3A_223 : vector<16xi32>
        tpu.vector_store_idx %arg12[%parallel_loop3A_221, %parallel_loop3A_224, %add3A_174], %parallel_loop3A_218 : memref<8x8x128xf32, #tpu.memory_space<vmem>>[vector<16xi32>, vector<16xi32>, vector<16xi32>], vector<16xf32>,
        scf.yield %parallel_loop3A_218 : vector<16xf32>
      } {sc.loop_unroll_factor = 8 : i64, sc.parallel_access}
      %swap3A_203 = arith.constant 0 : index
      %swap3A_204 = tpu.vector_load %arg14[%swap3A_203] {strides = array<i32>} : memref<16xf32, #tpu.memory_space<vmem>>, vector<16xf32>,
      tpu.vector_store %arg14[%swap3A_203], %parallel_loop3A_202 {strides = array<i32>} : memref<16xf32, #tpu.memory_space<vmem>>, vector<16xf32>,
    }
    %scan3A_91 = arith.constant 8 : i32
    %dma_start3A_92 = arith.constant 198 : i32
    %dma_start3A_93 = arith.constant 0 : i32
    %dma_start3A_94 = arith.constant 0 : i32
    %dma_start3A_95 = arith.constant 0 : i32
    %dma_start3A_96 = tpu.memref_slice %arg4[%dma_start3A_92, %dma_start3A_93, %add3A, %dma_start3A_94, %dma_start3A_95] : memref<200x8x32x8x128xf32, #tpu.memory_space<hbm>> -> memref<1x8x1x8x128xf32, #tpu.memory_space<hbm>>
    %dma_start3A_97 = tpu.memref_squeeze %dma_start3A_96 : memref<1x8x1x8x128xf32, #tpu.memory_space<hbm>> -> memref<8x8x128xf32, #tpu.memory_space<hbm>>
    %dma_start3A_98 = arith.constant 0 : i32
    %dma_start3A_99 = arith.constant 0 : i32
    %dma_start3A_100 = arith.constant 0 : i32
    %dma_start3A_101 = tpu.memref_slice %arg4[%dma_start3A_92, %dma_start3A_98, %add3A, %dma_start3A_99, %dma_start3A_100] : memref<200x8x32x8x128xf32, #tpu.memory_space<hbm>> -> memref<1x8x1x8x128xf32, #tpu.memory_space<hbm>>
    %dma_start3A_102 = tpu.memref_squeeze %dma_start3A_101 : memref<1x8x1x8x128xf32, #tpu.memory_space<hbm>> -> memref<8x8x128xf32, #tpu.memory_space<hbm>>
    tpu.enqueue_dma source(%arg12 : memref<8x8x128xf32, #tpu.memory_space<vmem>>) target(%dma_start3A_102 : memref<8x8x128xf32, #tpu.memory_space<hbm>>) target_semaphore(%arg21 : memref<!tpu.dma_semaphore, #tpu.memory_space<semaphore_mem>>)
    %dma_wait3A_103 = arith.constant 0 : i32
    %dma_wait3A_104 = arith.constant 0 : i32
    %dma_wait3A_105 = tpu.memref_slice %arg5[%dma_wait3A_103, %dma_wait3A_104] : memref<200x128xi32, #tpu.memory_space<vmem>> -> memref<1x128xi32, #tpu.memory_space<vmem>>
    %dma_wait3A_106 = tpu.memref_squeeze %dma_wait3A_105 : memref<1x128xi32, #tpu.memory_space<vmem>> -> memref<128xi32, #tpu.memory_space<vmem>>
    %dma_wait3A_107 = arith.constant 0 : i32
    %dma_wait3A_108 = arith.constant 0 : i32
    %dma_wait3A_109 = tpu.memref_slice %arg3[%dma_wait3A_107, %dma_wait3A_108] : memref<1000000x128xf32, #tpu.memory_space<hbm>> -> memref<1000000x128xf32, #tpu.memory_space<hbm>>
    tpu.wait_indirect_dma semaphore(%arg18 : memref<!tpu.dma_semaphore, #tpu.memory_space<semaphore_mem>>) src(%dma_wait3A_109 : memref<1000000x128xf32, #tpu.memory_space<hbm>>) dst(%arg9 : memref<128x128xf32, #tpu.memory_space<vmem>>)
    %scan3A_110 = arith.constant 0 : i32
    %scan3A_111 = arith.constant 8 : i32
    %scan3A_112 = arith.addi %scan3A_110, %scan3A_111 : i32
    %scan3A_113 = arith.constant 1 : i32
    scf.for %scan3A_170 = %scan3A_110 to %scan3A_112 step %scan3A_113  : i32 {
      %mul3A_171 = arith.constant 16 : i32
      %mul3A_172 = arith.muli %mul3A_171, %scan3A_170 : i32
      %add3A_173 = vector.broadcast %mul3A_172 : i32 to vector<16xi32>
      %add3A_174 = arith.addi %add3A_173, %iota3A : vector<16xi32>
      %broadcast_in_dim3A_175 = arith.constant 0.000000e+00 : f32
      %broadcast_in_dim3A_176 = vector.broadcast %broadcast_in_dim3A_175 : f32 to vector<16xf32>
      %parallel_loop3A = arith.constant 0 : i32
      %parallel_loop3A_177 = arith.constant 16 : i32
      %parallel_loop3A_178 = arith.constant 1 : i32
      %parallel_loop3A_179 = scf.for %parallel_loop3A_205 = %parallel_loop3A to %parallel_loop3A_177 step %parallel_loop3A_178 iter_args(%parallel_loop3A_206 = %broadcast_in_dim3A_176) -> (vector<16xf32>)  : i32 {
        %parallel_loop3A_207 = vector.broadcast %parallel_loop3A_205 : i32 to vector<16xi32>
        %parallel_loop3A_208 = arith.addi %parallel_loop3A_207, %iota3A : vector<16xi32>
        %parallel_loop3A_209 = arith.constant 15 : i32
        %parallel_loop3A_210 = vector.broadcast %parallel_loop3A_209 : i32 to vector<16xi32>
        %parallel_loop3A_211 = arith.andi %parallel_loop3A_208, %parallel_loop3A_210 : vector<16xi32>
        %parallel_loop3A_212 = arith.constant 0 : i32
        %parallel_loop3A_213 = vector.broadcast %parallel_loop3A_212 : i32 to vector<16xi32>
        %parallel_loop3A_214 = arith.addi %parallel_loop3A_213, %parallel_loop3A_211 : vector<16xi32>
        %parallel_loop3A_215 = tpu.vector_load_idx %arg9[%add3A_174, %parallel_loop3A_214] : memref<128x128xf32, #tpu.memory_space<vmem>>[vector<16xi32>, vector<16xi32>], vector<16xf32>,
        %parallel_loop3A_216 = arith.constant 8.000000e+00 : f32
        %parallel_loop3A_217 = vector.broadcast %parallel_loop3A_216 : f32 to vector<16xf32>
        %parallel_loop3A_218 = arith.mulf %parallel_loop3A_215, %parallel_loop3A_217 : vector<16xf32>
        %parallel_loop3A_219 = arith.constant 3 : i32
        %parallel_loop3A_220 = vector.broadcast %parallel_loop3A_219 : i32 to vector<16xi32>
        %parallel_loop3A_221 = arith.shrui %parallel_loop3A_214, %parallel_loop3A_220 : vector<16xi32>
        %parallel_loop3A_222 = arith.constant 7 : i32
        %parallel_loop3A_223 = vector.broadcast %parallel_loop3A_222 : i32 to vector<16xi32>
        %parallel_loop3A_224 = arith.andi %parallel_loop3A_214, %parallel_loop3A_223 : vector<16xi32>
        tpu.vector_store_idx %arg13[%parallel_loop3A_221, %parallel_loop3A_224, %add3A_174], %parallel_loop3A_218 : memref<8x8x128xf32, #tpu.memory_space<vmem>>[vector<16xi32>, vector<16xi32>, vector<16xi32>], vector<16xf32>,
        scf.yield %parallel_loop3A_218 : vector<16xf32>
      } {sc.loop_unroll_factor = 8 : i64, sc.parallel_access}
      %swap3A = arith.constant 0 : index
      %swap3A_180 = tpu.vector_load %arg14[%swap3A] {strides = array<i32>} : memref<16xf32, #tpu.memory_space<vmem>>, vector<16xf32>,
      tpu.vector_store %arg14[%swap3A], %parallel_loop3A_179 {strides = array<i32>} : memref<16xf32, #tpu.memory_space<vmem>>, vector<16xf32>,
      %broadcast_in_dim3A_181 = arith.constant 0.000000e+00 : f32
      %broadcast_in_dim3A_182 = vector.broadcast %broadcast_in_dim3A_181 : f32 to vector<16xf32>
      %parallel_loop3A_183 = arith.constant 0 : i32
      %parallel_loop3A_184 = arith.constant 16 : i32
      %parallel_loop3A_185 = arith.constant 1 : i32
      %parallel_loop3A_186 = scf.for %parallel_loop3A_205 = %parallel_loop3A_183 to %parallel_loop3A_184 step %parallel_loop3A_185 iter_args(%parallel_loop3A_206 = %broadcast_in_dim3A_182) -> (vector<16xf32>)  : i32 {
        %parallel_loop3A_207 = vector.broadcast %parallel_loop3A_205 : i32 to vector<16xi32>
        %parallel_loop3A_208 = arith.addi %parallel_loop3A_207, %iota3A : vector<16xi32>
        %parallel_loop3A_209 = arith.constant 15 : i32
        %parallel_loop3A_210 = vector.broadcast %parallel_loop3A_209 : i32 to vector<16xi32>
        %parallel_loop3A_211 = arith.andi %parallel_loop3A_208, %parallel_loop3A_210 : vector<16xi32>
        %parallel_loop3A_212 = arith.constant 16 : i32
        %parallel_loop3A_213 = vector.broadcast %parallel_loop3A_212 : i32 to vector<16xi32>
        %parallel_loop3A_214 = arith.addi %parallel_loop3A_213, %parallel_loop3A_211 : vector<16xi32>
        %parallel_loop3A_215 = tpu.vector_load_idx %arg9[%add3A_174, %parallel_loop3A_214] : memref<128x128xf32, #tpu.memory_space<vmem>>[vector<16xi32>, vector<16xi32>], vector<16xf32>,
        %parallel_loop3A_216 = arith.constant 8.000000e+00 : f32
        %parallel_loop3A_217 = vector.broadcast %parallel_loop3A_216 : f32 to vector<16xf32>
        %parallel_loop3A_218 = arith.mulf %parallel_loop3A_215, %parallel_loop3A_217 : vector<16xf32>
        %parallel_loop3A_219 = arith.constant 3 : i32
        %parallel_loop3A_220 = vector.broadcast %parallel_loop3A_219 : i32 to vector<16xi32>
        %parallel_loop3A_221 = arith.shrui %parallel_loop3A_214, %parallel_loop3A_220 : vector<16xi32>
        %parallel_loop3A_222 = arith.constant 7 : i32
        %parallel_loop3A_223 = vector.broadcast %parallel_loop3A_222 : i32 to vector<16xi32>
        %parallel_loop3A_224 = arith.andi %parallel_loop3A_214, %parallel_loop3A_223 : vector<16xi32>
        tpu.vector_store_idx %arg13[%parallel_loop3A_221, %parallel_loop3A_224, %add3A_174], %parallel_loop3A_218 : memref<8x8x128xf32, #tpu.memory_space<vmem>>[vector<16xi32>, vector<16xi32>, vector<16xi32>], vector<16xf32>,
        scf.yield %parallel_loop3A_218 : vector<16xf32>
      } {sc.loop_unroll_factor = 8 : i64, sc.parallel_access}
      %swap3A_187 = arith.constant 0 : index
      %swap3A_188 = tpu.vector_load %arg14[%swap3A_187] {strides = array<i32>} : memref<16xf32, #tpu.memory_space<vmem>>, vector<16xf32>,
      tpu.vector_store %arg14[%swap3A_187], %parallel_loop3A_186 {strides = array<i32>} : memref<16xf32, #tpu.memory_space<vmem>>, vector<16xf32>,
      %broadcast_in_dim3A_189 = arith.constant 0.000000e+00 : f32
      %broadcast_in_dim3A_190 = vector.broadcast %broadcast_in_dim3A_189 : f32 to vector<16xf32>
      %parallel_loop3A_191 = arith.constant 0 : i32
      %parallel_loop3A_192 = arith.constant 16 : i32
      %parallel_loop3A_193 = arith.constant 1 : i32
      %parallel_loop3A_194 = scf.for %parallel_loop3A_205 = %parallel_loop3A_191 to %parallel_loop3A_192 step %parallel_loop3A_193 iter_args(%parallel_loop3A_206 = %broadcast_in_dim3A_190) -> (vector<16xf32>)  : i32 {
        %parallel_loop3A_207 = vector.broadcast %parallel_loop3A_205 : i32 to vector<16xi32>
        %parallel_loop3A_208 = arith.addi %parallel_loop3A_207, %iota3A : vector<16xi32>
        %parallel_loop3A_209 = arith.constant 15 : i32
        %parallel_loop3A_210 = vector.broadcast %parallel_loop3A_209 : i32 to vector<16xi32>
        %parallel_loop3A_211 = arith.andi %parallel_loop3A_208, %parallel_loop3A_210 : vector<16xi32>
        %parallel_loop3A_212 = arith.constant 32 : i32
        %parallel_loop3A_213 = vector.broadcast %parallel_loop3A_212 : i32 to vector<16xi32>
        %parallel_loop3A_214 = arith.addi %parallel_loop3A_213, %parallel_loop3A_211 : vector<16xi32>
        %parallel_loop3A_215 = tpu.vector_load_idx %arg9[%add3A_174, %parallel_loop3A_214] : memref<128x128xf32, #tpu.memory_space<vmem>>[vector<16xi32>, vector<16xi32>], vector<16xf32>,
        %parallel_loop3A_216 = arith.constant 8.000000e+00 : f32
        %parallel_loop3A_217 = vector.broadcast %parallel_loop3A_216 : f32 to vector<16xf32>
        %parallel_loop3A_218 = arith.mulf %parallel_loop3A_215, %parallel_loop3A_217 : vector<16xf32>
        %parallel_loop3A_219 = arith.constant 3 : i32
        %parallel_loop3A_220 = vector.broadcast %parallel_loop3A_219 : i32 to vector<16xi32>
        %parallel_loop3A_221 = arith.shrui %parallel_loop3A_214, %parallel_loop3A_220 : vector<16xi32>
        %parallel_loop3A_222 = arith.constant 7 : i32
        %parallel_loop3A_223 = vector.broadcast %parallel_loop3A_222 : i32 to vector<16xi32>
        %parallel_loop3A_224 = arith.andi %parallel_loop3A_214, %parallel_loop3A_223 : vector<16xi32>
        tpu.vector_store_idx %arg13[%parallel_loop3A_221, %parallel_loop3A_224, %add3A_174], %parallel_loop3A_218 : memref<8x8x128xf32, #tpu.memory_space<vmem>>[vector<16xi32>, vector<16xi32>, vector<16xi32>], vector<16xf32>,
        scf.yield %parallel_loop3A_218 : vector<16xf32>
      } {sc.loop_unroll_factor = 8 : i64, sc.parallel_access}
      %swap3A_195 = arith.constant 0 : index
      %swap3A_196 = tpu.vector_load %arg14[%swap3A_195] {strides = array<i32>} : memref<16xf32, #tpu.memory_space<vmem>>, vector<16xf32>,
      tpu.vector_store %arg14[%swap3A_195], %parallel_loop3A_194 {strides = array<i32>} : memref<16xf32, #tpu.memory_space<vmem>>, vector<16xf32>,
      %broadcast_in_dim3A_197 = arith.constant 0.000000e+00 : f32
      %broadcast_in_dim3A_198 = vector.broadcast %broadcast_in_dim3A_197 : f32 to vector<16xf32>
      %parallel_loop3A_199 = arith.constant 0 : i32
      %parallel_loop3A_200 = arith.constant 16 : i32
      %parallel_loop3A_201 = arith.constant 1 : i32
      %parallel_loop3A_202 = scf.for %parallel_loop3A_205 = %parallel_loop3A_199 to %parallel_loop3A_200 step %parallel_loop3A_201 iter_args(%parallel_loop3A_206 = %broadcast_in_dim3A_198) -> (vector<16xf32>)  : i32 {
        %parallel_loop3A_207 = vector.broadcast %parallel_loop3A_205 : i32 to vector<16xi32>
        %parallel_loop3A_208 = arith.addi %parallel_loop3A_207, %iota3A : vector<16xi32>
        %parallel_loop3A_209 = arith.constant 15 : i32
        %parallel_loop3A_210 = vector.broadcast %parallel_loop3A_209 : i32 to vector<16xi32>
        %parallel_loop3A_211 = arith.andi %parallel_loop3A_208, %parallel_loop3A_210 : vector<16xi32>
        %parallel_loop3A_212 = arith.constant 48 : i32
        %parallel_loop3A_213 = vector.broadcast %parallel_loop3A_212 : i32 to vector<16xi32>
        %parallel_loop3A_214 = arith.addi %parallel_loop3A_213, %parallel_loop3A_211 : vector<16xi32>
        %parallel_loop3A_215 = tpu.vector_load_idx %arg9[%add3A_174, %parallel_loop3A_214] : memref<128x128xf32, #tpu.memory_space<vmem>>[vector<16xi32>, vector<16xi32>], vector<16xf32>,
        %parallel_loop3A_216 = arith.constant 8.000000e+00 : f32
        %parallel_loop3A_217 = vector.broadcast %parallel_loop3A_216 : f32 to vector<16xf32>
        %parallel_loop3A_218 = arith.mulf %parallel_loop3A_215, %parallel_loop3A_217 : vector<16xf32>
        %parallel_loop3A_219 = arith.constant 3 : i32
        %parallel_loop3A_220 = vector.broadcast %parallel_loop3A_219 : i32 to vector<16xi32>
        %parallel_loop3A_221 = arith.shrui %parallel_loop3A_214, %parallel_loop3A_220 : vector<16xi32>
        %parallel_loop3A_222 = arith.constant 7 : i32
        %parallel_loop3A_223 = vector.broadcast %parallel_loop3A_222 : i32 to vector<16xi32>
        %parallel_loop3A_224 = arith.andi %parallel_loop3A_214, %parallel_loop3A_223 : vector<16xi32>
        tpu.vector_store_idx %arg13[%parallel_loop3A_221, %parallel_loop3A_224, %add3A_174], %parallel_loop3A_218 : memref<8x8x128xf32, #tpu.memory_space<vmem>>[vector<16xi32>, vector<16xi32>, vector<16xi32>], vector<16xf32>,
        scf.yield %parallel_loop3A_218 : vector<16xf32>
      } {sc.loop_unroll_factor = 8 : i64, sc.parallel_access}
      %swap3A_203 = arith.constant 0 : index
      %swap3A_204 = tpu.vector_load %arg14[%swap3A_203] {strides = array<i32>} : memref<16xf32, #tpu.memory_space<vmem>>, vector<16xf32>,
      tpu.vector_store %arg14[%swap3A_203], %parallel_loop3A_202 {strides = array<i32>} : memref<16xf32, #tpu.memory_space<vmem>>, vector<16xf32>,
    }
    %scan3A_114 = arith.constant 8 : i32
    %dma_start3A_115 = arith.constant 199 : i32
    %dma_start3A_116 = arith.constant 0 : i32
    %dma_start3A_117 = arith.constant 0 : i32
    %dma_start3A_118 = arith.constant 0 : i32
    %dma_start3A_119 = tpu.memref_slice %arg4[%dma_start3A_115, %dma_start3A_116, %add3A, %dma_start3A_117, %dma_start3A_118] : memref<200x8x32x8x128xf32, #tpu.memory_space<hbm>> -> memref<1x8x1x8x128xf32, #tpu.memory_space<hbm>>
    %dma_start3A_120 = tpu.memref_squeeze %dma_start3A_119 : memref<1x8x1x8x128xf32, #tpu.memory_space<hbm>> -> memref<8x8x128xf32, #tpu.memory_space<hbm>>
    %dma_start3A_121 = arith.constant 0 : i32
    %dma_start3A_122 = arith.constant 0 : i32
    %dma_start3A_123 = arith.constant 0 : i32
    %dma_start3A_124 = tpu.memref_slice %arg4[%dma_start3A_115, %dma_start3A_121, %add3A, %dma_start3A_122, %dma_start3A_123] : memref<200x8x32x8x128xf32, #tpu.memory_space<hbm>> -> memref<1x8x1x8x128xf32, #tpu.memory_space<hbm>>
    %dma_start3A_125 = tpu.memref_squeeze %dma_start3A_124 : memref<1x8x1x8x128xf32, #tpu.memory_space<hbm>> -> memref<8x8x128xf32, #tpu.memory_space<hbm>>
    tpu.enqueue_dma source(%arg13 : memref<8x8x128xf32, #tpu.memory_space<vmem>>) target(%dma_start3A_125 : memref<8x8x128xf32, #tpu.memory_space<hbm>>) target_semaphore(%arg22 : memref<!tpu.dma_semaphore, #tpu.memory_space<semaphore_mem>>)
    %dma_wait3A_126 = arith.constant 0 : i32
    %dma_wait3A_127 = arith.constant 0 : i32
    %dma_wait3A_128 = arith.constant 0 : i32
    %dma_wait3A_129 = arith.constant 0 : i32
    %dma_wait3A_130 = tpu.memref_slice %arg4[%dma_wait3A_126, %dma_wait3A_127, %add3A, %dma_wait3A_128, %dma_wait3A_129] : memref<200x8x32x8x128xf32, #tpu.memory_space<hbm>> -> memref<1x8x1x8x128xf32, #tpu.memory_space<hbm>>
    %dma_wait3A_131 = tpu.memref_squeeze %dma_wait3A_130 : memref<1x8x1x8x128xf32, #tpu.memory_space<hbm>> -> memref<8x8x128xf32, #tpu.memory_space<hbm>>
    %dma_wait3A_132 = arith.constant 0 : i32
    %dma_wait3A_133 = arith.constant 0 : i32
    %dma_wait3A_134 = arith.constant 0 : i32
    %dma_wait3A_135 = tpu.memref_slice %arg4[%dma_wait3A_126, %dma_wait3A_132, %add3A, %dma_wait3A_133, %dma_wait3A_134] : memref<200x8x32x8x128xf32, #tpu.memory_space<hbm>> -> memref<1x8x1x8x128xf32, #tpu.memory_space<hbm>>
    %dma_wait3A_136 = tpu.memref_squeeze %dma_wait3A_135 : memref<1x8x1x8x128xf32, #tpu.memory_space<hbm>> -> memref<8x8x128xf32, #tpu.memory_space<hbm>>
    tpu.wait_dma2 semaphore(%arg19 : memref<!tpu.dma_semaphore, #tpu.memory_space<semaphore_mem>>) src(%arg10 : memref<8x8x128xf32, #tpu.memory_space<vmem>>) dst(%dma_wait3A_136 : memref<8x8x128xf32, #tpu.memory_space<hbm>>)
    %dma_wait3A_137 = arith.constant 0 : i32
    %dma_wait3A_138 = arith.constant 0 : i32
    %dma_wait3A_139 = arith.constant 0 : i32
    %dma_wait3A_140 = arith.constant 0 : i32
    %dma_wait3A_141 = tpu.memref_slice %arg4[%dma_wait3A_137, %dma_wait3A_138, %add3A, %dma_wait3A_139, %dma_wait3A_140] : memref<200x8x32x8x128xf32, #tpu.memory_space<hbm>> -> memref<1x8x1x8x128xf32, #tpu.memory_space<hbm>>
    %dma_wait3A_142 = tpu.memref_squeeze %dma_wait3A_141 : memref<1x8x1x8x128xf32, #tpu.memory_space<hbm>> -> memref<8x8x128xf32, #tpu.memory_space<hbm>>
    %dma_wait3A_143 = arith.constant 0 : i32
    %dma_wait3A_144 = arith.constant 0 : i32
    %dma_wait3A_145 = arith.constant 0 : i32
    %dma_wait3A_146 = tpu.memref_slice %arg4[%dma_wait3A_137, %dma_wait3A_143, %add3A, %dma_wait3A_144, %dma_wait3A_145] : memref<200x8x32x8x128xf32, #tpu.memory_space<hbm>> -> memref<1x8x1x8x128xf32, #tpu.memory_space<hbm>>
    %dma_wait3A_147 = tpu.memref_squeeze %dma_wait3A_146 : memref<1x8x1x8x128xf32, #tpu.memory_space<hbm>> -> memref<8x8x128xf32, #tpu.memory_space<hbm>>
    tpu.wait_dma2 semaphore(%arg20 : memref<!tpu.dma_semaphore, #tpu.memory_space<semaphore_mem>>) src(%arg11 : memref<8x8x128xf32, #tpu.memory_space<vmem>>) dst(%dma_wait3A_147 : memref<8x8x128xf32, #tpu.memory_space<hbm>>)
    %dma_wait3A_148 = arith.constant 0 : i32
    %dma_wait3A_149 = arith.constant 0 : i32
    %dma_wait3A_150 = arith.constant 0 : i32
    %dma_wait3A_151 = arith.constant 0 : i32
    %dma_wait3A_152 = tpu.memref_slice %arg4[%dma_wait3A_148, %dma_wait3A_149, %add3A, %dma_wait3A_150, %dma_wait3A_151] : memref<200x8x32x8x128xf32, #tpu.memory_space<hbm>> -> memref<1x8x1x8x128xf32, #tpu.memory_space<hbm>>
    %dma_wait3A_153 = tpu.memref_squeeze %dma_wait3A_152 : memref<1x8x1x8x128xf32, #tpu.memory_space<hbm>> -> memref<8x8x128xf32, #tpu.memory_space<hbm>>
    %dma_wait3A_154 = arith.constant 0 : i32
    %dma_wait3A_155 = arith.constant 0 : i32
    %dma_wait3A_156 = arith.constant 0 : i32
    %dma_wait3A_157 = tpu.memref_slice %arg4[%dma_wait3A_148, %dma_wait3A_154, %add3A, %dma_wait3A_155, %dma_wait3A_156] : memref<200x8x32x8x128xf32, #tpu.memory_space<hbm>> -> memref<1x8x1x8x128xf32, #tpu.memory_space<hbm>>
    %dma_wait3A_158 = tpu.memref_squeeze %dma_wait3A_157 : memref<1x8x1x8x128xf32, #tpu.memory_space<hbm>> -> memref<8x8x128xf32, #tpu.memory_space<hbm>>
    tpu.wait_dma2 semaphore(%arg21 : memref<!tpu.dma_semaphore, #tpu.memory_space<semaphore_mem>>) src(%arg12 : memref<8x8x128xf32, #tpu.memory_space<vmem>>) dst(%dma_wait3A_158 : memref<8x8x128xf32, #tpu.memory_space<hbm>>)
    %dma_wait3A_159 = arith.constant 0 : i32
    %dma_wait3A_160 = arith.constant 0 : i32
    %dma_wait3A_161 = arith.constant 0 : i32
    %dma_wait3A_162 = arith.constant 0 : i32
    %dma_wait3A_163 = tpu.memref_slice %arg4[%dma_wait3A_159, %dma_wait3A_160, %add3A, %dma_wait3A_161, %dma_wait3A_162] : memref<200x8x32x8x128xf32, #tpu.memory_space<hbm>> -> memref<1x8x1x8x128xf32, #tpu.memory_space<hbm>>
    %dma_wait3A_164 = tpu.memref_squeeze %dma_wait3A_163 : memref<1x8x1x8x128xf32, #tpu.memory_space<hbm>> -> memref<8x8x128xf32, #tpu.memory_space<hbm>>
    %dma_wait3A_165 = arith.constant 0 : i32
    %dma_wait3A_166 = arith.constant 0 : i32
    %dma_wait3A_167 = arith.constant 0 : i32
    %dma_wait3A_168 = tpu.memref_slice %arg4[%dma_wait3A_159, %dma_wait3A_165, %add3A, %dma_wait3A_166, %dma_wait3A_167] : memref<200x8x32x8x128xf32, #tpu.memory_space<hbm>> -> memref<1x8x1x8x128xf32, #tpu.memory_space<hbm>>
    %dma_wait3A_169 = tpu.memref_squeeze %dma_wait3A_168 : memref<1x8x1x8x128xf32, #tpu.memory_space<hbm>> -> memref<8x8x128xf32, #tpu.memory_space<hbm>>
    tpu.wait_dma2 semaphore(%arg22 : memref<!tpu.dma_semaphore, #tpu.memory_space<semaphore_mem>>) src(%arg13 : memref<8x8x128xf32, #tpu.memory_space<vmem>>) dst(%dma_wait3A_169 : memref<8x8x128xf32, #tpu.memory_space<hbm>>)
    return
  }
}

</mosaic_0001>

<sc_bundles>
// kernel: kernel.3.cloned.1.call-start
scs
__scs_entry_jumppad:
0x0: {  	(pc) =	sbr.rel $0x88, $3  }
0x1: {  	(tag) =	ssettag $0x0;
	lr =	simm.s32 $0x1  }
0x2: {  	[smem:$0x3F9F] =	sst lr;
	_ =	strace $0xD0000000  }
0x3: {  	_ = 	snop  }
0x4: {  	_ = 	snop  }
0x5: {  	_ = 	snop  }
0x6: {  	_ = 	snop  }
0x7: {  	_ = 	snop  }
__scs_overlays_trampoline_lowered:
0x8: {  	[smem:$0x3FAE] =	sst s0  }
0x9: {  	[smem:$0x3FAF] =	sst s1  }
0xa: {  	[smem:$0x3FB0] =	sst s2  }
0xb: {  	[smem:$0x3FB1] =	sst s3  }
0xc: {  	[smem:$0x3FB2] =	sst s4  }
0xd: {  	[smem:$0x3FB3] =	sst s5  }
0xe: {  	[smem:$0x3FB4] =	sst s6  }
0xf: {  	[smem:$0x3FB5] =	sst s7  }
0x10: {  	[smem:$0x3FB6] =	sst s8  }
0x11: {  	[smem:$0x3FB7] =	sst s9;
	s0 =	simm.s32 @!p0 $0x0  }
0x12: {  	s1 =	sld [smem:$0x3F9D];
	s0 =	simm.s32 @p0 $0x1  }
0x13: {  	[smem:$0x3FB8] =	sst s0;
	s0 =	simm.s32 @!p1 $0x0  }
0x14: {  	s2 =	sld [smem:$0x3F9C];
	s0 =	simm.s32 @p1 $0x1  }
0x15: {  	[smem:$0x3FB9] =	sst s0;
	s0 =	simm.s32 @!p2 $0x0  }
0x16: {  	s3 =	sld [smem:$0x3FDB];
	s0 =	simm.s32 @p2 $0x1  }
0x17: {  	s4 =	simm.s32 $0x1BF5;
	[smem:$0x3FBB] =	sst s0  }
0x18: {  	s0 =	sld [smem:$0x3F9E];
	_ =	swait.ge [sflag:s4], $0x0  }
0x19: {  	s7 =	sld [smem:$0x3F9F]  }
0x1a: {  	s8 =	sadd.s32 $0xFFFFE003, lr  }
0x1b: {  	s9 =	sadd.s32 $0xFFFFFEF7, lr;
	s5 =	simm.s32 $0xFFFFFFFF;
	p2 =	slt.u32 s8, $0xFFFFF086  }
0x1c: {  	p1 =	slt.u32 s9, $0xF7A;
	s5 =	simm.s32 @!p2 $0x0  }
0x1d: {  	s5 =	simm.s32 @p1 $0x1;
	p0 =	seq.s32 s7, s2  }
0x1e: {  	s7 =	smul.u32 @!p0 $0xF7A, s2;
	p2 =	seq.s32 @!p0 s5, $0x0  }
0x1f: {  	s9 =	smul.u32 $0xF7A, s1;
	s8 =	simm.s32 @!p0 $0x1BF5;
	p2 =	por !p2, p0  }
0x20: {  	[sflag:s8] =	ssyncset.s32 @!p0 $0xFFFFF086;
	s6 =	sadd.s32 @!p0 s3, s7;
	s7 =	simm.s32 @!p0 $0x108  }
0x21: {  	s3 =	sadd.s32 s3, s9;
	s6 =	sadd.s32 @!p0 $0x88, s6;
	s7 =	simm.s32 @p2 $0x1082  }
0x22: {  	[simem:s7], [sflag:s8] =	dma.local @!p0 [hbm:s6], $0xF7A  }
0x23: {  	s9 =	sor.u32 $0xD0000000, s2;
	s6 =	simm.s32 $0x108;
	_ =	swait.ge @!p0 [sflag:s8], $0x0  }
0x24: {  	s3 =	sadd.s32 $0x88, s3;
	s6 =	simm.s32 @!p1 $0x1082;
	[sflag:s4] =	ssyncset.s32 $0xFFFFF086  }
0x25: {  	[simem:s6], [sflag:s4] =	dma.local [hbm:s3], $0xF7A  }
0x26: {  	[smem:$0x3F9F] =	sst s1;
	(tag) =	ssettag s2;
	_ =	strace s9  }
0x27: {  	s1 =	sld [smem:$0x3FAF]  }
0x28: {  	s2 =	sld [smem:$0x3FB0]  }
0x29: {  	s4 =	sld [smem:$0x3FB2]  }
0x2a: {  	p0 =	seq.s32 s5, $0x0;
	s5 =	sld [smem:$0x3FB3]  }
0x2b: {  	s6 =	sld [smem:$0x3FB4]  }
0x2c: {  	s7 =	sld [smem:$0x3FB5]  }
0x2d: {  	s3 =	simm.s32 $0x108;
	s8 =	sld [smem:$0x3FB6]  }
0x2e: {  	s3 =	simm.s32 @!p0 $0x1082;
	s9 =	sld [smem:$0x3FB7]  }
0x2f: {  	lr =	sadd.s32 s0, s3;
	s0 =	sld [smem:$0x3FAE]  }
0x30: {  	s3 =	sld [smem:$0x3FB1]  }
0x31: {  	[smem:$0x3FBA] =	sst s10  }
0x32: {  	s10 =	sld [smem:$0x3FB8];
	_ =	sdelay $0x3  }
0x33: {  	p0 =	seq.s32 s10, $0x1;
	s10 =	sld [smem:$0x3FBA];
	_ =	sdelay $0x3  }
0x34: {  	[smem:$0x3FBA] =	sst s10  }
0x35: {  	s10 =	sld [smem:$0x3FB9];
	_ =	sdelay $0x3  }
0x36: {  	p1 =	seq.s32 s10, $0x1;
	s10 =	sld [smem:$0x3FBA];
	_ =	sdelay $0x3  }
0x37: {  	[smem:$0x3FBA] =	sst s10  }
0x38: {  	s10 =	sld [smem:$0x3FBB]  }
0x39: {  	_ = 	snop;
	(pc) =	sbr.ind lr, $3  }
0x3a: {  	_ = 	snop  }
0x3b: {  	_ = 	snop  }
0x3c: {  	p2 =	seq.s32 s10, $0x1;
	s10 =	sld [smem:$0x3FBA]  }
0x3d: {  	_ =	shalt  }
0x3e: {  	_ =	shalt  }
0x3f: {  	_ =	shalt  }
0x40: {  	_ =	shalt  }
0x41: {  	_ =	shalt  }
0x42: {  	_ =	shalt  }
0x43: {  	_ =	shalt  }
0x44: {  	_ =	shalt  }
0x45: {  	_ =	shalt  }
0x46: {  	_ =	shalt  }
0x47: {  	_ =	shalt  }
0x48: {  	_ =	shalt  }
0x49: {  	_ =	shalt  }
0x4a: {  	_ =	shalt  }
0x4b: {  	_ =	shalt  }
0x4c: {  	_ =	shalt  }
0x4d: {  	_ =	shalt  }
0x4e: {  	_ =	shalt  }
0x4f: {  	_ =	shalt  }
0x50: {  	_ =	shalt  }
0x51: {  	_ =	shalt  }
0x52: {  	_ =	shalt  }
0x53: {  	_ =	shalt  }
0x54: {  	_ =	shalt  }
0x55: {  	_ =	shalt  }
0x56: {  	_ =	shalt  }
0x57: {  	_ =	shalt  }
0x58: {  	_ =	shalt  }
0x59: {  	_ =	shalt  }
0x5a: {  	_ =	shalt  }
0x5b: {  	_ =	shalt  }
0x5c: {  	_ =	shalt  }
0x5d: {  	_ =	shalt  }
0x5e: {  	_ =	shalt  }
0x5f: {  	_ =	shalt  }
0x60: {  	_ =	shalt  }
0x61: {  	_ =	shalt  }
0x62: {  	_ =	shalt  }
0x63: {  	_ =	shalt  }
0x64: {  	_ =	shalt  }
0x65: {  	_ =	shalt  }
0x66: {  	_ =	shalt  }
0x67: {  	_ =	shalt  }
0x68: {  	_ =	shalt  }
0x69: {  	_ =	shalt  }
0x6a: {  	_ =	shalt  }
0x6b: {  	_ =	shalt  }
0x6c: {  	_ =	shalt  }
0x6d: {  	_ =	shalt  }
0x6e: {  	_ =	shalt  }
0x6f: {  	_ =	shalt  }
0x70: {  	_ =	shalt  }
0x71: {  	_ =	shalt  }
0x72: {  	_ =	shalt  }
0x73: {  	_ =	shalt  }
0x74: {  	_ =	shalt  }
0x75: {  	_ =	shalt  }
0x76: {  	_ =	shalt  }
0x77: {  	_ =	shalt  }
0x78: {  	_ =	shalt  }
0x79: {  	_ =	shalt  }
0x7a: {  	_ =	shalt  }
0x7b: {  	_ =	shalt  }
0x7c: {  	_ =	shalt  }
0x7d: {  	_ =	shalt  }
0x7e: {  	_ =	shalt  }
0x7f: {  	_ =	shalt  }
0x80: {  	_ =	shalt  }
0x81: {  	_ =	shalt  }
0x82: {  	_ =	shalt  }
0x83: {  	_ =	shalt  }
0x84: {  	_ =	shalt  }
0x85: {  	_ =	shalt  }
0x86: {  	_ =	shalt  }
0x87: {  	_ =	shalt  }
.Lfunc_end0:
.L_simem_size_0:
called_computation_lowered:
.L_overlay_start_0:
0x88: {  	s2 =	sld [smem:$0x3FD9]  }
0x89: {  	s3 =	sld [smem:$0x3FFE];
	_ =	sdelay $0x1  }
0x8a: {  	s1 =	srdreg.scid  }
0x8b: {  	s0 =	sand.u32 $0x1, s1  }
0x8c: {  	s17 =	sshll.u32 s0, $0xA;
	s2 =	sadd.s32 s3, s2  }
0x8d: {  	s2 =	sadd.s32 s2, s17  }
0x8e: {  	[smem:$0x3FC6] =	sst s2  }
0x8f: {  	_ = 	snop  }
0x90: {  	s2 =	sld [smem:$0x3FD0];
	(tm) =	ssettm $0x1  }
0x91: {  	s18 =	sld [smem:$0x3FFB];
	_ =	sdelay $0x3  }
0x92: {  	_ =	strace s18  }
0x93: {  	s3 =	sld [smem:$0x3FFC];
	_ =	sdelay $0x3  }
0x94: {  	_ =	strace s3  }
0x95: {  	s3 =	sld [smem:$0x3FFD];
	_ =	sdelay $0x3  }
0x96: {  	_ =	strace s3  }
0x97: {  	_ =	strace $0x8FFFFFFF  }
0x98: {  	s19 =	sld [smem:$0x3FDB];
	_ =	sdelay $0x1  }
0x99: {  	s4 =	simm.s32 $_scs_section_size  }
0x9a: {  	s5 =	simm.s32 $_size__tile_overlayer_lowered;
	s6 =	simm.s32 $_tile_overlayer_lowered  }
0x9b: {  	s22 =	simm.s32 $0x1BFF;
	s21 =	sshll.u32 s6, $0x1;
	s3 =	sadd.s32 s4, s19  }
0x9c: {  	s7 =	simm.s32 $0x0;
	s20 =	sshll.u32 s5, $0x1;
	s5 =	sadd.s32 s21, s3  }
0x9d: {  	[timem:s7], [sflag:s22] =	dma.local [hbm:s5], s20  }
0x9e: {  	_ =	swait.ge [sflag:s22], s20  }
0x9f: {  	s4 =	ssub.s32 $0x0, s20;
	[sflag:s22] =	ssyncset.done $0x0  }
0xa0: {  	[sflag:s22] =	ssyncadd.s32 s4;
	_ =	sdelay $0x1  }
0xa1: {  	s23 =	simm.s32 $0x1B8B  }
0xa2: {  	_ =	swait.ge [sflag:s23], $0x1  }
0xa3: {  	[sflag:s23] =	ssyncset.done $0x0  }
0xa4: {  	s25 =	simm.s32 $0x1B8E;
	s24 =	sld [smem:$0x3FFE];
	[sflag:s23] =	ssyncadd.s32 $0xFFFFFFFF  }
0xa5: {  	s26 =	simm.s32 $execute0_lowered;
	[smem:$0x3FD2] =	sst s25  }
0xa6: {  	s5 =	sshll.u32 s26, $0x1;
	_ =	strace $0x80000046;
	[dreg:$0x1] =	wrdreg $0xFFFFFFFF  }
0xa7: {  	s28 =	simm.s32 $_size_execute0_lowered;
	s3 =	sadd.s32 s3, s5;
	[dreg:$0x0] =	wrdreg $0x0  }
0xa8: {  	s5 =	sshll.u32 s28, $0x1;
	[dreg:$0x2] =	wrdreg s3  }
0xa9: {  	[dreg:$0x3] =	wrdreg s5  }
0xaa: {  	[dreg:$0x4] =	wrdreg $0xC0  }
0xab: {  	_ =	task [dreg:s7], $0x5FFFF  }
0xac: {  	[dreg:$0x1] =	wrdreg $0xFFFFFFFF  }
0xad: {  	[dreg:$0x0] =	wrdreg $0x60  }
0xae: {  	[dreg:$0x2] =	wrdreg s24  }
0xaf: {  	[dreg:$0x3] =	wrdreg s2  }
0xb0: {  	[dreg:$0x4] =	wrdreg $0x9  }
0xb1: {  	_ =	task.clear_ibuf [dreg:s7], $0x5FFFF;
	_ =	strace $0x90000046  }
0xb2: {  	s29 =	simm.s32 $0x9;
	_ =	strace $0x80000048  }
0xb3: {  	_ =	swait.ge [sflag:s29], $0x1  }
0xb4: {  	[sflag:s29] =	ssyncadd.s32 $0xFFFFFFFF  }
0xb5: {  	_ =	strace $0x90000048  }
0xb6: {  	_ =	sfence  }
0xb7: {  	s30 =	sld [smem:$0x0];
	_ =	sdelay $0x2  }
0xb8: {  	s31 =	sshll.u32 s1, $0xD;
	s1 =	sshrl.u32 s1, $0x2  }
0xb9: {  	s3 =	sand.u32 $0x4000, s31;
	s1 =	sadd.s32 s1, s30  }
0xba: {  	s0 =	sor.u32 s3, s0;
	s1 =	sshll.u32 s1, $0x11  }
0xbb: {  	s0 =	sor.u32 s1, s0  }
0xbc: {  	s0 =	sadd.s32 $0x8F2B, s0  }
0xbd: {  	[sflag:s0] =	ssyncadd.remote.s32 $0x1  }
0xbe: {  	_ =	sfence.sel $0xFFFF  }
0xbf: {  	[dreg:$0x0] =	wrdreg $0xFFFFFFFF;
	(pc) =	sbr.abs _section_cstart, $3  }
0xc0: {  	[dreg:$0x1] =	wrdreg $0xFFFFFFFF  }
0xc1: {  	_ =	task.clear_ibuf [dreg:s7], $0x2FFFF;
	_ =	strace $0x9FFFFFFF  }
0xc2: {  	(tm) =	ssettm $0x7FFFFFFF  }
0xc3: {  	_ =	shalt  }
tec
execute0_lowered:
.L_overlay_start_1:
0x0: {  	(tag) =	ssettag $0x1  }
0x1: {  	s0 =	rddreg [dreg:$0x0]  }
0x2: {  	s2 =	rddreg [dreg:$0x1]  }
0x3: {  	s1 =	srdreg.scid;
	s3 =	stileid.u32;
	s4 =	simm.s32 $0x0  }
0x4: {  	s15 =	simm.s32 $0x80;
	s18 =	simm.s32 $0x6400;
	s19 =	simm.s32 $0xA400  }
0x5: {  	s28 =	simm.s32 $0x8000;
	s29 =	simm.s32 $0x2;
	s30 =	simm.s32 $0x18400  }
0x6: {  	s31 =	simm.s32 $0x5;
	s16 =	simm.s32 $0x6;
	s11 =	simm.s32 $0x0  }
0x7: {  	s1 =	sand.u32 $0x1, s1;
	s3 =	sshll.u32 s3, $0x1;
	[smem:$0x7FF] =	sst s4  }
0x8: {  	s4 =	sadd.s32 $0xF5BA00, s0;
	s7 =	sadd.s32 $0x8000, s2;
	s3 =	sor.u32 s1, s3  }
0x9: {  	s8 =	sadd.s32 $0x10000, s2;
	s9 =	sadd.s32 $0x18000, s2;
	s20 =	sshll.u32 s3, $0x4  }
0xa: {  	_ =	strace $0x80000047;
	s6 =	sshll.u32 s3, $0x7;
	s5 =	sadd.s32 s20, s0  }
0xb: {  	s1 =	ssub.s32 $0x2, s1;
	s23 =	sadd.s32 s6, s2;
	s22 =	sadd.s32 $0xF42A00, s5  }
0xc: {  	s21 =	sshrl.u32 s1, $0x1;
	s24 =	sadd.s32 $0x620000, s23;
	[dreg:$0x3] =	wrdreg s22  }
0xd: {  	s3 =	simm.s32 $0x7;
	s25 =	sadd.s32 $0x628000, s23;
	[dreg:$0x4] =	wrdreg s24  }
0xe: {  	s0 =	ssub.s32 s1, s21;
	s26 =	sadd.s32 $0x630000, s23;
	[dreg:$0x5] =	wrdreg s25  }
0xf: {  	s21 =	simm.s32 $0xE400;
	s1 =	sadd.s32 $0x638000, s23;
	[dreg:$0x6] =	wrdreg s26  }
0x10: {  	s20 =	simm.s32 $0x4;
	s0 =	smax.u32 s0, $0x1;
	[dreg:$0x7] =	wrdreg s1  }
0x11: {  	v0 =	vlaneseq.u32;
	s23 =	simm.s32 $0x12400;
	s5 =	simm.s32 $0x8;
	[dreg:$0x8] =	wrdreg s0  }
0x12: {  	v1 =	vand.u32 $0x7, v0;
	s24 =	simm.s32 $0x1;
	s25 =	simm.s32 $0x16400;
	s26 =	simm.s32 $0x400  }
0x13: {  	v3 =	vor.u32 $0x78, v0;
	v2 =	vmul.u32 $0x81, v1;
	s0 =	simm.s32 $0x3;
	s1 =	simm.s32 $0x1A400;
	s22 =	simm.s32 $0x1C400  }
.LBB2_1:
0x14: {  	[dreg:$0x9] =	wrdreg s11;
	s10 =	simm.s32 $0x0  }
0x15: {  	s17 =	rddreg [dreg:$0x3];
	s12 =	simm.s32 $0x1000;
	s13 =	simm.s32 $0x9  }
0x16: {  	[tilespmem:s10], [sflag:$0x9] =	stream.strided.gather [hbm4b:s17+s15], $0x6400, s12, s15, $0x38;
	[tilespmem:$0x1E410] =	vst v63  }
0x17: {  	_ =	swait.ge [sflag:s13], $0x6400  }
0x18: {  	[sflag:s13] =	ssyncset.done $0x0  }
0x19: {  	[sflag:s13] =	ssyncadd.s32 $0xFFFF9C00  }
0x1a: {  	[tilespmem:s18], [sflag:$0x1] =	stream.indirect.gather [hbm4b:s4+s15], $0x80, s10, s15, $0xb8;
	[tilespmem:$0x1E410] =	vst v63  }
0x1b: {  	_ = 	snop  }
0x1c: {  	[tilespmem:s19], [sflag:$0x2] =	stream.indirect.gather [hbm4b:s4+s15], $0x80, s15, s15, $0xb8;
	[tilespmem:$0x1E410] =	vst v63  }
0x1d: {  	s14 =	simm.s32 $0x100  }
0x1e: {  	[tilespmem:s21], [sflag:$0x3] =	stream.indirect.gather [hbm4b:s4+s15], $0x80, s14, s15, $0xb8;
	[tilespmem:$0x1E410] =	vst v63  }
0x1f: {  	s11 =	simm.s32 $0x0;
	s17 =	simm.s32 $0x180  }
0x20: {  	[tilespmem:s23], [sflag:$0x4] =	stream.indirect.gather [hbm4b:s4+s15], $0x80, s17, s15, $0xb8;
	[tilespmem:$0x1E410] =	vst v63  }
.LBB2_2:
0x21: {  	_ =	swait.ge [sflag:s24], $0x4000  }
0x22: {  	[sflag:s24] =	ssyncset.done $0x0  }
0x23: {  	s12 =	simm.s32 $0x0;
	[sflag:s24] =	ssyncadd.s32 $0xFFFFC000  }
.LBB2_3:
0x24: {  	s13 =	sshll.u32 s12, $0x4  }
0x25: {  	v7 =	vor.u32 s13, v0  }
0x26: {  	v6 =	vshll.u32 v7, $0x7;
	v5 =	vand.u32 $0x78, v7  }
0x27: {  	p0 =	por $0x1, $0x1;
	s13 =	simm.s32 $0x0;
	v7 =	vand.u32 v3, v7;
	v4 =	vor.u32 v1, v6;
	v5 =	vor.u32 v2, v5  }
.LBB2_4:
0x28: {  	v8 =	vadd.s32 s13, v0;
	s14 =	sor.u32 $0x1, s13  }
0x29: {  	s10 =	sor.u32 $0x2, s13;
	s17 =	sor.u32 $0x3, s13;
	v9 =	vand.u32 $0x8, v8;
	v10 =	vadd.s32 s14, v0  }
0x2a: {  	v12 =	vadd.s32 s10, v0;
	v8 =	vshll.u32 v8, $0x7;
	v14 =	vadd.s32 s17, v0  }
0x2b: {  	v9 =	vor.u32 v9, v4;
	v11 =	vand.u32 $0xF, v10;
	v13 =	vand.u32 $0xF, v12  }
0x2c: {  	s10 =	sor.u32 $0x4, s13;
	s17 =	sor.u32 $0x5, s13;
	v8 =	vand.u32 $0x400, v8;
	v10 =	vshll.u32 v10, $0x7;
	v15 =	vand.u32 $0xF, v14  }
0x2d: {  	v16 =	vadd.s32 s10, v0;
	v18 =	vadd.s32 s17, v0;
	v11 =	vor.u32 v6, v11  }
0x2e: {  	v12 =	vshll.u32 v12, $0x7;
	v14 =	vshll.u32 v14, $0x7;
	v13 =	vor.u32 v6, v13  }
0x2f: {  	s10 =	sor.u32 $0x6, s13;
	v8 =	vor.u32 v8, v5;
	v15 =	vor.u32 v6, v15;
	v17 =	vand.u32 $0xF, v16  }
0x30: {  	s17 =	sor.u32 $0x7, s13;
	v19 =	vand.u32 $0xF, v18;
	v20 =	vadd.s32 s10, v0;
	v17 =	vor.u32 v6, v17  }
0x31: {  	v22 =	vadd.s32 s17, v0;
	v19 =	vor.u32 v6, v19;
	v21 =	vand.u32 $0xF, v20;
	v9 =	vld.idx.msk [tilespmem:v9+s18+$0x0], $0xffff  }
0x32: {  	v10 =	vand.u32 $0x780, v10;
	v23 =	vand.u32 $0xF, v22;
	v21 =	vor.u32 v6, v21;
	v11 =	vld.idx.msk [tilespmem:v11+s18+$0x0], $0xffff  }
0x33: {  	v12 =	vand.u32 $0x780, v12;
	v14 =	vand.u32 $0x780, v14;
	v23 =	vor.u32 v6, v23;
	v13 =	vld.idx.msk [tilespmem:v13+s18+$0x0], $0xffff  }
0x34: {  	v16 =	vshll.u32 v16, $0x7;
	v18 =	vshll.u32 v18, $0x7;
	v10 =	vor.u32 v10, v7;
	v15 =	vld.idx.msk [tilespmem:v15+s18+$0x0], $0xffff  }
0x35: {  	v12 =	vor.u32 v12, v7;
	v14 =	vor.u32 v14, v7;
	v16 =	vand.u32 $0x780, v16;
	v17 =	vld.idx.msk [tilespmem:v17+s18+$0x0], $0xffff  }
0x36: {  	v18 =	vand.u32 $0x780, v18;
	v20 =	vshll.u32 v20, $0x7;
	v19 =	vld.idx.msk [tilespmem:v19+s18+$0x0], $0xffff;
	v9 =	vmul.f32 $8.000000000e+00, v9  }
0x37: {  	v61 =	vshll.u32 v22, $0x7;
	v16 =	vor.u32 v16, v7;
	v21 =	vld.idx.msk [tilespmem:v21+s18+$0x0], $0xffff;
	v11 =	vmul.f32 $8.000000000e+00, v11  }
0x38: {  	v60 =	vld.idx.msk [tilespmem:v23+s18+$0x0], $0xffff;
	v13 =	vmul.f32 $8.000000000e+00, v13;
	[tilespmem:v8+s25+$0x0] =	vst.idx.msk $0xffff, v9;
	v8 =	vor.u32 v18, v7;
	v9 =	vand.u32 $0x780, v20  }
0x39: {  	[tilespmem:v10+s25+$0x0] =	vst.idx.msk $0xffff, v11;
	v10 =	vmul.f32 $8.000000000e+00, v15;
	v9 =	vor.u32 v9, v7;
	v11 =	vand.u32 $0x780, v61  }
0x3a: {  	p1 =	por p0, p0;
	v62 =	vmul.f32 $8.000000000e+00, v17;
	[tilespmem:v12+s25+$0x0] =	vst.idx.msk $0xffff, v13;
	v11 =	vor.u32 v11, v7  }
.Ltmp0:
0x3b: {  	[tilespmem:v14+s25+$0x0] =	vst.idx.msk $0xffff, v10;
	v10 =	vmul.f32 $8.000000000e+00, v19;
	(pc) =	sbr.rel @p1 .LBB2_4-.Ltmp0, $4  }
0x3c: {  	v63 =	vmul.f32 $8.000000000e+00, v21;
	[tilespmem:v16+s25+$0x0] =	vst.idx.msk $0xffff, v62  }
0x3d: {  	[tilespmem:v8+s25+$0x0] =	vst.idx.msk $0xffff, v10;
	v8 =	vmul.f32 $8.000000000e+00, v60  }
0x3e: {  	[tilespmem:v9+s25+$0x0] =	vst.idx.msk $0xffff, v63  }
0x3f: {  	p0 =	por $0x0, $0x0;
	s13 =	simm.s32 $0x8;
	[tilespmem:v11+s25+$0x0] =	vst.idx.msk $0xffff, v8  }
0x40: {  	[tilespmem:$0x1E400] =	vst v8;
	v8 =	vor.u32 $0x10, v6;
	v9 =	vor.u32 $0x800, v7;
	s13 =	simm.s32 $0x0;
	p0 =	por $0x1, $0x1  }
.LBB2_6:
0x41: {  	v10 =	vadd.s32 s13, v0  }
0x42: {  	v10 =	vor.u32 $0x10, v10  }
0x43: {  	s14 =	sor.u32 $0x1, s13;
	s10 =	sor.u32 $0x2, s13;
	v11 =	vand.u32 $0x18, v10  }
0x44: {  	s17 =	sor.u32 $0x3, s13;
	v12 =	vadd.s32 s14, v0;
	v14 =	vadd.s32 s10, v0;
	v11 =	vor.u32 v11, v4  }
0x45: {  	v16 =	vadd.s32 s17, v0;
	s10 =	sor.u32 $0x4, s13;
	v13 =	vor.u32 v8, v12;
	v15 =	vor.u32 v8, v14  }
0x46: {  	s17 =	sor.u32 $0x5, s13;
	v10 =	vshll.u32 v10, $0x7;
	v17 =	vor.u32 v8, v16;
	v18 =	vadd.s32 s10, v0  }
0x47: {  	v20 =	vadd.s32 s17, v0;
	v12 =	vshll.u32 v12, $0x7;
	v14 =	vshll.u32 v14, $0x7  }
0x48: {  	s10 =	sor.u32 $0x6, s13;
	v16 =	vshll.u32 v16, $0x7;
	v10 =	vand.u32 $0xC00, v10;
	v19 =	vor.u32 v8, v18  }
0x49: {  	s17 =	sor.u32 $0x7, s13;
	v21 =	vor.u32 v8, v20;
	v22 =	vadd.s32 s10, v0;
	v12 =	vand.u32 $0x780, v12;
	v11 =	vld.idx.msk [tilespmem:v11+s18+$0x0], $0xffff  }
0x4a: {  	v24 =	vadd.s32 s17, v0;
	v14 =	vand.u32 $0x780, v14;
	v23 =	vor.u32 v8, v22;
	v13 =	vld.idx.msk [tilespmem:v13+s18+$0x0], $0xffff  }
0x4b: {  	v16 =	vand.u32 $0x780, v16;
	v10 =	vor.u32 v10, v5;
	v25 =	vor.u32 v8, v24;
	v15 =	vld.idx.msk [tilespmem:v15+s18+$0x0], $0xffff  }
0x4c: {  	v18 =	vshll.u32 v18, $0x7;
	v20 =	vshll.u32 v20, $0x7;
	v12 =	vor.u32 v9, v12;
	v17 =	vld.idx.msk [tilespmem:v17+s18+$0x0], $0xffff  }
0x4d: {  	v14 =	vor.u32 v9, v14;
	v16 =	vor.u32 v9, v16;
	v18 =	vand.u32 $0x780, v18;
	v19 =	vld.idx.msk [tilespmem:v19+s18+$0x0], $0xffff  }
0x4e: {  	v20 =	vand.u32 $0x780, v20;
	v22 =	vshll.u32 v22, $0x7;
	v21 =	vld.idx.msk [tilespmem:v21+s18+$0x0], $0xffff;
	v11 =	vmul.f32 $8.000000000e+00, v11  }
0x4f: {  	v58 =	vshll.u32 v24, $0x7;
	v18 =	vor.u32 v9, v18;
	v23 =	vld.idx.msk [tilespmem:v23+s18+$0x0], $0xffff;
	v13 =	vmul.f32 $8.000000000e+00, v13  }
0x50: {  	v57 =	vld.idx.msk [tilespmem:v25+s18+$0x0], $0xffff;
	v15 =	vmul.f32 $8.000000000e+00, v15;
	[tilespmem:v10+s25+$0x0] =	vst.idx.msk $0xffff, v11;
	v10 =	vor.u32 v9, v20;
	v11 =	vand.u32 $0x780, v22  }
0x51: {  	v60 =	vand.u32 $0x780, v58;
	v59 =	vmul.f32 $8.000000000e+00, v17;
	[tilespmem:v12+s25+$0x0] =	vst.idx.msk $0xffff, v13;
	v11 =	vor.u32 v9, v11  }
0x52: {  	p1 =	por p0, p0;
	v61 =	vmul.f32 $8.000000000e+00, v19;
	[tilespmem:v14+s25+$0x0] =	vst.idx.msk $0xffff, v15;
	v13 =	vor.u32 v9, v60  }
.Ltmp1:
0x53: {  	v62 =	vmul.f32 $8.000000000e+00, v21;
	[tilespmem:v16+s25+$0x0] =	vst.idx.msk $0xffff, v59;
	(pc) =	sbr.rel @p1 .LBB2_6-.Ltmp1, $4  }
0x54: {  	v63 =	vmul.f32 $8.000000000e+00, v23;
	[tilespmem:v18+s25+$0x0] =	vst.idx.msk $0xffff, v61  }
0x55: {  	[tilespmem:v10+s25+$0x0] =	vst.idx.msk $0xffff, v62;
	v10 =	vmul.f32 $8.000000000e+00, v57  }
0x56: {  	[tilespmem:v11+s25+$0x0] =	vst.idx.msk $0xffff, v63  }
0x57: {  	p0 =	por $0x0, $0x0;
	s13 =	simm.s32 $0x8;
	[tilespmem:v13+s25+$0x0] =	vst.idx.msk $0xffff, v10  }
0x58: {  	[tilespmem:$0x1E400] =	vst v10;
	s13 =	simm.s32 $0x0;
	p0 =	por $0x1, $0x1  }
.LBB2_8:
0x59: {  	s14 =	sor.u32 $0x1, s13;
	v8 =	vadd.s32 s13, v0  }
0x5a: {  	s10 =	sor.u32 $0x2, s13;
	s17 =	sor.u32 $0x3, s13;
	v9 =	vadd.s32 s14, v0;
	v8 =	vand.u32 $0xF, v8  }
0x5b: {  	v42 =	vadd.s32 s10, v0;
	v17 =	vadd.s32 s17, v0;
	v10 =	vand.u32 $0xF, v9  }
0x5c: {  	v8 =	vor.u32 $0x20, v8;
	v13 =	vand.u32 $0x7, v9;
	v9 =	vshll.u32 v9, $0x7  }
0x5d: {  	s10 =	sor.u32 $0x4, s13;
	v14 =	vand.u32 $0xF, v42;
	v16 =	vand.u32 $0x7, v42;
	v43 =	vand.u32 $0xF, v17  }
0x5e: {  	s17 =	sor.u32 $0x5, s13;
	v18 =	vand.u32 $0x7, v17;
	v46 =	vadd.s32 s10, v0;
	v17 =	vshll.u32 v17, $0x7  }
0x5f: {  	v21 =	vadd.s32 s17, v0;
	v10 =	vor.u32 $0x20, v10;
	v11 =	vand.u32 $0x28, v8  }
0x60: {  	v8 =	vshll.u32 v8, $0x7;
	v9 =	vand.u32 $0x380, v9;
	v14 =	vor.u32 $0x20, v14  }
0x61: {  	v47 =	vand.u32 $0xF, v46;
	v17 =	vand.u32 $0x380, v17;
	v20 =	vand.u32 $0x7, v46  }
0x62: {  	s10 =	sor.u32 $0x6, s13;
	s17 =	sor.u32 $0x7, s13;
	v49 =	vand.u32 $0xF, v21;
	v22 =	vand.u32 $0x7, v21;
	v52 =	vshll.u32 v21, $0x7  }
0x63: {  	v53 =	vadd.s32 s10, v0;
	v23 =	vadd.s32 s17, v0;
	v12 =	vand.u32 $0x28, v10  }
0x64: {  	v11 =	vor.u32 v11, v4;
	v8 =	vand.u32 $0x1400, v8;
	v10 =	vshll.u32 v10, $0x7  }
0x65: {  	v15 =	vand.u32 $0x28, v14;
	v14 =	vshll.u32 v14, $0x7;
	v54 =	vand.u32 $0xF, v53  }
0x66: {  	v56 =	vand.u32 $0xF, v23;
	v25 =	vand.u32 $0x7, v53;
	v26 =	vand.u32 $0x7, v23  }
0x67: {  	v21 =	vshll.u32 v53, $0x7;
	v23 =	vshll.u32 v23, $0x7;
	v12 =	vor.u32 v12, v13  }
0x68: {  	v10 =	vand.u32 $0x1400, v10;
	v13 =	vshll.u32 v42, $0x7;
	v14 =	vand.u32 $0x1400, v14  }
0x69: {  	v55 =	vor.u32 $0x20, v54;
	v8 =	vor.u32 v8, v5;
	v21 =	vand.u32 $0x380, v21  }
0x6a: {  	v60 =	vand.u32 $0x380, v23;
	v12 =	vor.u32 v6, v12;
	v9 =	vor.u32 v10, v9  }
0x6b: {  	v10 =	vor.u32 v15, v16;
	v15 =	vor.u32 $0x20, v43;
	v13 =	vand.u32 $0x380, v13  }
0x6c: {  	v24 =	vand.u32 $0x28, v55;
	v10 =	vor.u32 v6, v10;
	v44 =	vand.u32 $0x28, v15  }
0x6d: {  	v13 =	vor.u32 v14, v13;
	v15 =	vshll.u32 v15, $0x7;
	v24 =	vor.u32 v24, v25  }
0x6e: {  	v9 =	vor.u32 v7, v9;
	v16 =	vor.u32 v44, v18;
	v18 =	vor.u32 $0x20, v47  }
0x6f: {  	v15 =	vand.u32 $0x1400, v15;
	v24 =	vor.u32 v6, v24;
	v19 =	vand.u32 $0x28, v18  }
0x70: {  	v13 =	vor.u32 v7, v13;
	v48 =	vor.u32 v19, v20;
	v19 =	vor.u32 $0x20, v49  }
0x71: {  	v45 =	vor.u32 v6, v16;
	v15 =	vor.u32 v15, v17;
	v50 =	vand.u32 $0x28, v19  }
0x72: {  	v17 =	vor.u32 v6, v48;
	v20 =	vor.u32 v50, v22;
	v22 =	vor.u32 $0x20, v56  }
0x73: {  	v18 =	vshll.u32 v18, $0x7;
	v11 =	vld.idx.msk [tilespmem:v11+s18+$0x0], $0xffff;
	v51 =	vor.u32 v6, v20;
	v57 =	vand.u32 $0x28, v22  }
0x74: {  	v16 =	vshll.u32 v46, $0x7;
	v18 =	vand.u32 $0x1400, v18;
	v12 =	vld.idx.msk [tilespmem:v12+s18+$0x0], $0xffff;
	v25 =	vor.u32 v57, v26  }
0x75: {  	v16 =	vand.u32 $0x380, v16;
	v19 =	vshll.u32 v19, $0x7;
	v10 =	vld.idx.msk [tilespmem:v10+s18+$0x0], $0xffff;
	v25 =	vor.u32 v6, v25  }
0x76: {  	v15 =	vor.u32 v7, v15;
	v19 =	vand.u32 $0x1400, v19;
	v20 =	vand.u32 $0x380, v52;
	v14 =	vld.idx.msk [tilespmem:v45+s18+$0x0], $0xffff  }
0x77: {  	v16 =	vor.u32 v18, v16;
	v19 =	vor.u32 v19, v20;
	v20 =	vshll.u32 v55, $0x7;
	v17 =	vld.idx.msk [tilespmem:v17+s18+$0x0], $0xffff  }
0x78: {  	v16 =	vor.u32 v7, v16;
	v11 =	vmul.f32 $8.000000000e+00, v11;
	v20 =	vand.u32 $0x1400, v20;
	v18 =	vld.idx.msk [tilespmem:v51+s18+$0x0], $0xffff  }
0x79: {  	v58 =	vld.idx.msk [tilespmem:v24+s18+$0x0], $0xffff;
	v22 =	vshll.u32 v22, $0x7;
	v20 =	vor.u32 v20, v21;
	v12 =	vmul.f32 $8.000000000e+00, v12  }
0x7a: {  	v59 =	vand.u32 $0x1400, v22;
	[tilespmem:v8+s25+$0x0] =	vst.idx.msk $0xffff, v11;
	v8 =	vor.u32 v7, v19;
	v10 =	vmul.f32 $8.000000000e+00, v10;
	v11 =	vld.idx.msk [tilespmem:v25+s18+$0x0], $0xffff  }
0x7b: {  	v62 =	vor.u32 v7, v20;
	[tilespmem:v9+s25+$0x0] =	vst.idx.msk $0xffff, v12;
	v9 =	vor.u32 v59, v60;
	v61 =	vmul.f32 $8.000000000e+00, v14  }
0x7c: {  	p1 =	por p0, p0;
	[tilespmem:v13+s25+$0x0] =	vst.idx.msk $0xffff, v10;
	v9 =	vor.u32 v7, v9;
	v10 =	vmul.f32 $8.000000000e+00, v17  }
.Ltmp2:
0x7d: {  	[tilespmem:v15+s25+$0x0] =	vst.idx.msk $0xffff, v61;
	v63 =	vmul.f32 $8.000000000e+00, v18;
	(pc) =	sbr.rel @p1 .LBB2_8-.Ltmp2, $4  }
0x7e: {  	[tilespmem:v16+s25+$0x0] =	vst.idx.msk $0xffff, v10;
	v10 =	vmul.f32 $8.000000000e+00, v58  }
0x7f: {  	[tilespmem:v8+s25+$0x0] =	vst.idx.msk $0xffff, v63;
	v8 =	vmul.f32 $8.000000000e+00, v11  }
0x80: {  	[tilespmem:v62+s25+$0x0] =	vst.idx.msk $0xffff, v10  }
0x81: {  	p0 =	por $0x0, $0x0;
	s13 =	simm.s32 $0x8;
	[tilespmem:v9+s25+$0x0] =	vst.idx.msk $0xffff, v8  }
0x82: {  	[tilespmem:$0x1E400] =	vst v8;
	v6 =	vor.u32 $0x30, v6;
	v7 =	vor.u32 $0x1800, v7;
	s13 =	simm.s32 $0x0;
	p0 =	por $0x1, $0x1  }
.LBB2_10:
0x83: {  	v8 =	vadd.s32 s13, v0  }
0x84: {  	v8 =	vor.u32 $0x30, v8  }
0x85: {  	s14 =	sor.u32 $0x1, s13;
	s10 =	sor.u32 $0x2, s13;
	v9 =	vand.u32 $0x38, v8  }
0x86: {  	s17 =	sor.u32 $0x3, s13;
	v10 =	vadd.s32 s14, v0;
	v12 =	vadd.s32 s10, v0;
	v9 =	vor.u32 v9, v4  }
0x87: {  	v14 =	vadd.s32 s17, v0;
	s10 =	sor.u32 $0x4, s13;
	v11 =	vor.u32 v6, v10;
	v13 =	vor.u32 v6, v12  }
0x88: {  	s17 =	sor.u32 $0x5, s13;
	v8 =	vshll.u32 v8, $0x7;
	v15 =	vor.u32 v6, v14;
	v16 =	vadd.s32 s10, v0  }
0x89: {  	v18 =	vadd.s32 s17, v0;
	v10 =	vshll.u32 v10, $0x7;
	v12 =	vshll.u32 v12, $0x7  }
0x8a: {  	s10 =	sor.u32 $0x6, s13;
	v14 =	vshll.u32 v14, $0x7;
	v8 =	vand.u32 $0x1C00, v8;
	v17 =	vor.u32 v6, v16  }
0x8b: {  	s17 =	sor.u32 $0x7, s13;
	v19 =	vor.u32 v6, v18;
	v20 =	vadd.s32 s10, v0;
	v10 =	vand.u32 $0x780, v10;
	v9 =	vld.idx.msk [tilespmem:v9+s18+$0x0], $0xffff  }
0x8c: {  	v22 =	vadd.s32 s17, v0;
	v12 =	vand.u32 $0x780, v12;
	v21 =	vor.u32 v6, v20;
	v11 =	vld.idx.msk [tilespmem:v11+s18+$0x0], $0xffff  }
0x8d: {  	v14 =	vand.u32 $0x780, v14;
	v8 =	vor.u32 v8, v5;
	v23 =	vor.u32 v6, v22;
	v13 =	vld.idx.msk [tilespmem:v13+s18+$0x0], $0xffff  }
0x8e: {  	v16 =	vshll.u32 v16, $0x7;
	v18 =	vshll.u32 v18, $0x7;
	v10 =	vor.u32 v7, v10;
	v15 =	vld.idx.msk [tilespmem:v15+s18+$0x0], $0xffff  }
0x8f: {  	v12 =	vor.u32 v7, v12;
	v14 =	vor.u32 v7, v14;
	v16 =	vand.u32 $0x780, v16;
	v17 =	vld.idx.msk [tilespmem:v17+s18+$0x0], $0xffff  }
0x90: {  	v18 =	vand.u32 $0x780, v18;
	v20 =	vshll.u32 v20, $0x7;
	v19 =	vld.idx.msk [tilespmem:v19+s18+$0x0], $0xffff;
	v9 =	vmul.f32 $8.000000000e+00, v9  }
0x91: {  	v61 =	vshll.u32 v22, $0x7;
	v16 =	vor.u32 v7, v16;
	v21 =	vld.idx.msk [tilespmem:v21+s18+$0x0], $0xffff;
	v11 =	vmul.f32 $8.000000000e+00, v11  }
0x92: {  	v60 =	vld.idx.msk [tilespmem:v23+s18+$0x0], $0xffff;
	v13 =	vmul.f32 $8.000000000e+00, v13;
	[tilespmem:v8+s25+$0x0] =	vst.idx.msk $0xffff, v9;
	v8 =	vor.u32 v7, v18;
	v9 =	vand.u32 $0x780, v20  }
0x93: {  	[tilespmem:v10+s25+$0x0] =	vst.idx.msk $0xffff, v11;
	v10 =	vmul.f32 $8.000000000e+00, v15;
	v11 =	vand.u32 $0x780, v61;
	v9 =	vor.u32 v7, v9  }
0x94: {  	p1 =	por p0, p0;
	v62 =	vmul.f32 $8.000000000e+00, v17;
	[tilespmem:v12+s25+$0x0] =	vst.idx.msk $0xffff, v13;
	v11 =	vor.u32 v7, v11  }
.Ltmp3:
0x95: {  	[tilespmem:v14+s25+$0x0] =	vst.idx.msk $0xffff, v10;
	v10 =	vmul.f32 $8.000000000e+00, v19;
	(pc) =	sbr.rel @p1 .LBB2_10-.Ltmp3, $4  }
0x96: {  	v63 =	vmul.f32 $8.000000000e+00, v21;
	[tilespmem:v16+s25+$0x0] =	vst.idx.msk $0xffff, v62  }
0x97: {  	[tilespmem:v8+s25+$0x0] =	vst.idx.msk $0xffff, v10;
	v8 =	vmul.f32 $8.000000000e+00, v60  }
0x98: {  	[tilespmem:v9+s25+$0x0] =	vst.idx.msk $0xffff, v63  }
0x99: {  	p0 =	por $0x0, $0x0;
	s13 =	simm.s32 $0x8;
	[tilespmem:v11+s25+$0x0] =	vst.idx.msk $0xffff, v8  }
0x9a: {  	s12 =	sadd.s32 $0x1, s12  }
0x9b: {  	p0 =	sne.s32 s12, $0x8  }
.Ltmp4:
0x9c: {  	_ = 	snop;
	(pc) =	sbr.rel @p0 .LBB2_3-.Ltmp4, $2  }
0x9d: {  	_ =	sdelay $0x2  }
0x9e: {  	[tilespmem:$0x1E400] =	vst v8  }
0x9f: {  	s12 =	sshll.u32 s11, $0x11  }
0xa0: {  	s12 =	sor.u32 s6, s12  }
0xa1: {  	s13 =	sadd.s32 s2, s12  }
0xa2: {  	[hbm4b:s13+s26] =	stream.strided.scatter [tilespmem:s25], [sflag:$0x5], $0x2000, s28, s26, $0x38;
	[tilespmem:$0x1E410] =	vst v63  }
0xa3: {  	_ =	swait.ge [sflag:s29], $0x4000  }
0xa4: {  	[sflag:s29] =	ssyncset.done $0x0  }
0xa5: {  	s13 =	simm.s32 $0x0;
	[sflag:s29] =	ssyncadd.s32 $0xFFFFC000  }
.LBB2_13:
0xa6: {  	s14 =	sshll.u32 s13, $0x4  }
0xa7: {  	v7 =	vor.u32 s14, v0  }
0xa8: {  	v6 =	vshll.u32 v7, $0x7;
	v5 =	vand.u32 $0x78, v7  }
0xa9: {  	p0 =	por $0x1, $0x1;
	s14 =	simm.s32 $0x0;
	v7 =	vand.u32 v3, v7;
	v4 =	vor.u32 v1, v6;
	v5 =	vor.u32 v2, v5  }
.LBB2_14:
0xaa: {  	v8 =	vadd.s32 s14, v0;
	s17 =	sor.u32 $0x1, s14  }
0xab: {  	s10 =	sor.u32 $0x2, s14;
	v9 =	vand.u32 $0x8, v8;
	v10 =	vadd.s32 s17, v0  }
0xac: {  	v12 =	vadd.s32 s10, v0;
	v8 =	vshll.u32 v8, $0x7;
	v9 =	vor.u32 v9, v4  }
0xad: {  	s10 =	sor.u32 $0x3, s14;
	s17 =	sor.u32 $0x7, s14;
	v11 =	vand.u32 $0xF, v10;
	v13 =	vand.u32 $0xF, v12;
	v8 =	vand.u32 $0x400, v8  }
0xae: {  	v14 =	vadd.s32 s10, v0;
	v10 =	vshll.u32 v10, $0x7;
	v22 =	vadd.s32 s17, v0  }
0xaf: {  	s10 =	sor.u32 $0x4, s14;
	v12 =	vshll.u32 v12, $0x7;
	v11 =	vor.u32 v6, v11;
	v13 =	vor.u32 v6, v13  }
0xb0: {  	v8 =	vor.u32 v8, v5;
	v15 =	vand.u32 $0xF, v14;
	v16 =	vadd.s32 s10, v0;
	s10 =	sor.u32 $0x5, s14  }
0xb1: {  	v15 =	vor.u32 v6, v15;
	v17 =	vand.u32 $0xF, v16;
	v18 =	vadd.s32 s10, v0;
	s10 =	sor.u32 $0x6, s14  }
0xb2: {  	v17 =	vor.u32 v6, v17;
	v19 =	vand.u32 $0xF, v18;
	v20 =	vadd.s32 s10, v0  }
0xb3: {  	v10 =	vand.u32 $0x780, v10;
	v19 =	vor.u32 v6, v19;
	v21 =	vand.u32 $0xF, v20;
	v9 =	vld.idx.msk [tilespmem:v9+s19+$0x0], $0xffff  }
0xb4: {  	v23 =	vand.u32 $0xF, v22;
	v12 =	vand.u32 $0x780, v12;
	v21 =	vor.u32 v6, v21;
	v11 =	vld.idx.msk [tilespmem:v11+s19+$0x0], $0xffff  }
0xb5: {  	v14 =	vshll.u32 v14, $0x7;
	v61 =	vshll.u32 v22, $0x7;
	v23 =	vor.u32 v6, v23;
	v13 =	vld.idx.msk [tilespmem:v13+s19+$0x0], $0xffff  }
0xb6: {  	v10 =	vor.u32 v10, v7;
	v14 =	vand.u32 $0x780, v14;
	v16 =	vshll.u32 v16, $0x7;
	v15 =	vld.idx.msk [tilespmem:v15+s19+$0x0], $0xffff  }
0xb7: {  	v12 =	vor.u32 v12, v7;
	v14 =	vor.u32 v14, v7;
	v16 =	vand.u32 $0x780, v16;
	v17 =	vld.idx.msk [tilespmem:v17+s19+$0x0], $0xffff  }
0xb8: {  	v18 =	vshll.u32 v18, $0x7;
	v16 =	vor.u32 v16, v7;
	v19 =	vld.idx.msk [tilespmem:v19+s19+$0x0], $0xffff;
	v9 =	vmul.f32 $8.000000000e+00, v9  }
0xb9: {  	v18 =	vand.u32 $0x780, v18;
	v20 =	vshll.u32 v20, $0x7;
	v21 =	vld.idx.msk [tilespmem:v21+s19+$0x0], $0xffff;
	v11 =	vmul.f32 $8.000000000e+00, v11  }
0xba: {  	v60 =	vld.idx.msk [tilespmem:v23+s19+$0x0], $0xffff;
	v13 =	vmul.f32 $8.000000000e+00, v13;
	[tilespmem:v8+s30+$0x0] =	vst.idx.msk $0xffff, v9;
	v8 =	vor.u32 v18, v7;
	v9 =	vand.u32 $0x780, v20  }
0xbb: {  	[tilespmem:v10+s30+$0x0] =	vst.idx.msk $0xffff, v11;
	v10 =	vmul.f32 $8.000000000e+00, v15;
	v9 =	vor.u32 v9, v7;
	v11 =	vand.u32 $0x780, v61  }
0xbc: {  	p1 =	por p0, p0;
	[tilespmem:v12+s30+$0x0] =	vst.idx.msk $0xffff, v13;
	v62 =	vmul.f32 $8.000000000e+00, v17;
	v11 =	vor.u32 v11, v7  }
.Ltmp5:
0xbd: {  	[tilespmem:v14+s30+$0x0] =	vst.idx.msk $0xffff, v10;
	v10 =	vmul.f32 $8.000000000e+00, v19;
	(pc) =	sbr.rel @p1 .LBB2_14-.Ltmp5, $4  }
0xbe: {  	[tilespmem:v16+s30+$0x0] =	vst.idx.msk $0xffff, v62;
	v63 =	vmul.f32 $8.000000000e+00, v21  }
0xbf: {  	[tilespmem:v8+s30+$0x0] =	vst.idx.msk $0xffff, v10;
	v8 =	vmul.f32 $8.000000000e+00, v60  }
0xc0: {  	[tilespmem:v9+s30+$0x0] =	vst.idx.msk $0xffff, v63  }
0xc1: {  	p0 =	por $0x0, $0x0;
	s14 =	simm.s32 $0x8;
	[tilespmem:v11+s30+$0x0] =	vst.idx.msk $0xffff, v8  }
0xc2: {  	[tilespmem:$0x1E400] =	vst v8;
	v8 =	vor.u32 $0x10, v6;
	v9 =	vor.u32 $0x800, v7;
	s14 =	simm.s32 $0x0;
	p0 =	por $0x1, $0x1  }
.LBB2_16:
0xc3: {  	v10 =	vadd.s32 s14, v0  }
0xc4: {  	v10 =	vor.u32 $0x10, v10  }
0xc5: {  	s17 =	sor.u32 $0x1, s14;
	s10 =	sor.u32 $0x2, s14;
	v11 =	vand.u32 $0x18, v10  }
0xc6: {  	v12 =	vadd.s32 s17, v0;
	v14 =	vadd.s32 s10, v0;
	v11 =	vor.u32 v11, v4  }
0xc7: {  	s10 =	sor.u32 $0x3, s14;
	s17 =	sor.u32 $0x7, s14;
	v13 =	vor.u32 v8, v12;
	v15 =	vor.u32 v8, v14;
	v10 =	vshll.u32 v10, $0x7  }
0xc8: {  	v16 =	vadd.s32 s10, v0;
	s10 =	sor.u32 $0x4, s14;
	v12 =	vshll.u32 v12, $0x7;
	v24 =	vadd.s32 s17, v0  }
0xc9: {  	v14 =	vshll.u32 v14, $0x7;
	v17 =	vor.u32 v8, v16;
	v18 =	vadd.s32 s10, v0;
	s10 =	sor.u32 $0x5, s14  }
0xca: {  	v10 =	vand.u32 $0xC00, v10;
	v19 =	vor.u32 v8, v18;
	v20 =	vadd.s32 s10, v0;
	s10 =	sor.u32 $0x6, s14  }
0xcb: {  	v12 =	vand.u32 $0x780, v12;
	v21 =	vor.u32 v8, v20;
	v22 =	vadd.s32 s10, v0;
	v11 =	vld.idx.msk [tilespmem:v11+s19+$0x0], $0xffff  }
0xcc: {  	v25 =	vor.u32 v8, v24;
	v14 =	vand.u32 $0x780, v14;
	v23 =	vor.u32 v8, v22;
	v13 =	vld.idx.msk [tilespmem:v13+s19+$0x0], $0xffff  }
0xcd: {  	v16 =	vshll.u32 v16, $0x7;
	v58 =	vshll.u32 v24, $0x7;
	v10 =	vor.u32 v10, v5;
	v15 =	vld.idx.msk [tilespmem:v15+s19+$0x0], $0xffff  }
0xce: {  	v12 =	vor.u32 v9, v12;
	v16 =	vand.u32 $0x780, v16;
	v18 =	vshll.u32 v18, $0x7;
	v17 =	vld.idx.msk [tilespmem:v17+s19+$0x0], $0xffff  }
0xcf: {  	v14 =	vor.u32 v9, v14;
	v16 =	vor.u32 v9, v16;
	v18 =	vand.u32 $0x780, v18;
	v19 =	vld.idx.msk [tilespmem:v19+s19+$0x0], $0xffff  }
0xd0: {  	v20 =	vshll.u32 v20, $0x7;
	v18 =	vor.u32 v9, v18;
	v21 =	vld.idx.msk [tilespmem:v21+s19+$0x0], $0xffff;
	v11 =	vmul.f32 $8.000000000e+00, v11  }
0xd1: {  	v20 =	vand.u32 $0x780, v20;
	v22 =	vshll.u32 v22, $0x7;
	v23 =	vld.idx.msk [tilespmem:v23+s19+$0x0], $0xffff;
	v13 =	vmul.f32 $8.000000000e+00, v13  }
0xd2: {  	v57 =	vld.idx.msk [tilespmem:v25+s19+$0x0], $0xffff;
	v15 =	vmul.f32 $8.000000000e+00, v15;
	[tilespmem:v10+s30+$0x0] =	vst.idx.msk $0xffff, v11;
	v10 =	vor.u32 v9, v20;
	v11 =	vand.u32 $0x780, v22  }
0xd3: {  	v60 =	vand.u32 $0x780, v58;
	v59 =	vmul.f32 $8.000000000e+00, v17;
	[tilespmem:v12+s30+$0x0] =	vst.idx.msk $0xffff, v13;
	v11 =	vor.u32 v9, v11  }
0xd4: {  	p1 =	por p0, p0;
	[tilespmem:v14+s30+$0x0] =	vst.idx.msk $0xffff, v15;
	v61 =	vmul.f32 $8.000000000e+00, v19;
	v13 =	vor.u32 v9, v60  }
.Ltmp6:
0xd5: {  	[tilespmem:v16+s30+$0x0] =	vst.idx.msk $0xffff, v59;
	v62 =	vmul.f32 $8.000000000e+00, v21;
	(pc) =	sbr.rel @p1 .LBB2_16-.Ltmp6, $4  }
0xd6: {  	[tilespmem:v18+s30+$0x0] =	vst.idx.msk $0xffff, v61;
	v63 =	vmul.f32 $8.000000000e+00, v23  }
0xd7: {  	[tilespmem:v10+s30+$0x0] =	vst.idx.msk $0xffff, v62;
	v10 =	vmul.f32 $8.000000000e+00, v57  }
0xd8: {  	[tilespmem:v11+s30+$0x0] =	vst.idx.msk $0xffff, v63  }
0xd9: {  	p0 =	por $0x0, $0x0;
	s14 =	simm.s32 $0x8;
	[tilespmem:v13+s30+$0x0] =	vst.idx.msk $0xffff, v10  }
0xda: {  	[tilespmem:$0x1E400] =	vst v10;
	s14 =	simm.s32 $0x0;
	p0 =	por $0x1, $0x1  }
.LBB2_18:
0xdb: {  	s17 =	sor.u32 $0x1, s14;
	v8 =	vadd.s32 s14, v0  }
0xdc: {  	s10 =	sor.u32 $0x2, s14;
	v9 =	vadd.s32 s17, v0;
	v8 =	vand.u32 $0xF, v8  }
0xdd: {  	v42 =	vadd.s32 s10, v0;
	v10 =	vand.u32 $0xF, v9;
	v8 =	vor.u32 $0x20, v8  }
0xde: {  	s10 =	sor.u32 $0x3, s14;
	s17 =	sor.u32 $0x7, s14;
	v13 =	vand.u32 $0x7, v9;
	v9 =	vshll.u32 v9, $0x7;
	v14 =	vand.u32 $0xF, v42  }
0xdf: {  	v16 =	vand.u32 $0x7, v42;
	v17 =	vadd.s32 s10, v0;
	v23 =	vadd.s32 s17, v0  }
0xe0: {  	v10 =	vor.u32 $0x20, v10;
	v11 =	vand.u32 $0x28, v8;
	v8 =	vshll.u32 v8, $0x7  }
0xe1: {  	s10 =	sor.u32 $0x4, s14;
	v9 =	vand.u32 $0x380, v9;
	v14 =	vor.u32 $0x20, v14;
	v43 =	vand.u32 $0xF, v17  }
0xe2: {  	v18 =	vand.u32 $0x7, v17;
	v46 =	vadd.s32 s10, v0;
	v17 =	vshll.u32 v17, $0x7  }
0xe3: {  	v56 =	vand.u32 $0xF, v23;
	v26 =	vand.u32 $0x7, v23;
	v23 =	vshll.u32 v23, $0x7  }
0xe4: {  	v12 =	vand.u32 $0x28, v10;
	v11 =	vor.u32 v11, v4;
	v8 =	vand.u32 $0x1400, v8  }
0xe5: {  	v10 =	vshll.u32 v10, $0x7;
	v15 =	vand.u32 $0x28, v14;
	v14 =	vshll.u32 v14, $0x7  }
0xe6: {  	s10 =	sor.u32 $0x5, s14;
	v47 =	vand.u32 $0xF, v46;
	v17 =	vand.u32 $0x380, v17;
	v20 =	vand.u32 $0x7, v46  }
0xe7: {  	v21 =	vadd.s32 s10, v0;
	v60 =	vand.u32 $0x380, v23;
	v12 =	vor.u32 v12, v13  }
0xe8: {  	v10 =	vand.u32 $0x1400, v10;
	v13 =	vshll.u32 v42, $0x7;
	v14 =	vand.u32 $0x1400, v14  }
0xe9: {  	s10 =	sor.u32 $0x6, s14;
	v49 =	vand.u32 $0xF, v21;
	v22 =	vand.u32 $0x7, v21;
	v52 =	vshll.u32 v21, $0x7  }
0xea: {  	v53 =	vadd.s32 s10, v0;
	v8 =	vor.u32 v8, v5;
	v12 =	vor.u32 v6, v12  }
0xeb: {  	v9 =	vor.u32 v10, v9;
	v10 =	vor.u32 v15, v16;
	v15 =	vor.u32 $0x20, v43  }
0xec: {  	v13 =	vand.u32 $0x380, v13;
	v54 =	vand.u32 $0xF, v53;
	v25 =	vand.u32 $0x7, v53  }
0xed: {  	v21 =	vshll.u32 v53, $0x7;
	v10 =	vor.u32 v6, v10;
	v44 =	vand.u32 $0x28, v15  }
0xee: {  	v13 =	vor.u32 v14, v13;
	v15 =	vshll.u32 v15, $0x7;
	v55 =	vor.u32 $0x20, v54  }
0xef: {  	v9 =	vor.u32 v7, v9;
	v21 =	vand.u32 $0x380, v21;
	v16 =	vor.u32 v44, v18  }
0xf0: {  	v15 =	vand.u32 $0x1400, v15;
	v18 =	vor.u32 $0x20, v47;
	v24 =	vand.u32 $0x28, v55  }
0xf1: {  	v13 =	vor.u32 v7, v13;
	v45 =	vor.u32 v6, v16;
	v19 =	vand.u32 $0x28, v18  }
0xf2: {  	v15 =	vor.u32 v15, v17;
	v48 =	vor.u32 v19, v20;
	v19 =	vor.u32 $0x20, v49  }
0xf3: {  	v18 =	vshll.u32 v18, $0x7;
	v16 =	vshll.u32 v46, $0x7;
	v50 =	vand.u32 $0x28, v19  }
0xf4: {  	v17 =	vor.u32 v6, v48;
	v20 =	vor.u32 v50, v22;
	v22 =	vor.u32 $0x20, v56  }
0xf5: {  	v11 =	vld.idx.msk [tilespmem:v11+s19+$0x0], $0xffff;
	v24 =	vor.u32 v24, v25;
	v51 =	vor.u32 v6, v20;
	v57 =	vand.u32 $0x28, v22  }
0xf6: {  	v18 =	vand.u32 $0x1400, v18;
	v24 =	vor.u32 v6, v24;
	v12 =	vld.idx.msk [tilespmem:v12+s19+$0x0], $0xffff;
	v25 =	vor.u32 v57, v26  }
0xf7: {  	v16 =	vand.u32 $0x380, v16;
	v19 =	vshll.u32 v19, $0x7;
	v10 =	vld.idx.msk [tilespmem:v10+s19+$0x0], $0xffff;
	v25 =	vor.u32 v6, v25  }
0xf8: {  	v15 =	vor.u32 v7, v15;
	v19 =	vand.u32 $0x1400, v19;
	v20 =	vand.u32 $0x380, v52;
	v14 =	vld.idx.msk [tilespmem:v45+s19+$0x0], $0xffff  }
0xf9: {  	v16 =	vor.u32 v18, v16;
	v19 =	vor.u32 v19, v20;
	v20 =	vshll.u32 v55, $0x7;
	v17 =	vld.idx.msk [tilespmem:v17+s19+$0x0], $0xffff  }
0xfa: {  	v16 =	vor.u32 v7, v16;
	v11 =	vmul.f32 $8.000000000e+00, v11;
	v20 =	vand.u32 $0x1400, v20;
	v18 =	vld.idx.msk [tilespmem:v51+s19+$0x0], $0xffff  }
0xfb: {  	v22 =	vshll.u32 v22, $0x7;
	v58 =	vld.idx.msk [tilespmem:v24+s19+$0x0], $0xffff;
	v20 =	vor.u32 v20, v21;
	v12 =	vmul.f32 $8.000000000e+00, v12  }
0xfc: {  	v59 =	vand.u32 $0x1400, v22;
	[tilespmem:v8+s30+$0x0] =	vst.idx.msk $0xffff, v11;
	v8 =	vor.u32 v7, v19;
	v10 =	vmul.f32 $8.000000000e+00, v10;
	v11 =	vld.idx.msk [tilespmem:v25+s19+$0x0], $0xffff  }
0xfd: {  	v62 =	vor.u32 v7, v20;
	[tilespmem:v9+s30+$0x0] =	vst.idx.msk $0xffff, v12;
	v9 =	vor.u32 v59, v60;
	v61 =	vmul.f32 $8.000000000e+00, v14  }
0xfe: {  	p1 =	por p0, p0;
	[tilespmem:v13+s30+$0x0] =	vst.idx.msk $0xffff, v10;
	v9 =	vor.u32 v7, v9;
	v10 =	vmul.f32 $8.000000000e+00, v17  }
.Ltmp7:
0xff: {  	[tilespmem:v15+s30+$0x0] =	vst.idx.msk $0xffff, v61;
	v63 =	vmul.f32 $8.000000000e+00, v18;
	(pc) =	sbr.rel @p1 .LBB2_18-.Ltmp7, $4  }
0x100: {  	[tilespmem:v16+s30+$0x0] =	vst.idx.msk $0xffff, v10;
	v10 =	vmul.f32 $8.000000000e+00, v58  }
0x101: {  	[tilespmem:v8+s30+$0x0] =	vst.idx.msk $0xffff, v63;
	v8 =	vmul.f32 $8.000000000e+00, v11  }
0x102: {  	[tilespmem:v62+s30+$0x0] =	vst.idx.msk $0xffff, v10  }
0x103: {  	p0 =	por $0x0, $0x0;
	s14 =	simm.s32 $0x8;
	[tilespmem:v9+s30+$0x0] =	vst.idx.msk $0xffff, v8  }
0x104: {  	[tilespmem:$0x1E400] =	vst v8;
	v6 =	vor.u32 $0x30, v6;
	v7 =	vor.u32 $0x1800, v7;
	s14 =	simm.s32 $0x0;
	p0 =	por $0x1, $0x1  }
.LBB2_20:
0x105: {  	v8 =	vadd.s32 s14, v0  }
0x106: {  	v8 =	vor.u32 $0x30, v8  }
0x107: {  	s17 =	sor.u32 $0x1, s14;
	s10 =	sor.u32 $0x2, s14;
	v9 =	vand.u32 $0x38, v8  }
0x108: {  	v10 =	vadd.s32 s17, v0;
	v12 =	vadd.s32 s10, v0;
	v9 =	vor.u32 v9, v4  }
0x109: {  	s10 =	sor.u32 $0x3, s14;
	s17 =	sor.u32 $0x7, s14;
	v11 =	vor.u32 v6, v10;
	v13 =	vor.u32 v6, v12;
	v8 =	vshll.u32 v8, $0x7  }
0x10a: {  	v14 =	vadd.s32 s10, v0;
	s10 =	sor.u32 $0x4, s14;
	v10 =	vshll.u32 v10, $0x7;
	v22 =	vadd.s32 s17, v0  }
0x10b: {  	v12 =	vshll.u32 v12, $0x7;
	v15 =	vor.u32 v6, v14;
	v16 =	vadd.s32 s10, v0;
	s10 =	sor.u32 $0x5, s14  }
0x10c: {  	v8 =	vand.u32 $0x1C00, v8;
	v17 =	vor.u32 v6, v16;
	v18 =	vadd.s32 s10, v0;
	s10 =	sor.u32 $0x6, s14  }
0x10d: {  	v10 =	vand.u32 $0x780, v10;
	v19 =	vor.u32 v6, v18;
	v20 =	vadd.s32 s10, v0;
	v9 =	vld.idx.msk [tilespmem:v9+s19+$0x0], $0xffff  }
0x10e: {  	v23 =	vor.u32 v6, v22;
	v12 =	vand.u32 $0x780, v12;
	v21 =	vor.u32 v6, v20;
	v11 =	vld.idx.msk [tilespmem:v11+s19+$0x0], $0xffff  }
0x10f: {  	v14 =	vshll.u32 v14, $0x7;
	v61 =	vshll.u32 v22, $0x7;
	v8 =	vor.u32 v8, v5;
	v13 =	vld.idx.msk [tilespmem:v13+s19+$0x0], $0xffff  }
0x110: {  	v10 =	vor.u32 v7, v10;
	v14 =	vand.u32 $0x780, v14;
	v16 =	vshll.u32 v16, $0x7;
	v15 =	vld.idx.msk [tilespmem:v15+s19+$0x0], $0xffff  }
0x111: {  	v12 =	vor.u32 v7, v12;
	v14 =	vor.u32 v7, v14;
	v16 =	vand.u32 $0x780, v16;
	v17 =	vld.idx.msk [tilespmem:v17+s19+$0x0], $0xffff  }
0x112: {  	v18 =	vshll.u32 v18, $0x7;
	v16 =	vor.u32 v7, v16;
	v19 =	vld.idx.msk [tilespmem:v19+s19+$0x0], $0xffff;
	v9 =	vmul.f32 $8.000000000e+00, v9  }
0x113: {  	v18 =	vand.u32 $0x780, v18;
	v20 =	vshll.u32 v20, $0x7;
	v21 =	vld.idx.msk [tilespmem:v21+s19+$0x0], $0xffff;
	v11 =	vmul.f32 $8.000000000e+00, v11  }
0x114: {  	v60 =	vld.idx.msk [tilespmem:v23+s19+$0x0], $0xffff;
	v13 =	vmul.f32 $8.000000000e+00, v13;
	[tilespmem:v8+s30+$0x0] =	vst.idx.msk $0xffff, v9;
	v8 =	vor.u32 v7, v18;
	v9 =	vand.u32 $0x780, v20  }
0x115: {  	[tilespmem:v10+s30+$0x0] =	vst.idx.msk $0xffff, v11;
	v10 =	vmul.f32 $8.000000000e+00, v15;
	v11 =	vand.u32 $0x780, v61;
	v9 =	vor.u32 v7, v9  }
0x116: {  	p1 =	por p0, p0;
	[tilespmem:v12+s30+$0x0] =	vst.idx.msk $0xffff, v13;
	v62 =	vmul.f32 $8.000000000e+00, v17;
	v11 =	vor.u32 v7, v11  }
.Ltmp8:
0x117: {  	[tilespmem:v14+s30+$0x0] =	vst.idx.msk $0xffff, v10;
	v10 =	vmul.f32 $8.000000000e+00, v19;
	(pc) =	sbr.rel @p1 .LBB2_20-.Ltmp8, $4  }
0x118: {  	[tilespmem:v16+s30+$0x0] =	vst.idx.msk $0xffff, v62;
	v63 =	vmul.f32 $8.000000000e+00, v21  }
0x119: {  	[tilespmem:v8+s30+$0x0] =	vst.idx.msk $0xffff, v10;
	v8 =	vmul.f32 $8.000000000e+00, v60  }
0x11a: {  	[tilespmem:v9+s30+$0x0] =	vst.idx.msk $0xffff, v63  }
0x11b: {  	p0 =	por $0x0, $0x0;
	s14 =	simm.s32 $0x8;
	[tilespmem:v11+s30+$0x0] =	vst.idx.msk $0xffff, v8  }
0x11c: {  	s13 =	sadd.s32 $0x1, s13  }
0x11d: {  	p0 =	sne.s32 s13, $0x8  }
.Ltmp9:
0x11e: {  	_ = 	snop;
	(pc) =	sbr.rel @p0 .LBB2_13-.Ltmp9, $2  }
0x11f: {  	_ =	sdelay $0x2  }
0x120: {  	[tilespmem:$0x1E400] =	vst v8  }
0x121: {  	s13 =	sadd.s32 s12, s7  }
0x122: {  	[hbm4b:s13+s26] =	stream.strided.scatter [tilespmem:s30], [sflag:$0x6], $0x2000, s28, s26, $0x38;
	[tilespmem:$0x1E410] =	vst v63  }
0x123: {  	s17 =	sshll.u32 s11, $0x9;
	_ =	swait.ge [sflag:s31], $0x2000  }
0x124: {  	s13 =	sand.u32 $0x3FFFFE00, s17;
	[sflag:s31] =	ssyncset.done $0x0  }
0x125: {  	s14 =	sadd.s32 $0x200, s13;
	[sflag:s31] =	ssyncadd.s32 $0xFFFFE000  }
0x126: {  	[tilespmem:s18], [sflag:$0x1] =	stream.indirect.gather [hbm4b:s4+s15], $0x80, s14, s15, $0xb8;
	[tilespmem:$0x1E410] =	vst v63  }
0x127: {  	_ =	swait.ge [sflag:s0], $0x4000  }
0x128: {  	[sflag:s0] =	ssyncset.done $0x0  }
0x129: {  	s14 =	simm.s32 $0x0;
	[sflag:s0] =	ssyncadd.s32 $0xFFFFC000  }
.LBB2_23:
0x12a: {  	s17 =	sshll.u32 s14, $0x4  }
0x12b: {  	v7 =	vor.u32 s17, v0  }
0x12c: {  	v6 =	vshll.u32 v7, $0x7;
	v5 =	vand.u32 $0x78, v7  }
0x12d: {  	p0 =	por $0x1, $0x1;
	s17 =	simm.s32 $0x0;
	v7 =	vand.u32 v3, v7;
	v4 =	vor.u32 v1, v6;
	v5 =	vor.u32 v2, v5  }
.LBB2_24:
0x12e: {  	v8 =	vadd.s32 s17, v0;
	s10 =	sor.u32 $0x1, s17  }
0x12f: {  	v9 =	vand.u32 $0x8, v8;
	v10 =	vadd.s32 s10, v0  }
0x130: {  	s10 =	sor.u32 $0x2, s17;
	v8 =	vshll.u32 v8, $0x7;
	v9 =	vor.u32 v9, v4;
	v11 =	vand.u32 $0xF, v10  }
0x131: {  	v12 =	vadd.s32 s10, v0;
	v8 =	vand.u32 $0x400, v8;
	v10 =	vshll.u32 v10, $0x7  }
0x132: {  	s10 =	sor.u32 $0x3, s17;
	v11 =	vor.u32 v6, v11;
	v13 =	vand.u32 $0xF, v12;
	v8 =	vor.u32 v8, v5  }
0x133: {  	v14 =	vadd.s32 s10, v0;
	s10 =	sor.u32 $0x4, s17;
	v10 =	vand.u32 $0x780, v10;
	v12 =	vshll.u32 v12, $0x7  }
0x134: {  	v13 =	vor.u32 v6, v13;
	v15 =	vand.u32 $0xF, v14;
	v16 =	vadd.s32 s10, v0;
	s10 =	sor.u32 $0x5, s17  }
0x135: {  	v15 =	vor.u32 v6, v15;
	v17 =	vand.u32 $0xF, v16;
	v18 =	vadd.s32 s10, v0;
	s10 =	sor.u32 $0x6, s17  }
0x136: {  	s17 =	sor.u32 $0x7, s17;
	v17 =	vor.u32 v6, v17;
	v19 =	vand.u32 $0xF, v18;
	v20 =	vadd.s32 s10, v0  }
0x137: {  	v22 =	vadd.s32 s17, v0;
	v9 =	vld.idx.msk [tilespmem:v9+s21+$0x0], $0xffff;
	v19 =	vor.u32 v6, v19;
	v21 =	vand.u32 $0xF, v20  }
0x138: {  	v10 =	vor.u32 v10, v7;
	v23 =	vand.u32 $0xF, v22;
	v11 =	vld.idx.msk [tilespmem:v11+s21+$0x0], $0xffff;
	v21 =	vor.u32 v6, v21  }
0x139: {  	v12 =	vand.u32 $0x780, v12;
	v14 =	vshll.u32 v14, $0x7;
	v23 =	vor.u32 v6, v23;
	v13 =	vld.idx.msk [tilespmem:v13+s21+$0x0], $0xffff  }
0x13a: {  	v12 =	vor.u32 v12, v7;
	v14 =	vand.u32 $0x780, v14;
	v16 =	vshll.u32 v16, $0x7;
	v15 =	vld.idx.msk [tilespmem:v15+s21+$0x0], $0xffff  }
0x13b: {  	v14 =	vor.u32 v14, v7;
	v16 =	vand.u32 $0x780, v16;
	v18 =	vshll.u32 v18, $0x7;
	v17 =	vld.idx.msk [tilespmem:v17+s21+$0x0], $0xffff  }
0x13c: {  	v16 =	vor.u32 v16, v7;
	v18 =	vand.u32 $0x780, v18;
	v9 =	vmul.f32 $8.000000000e+00, v9;
	v19 =	vld.idx.msk [tilespmem:v19+s21+$0x0], $0xffff  }
0x13d: {  	v20 =	vshll.u32 v20, $0x7;
	v61 =	vshll.u32 v22, $0x7;
	v11 =	vmul.f32 $8.000000000e+00, v11;
	v21 =	vld.idx.msk [tilespmem:v21+s21+$0x0], $0xffff  }
0x13e: {  	v60 =	vld.idx.msk [tilespmem:v23+s21+$0x0], $0xffff;
	v13 =	vmul.f32 $8.000000000e+00, v13;
	[tilespmem:v8+s1+$0x0] =	vst.idx.msk $0xffff, v9;
	v8 =	vor.u32 v18, v7;
	v9 =	vand.u32 $0x780, v20  }
0x13f: {  	[tilespmem:v10+s1+$0x0] =	vst.idx.msk $0xffff, v11;
	v10 =	vmul.f32 $8.000000000e+00, v15;
	v9 =	vor.u32 v9, v7;
	v11 =	vand.u32 $0x780, v61  }
0x140: {  	p1 =	por p0, p0;
	[tilespmem:v12+s1+$0x0] =	vst.idx.msk $0xffff, v13;
	v62 =	vmul.f32 $8.000000000e+00, v17;
	v11 =	vor.u32 v11, v7  }
.Ltmp10:
0x141: {  	[tilespmem:v14+s1+$0x0] =	vst.idx.msk $0xffff, v10;
	v10 =	vmul.f32 $8.000000000e+00, v19;
	(pc) =	sbr.rel @p1 .LBB2_24-.Ltmp10, $4  }
0x142: {  	[tilespmem:v16+s1+$0x0] =	vst.idx.msk $0xffff, v62;
	v63 =	vmul.f32 $8.000000000e+00, v21  }
0x143: {  	[tilespmem:v8+s1+$0x0] =	vst.idx.msk $0xffff, v10;
	v8 =	vmul.f32 $8.000000000e+00, v60  }
0x144: {  	[tilespmem:v9+s1+$0x0] =	vst.idx.msk $0xffff, v63  }
0x145: {  	p0 =	por $0x0, $0x0;
	s17 =	simm.s32 $0x8;
	[tilespmem:v11+s1+$0x0] =	vst.idx.msk $0xffff, v8  }
0x146: {  	[tilespmem:$0x1E400] =	vst v8;
	v8 =	vor.u32 $0x10, v6;
	v9 =	vor.u32 $0x800, v7;
	s17 =	simm.s32 $0x0;
	p0 =	por $0x1, $0x1  }
.LBB2_26:
0x147: {  	v10 =	vadd.s32 s17, v0  }
0x148: {  	s10 =	sor.u32 $0x1, s17;
	v10 =	vor.u32 $0x10, v10  }
0x149: {  	v12 =	vadd.s32 s10, v0;
	v11 =	vand.u32 $0x18, v10  }
0x14a: {  	s10 =	sor.u32 $0x2, s17;
	v13 =	vor.u32 v8, v12;
	v11 =	vor.u32 v11, v4  }
0x14b: {  	v14 =	vadd.s32 s10, v0;
	v10 =	vshll.u32 v10, $0x7;
	s10 =	sor.u32 $0x3, s17;
	v12 =	vshll.u32 v12, $0x7  }
0x14c: {  	v15 =	vor.u32 v8, v14;
	v10 =	vand.u32 $0xC00, v10;
	v16 =	vadd.s32 s10, v0;
	s10 =	sor.u32 $0x4, s17  }
0x14d: {  	v12 =	vand.u32 $0x780, v12;
	v17 =	vor.u32 v8, v16;
	v18 =	vadd.s32 s10, v0;
	s10 =	sor.u32 $0x5, s17  }
0x14e: {  	v14 =	vshll.u32 v14, $0x7;
	v19 =	vor.u32 v8, v18;
	v20 =	vadd.s32 s10, v0;
	s10 =	sor.u32 $0x6, s17  }
0x14f: {  	v10 =	vor.u32 v10, v5;
	s17 =	sor.u32 $0x7, s17;
	v21 =	vor.u32 v8, v20;
	v22 =	vadd.s32 s10, v0;
	v11 =	vld.idx.msk [tilespmem:v11+s21+$0x0], $0xffff  }
0x150: {  	v12 =	vor.u32 v9, v12;
	v24 =	vadd.s32 s17, v0;
	v13 =	vld.idx.msk [tilespmem:v13+s21+$0x0], $0xffff;
	v23 =	vor.u32 v8, v22  }
0x151: {  	v14 =	vand.u32 $0x780, v14;
	v16 =	vshll.u32 v16, $0x7;
	v25 =	vor.u32 v8, v24;
	v15 =	vld.idx.msk [tilespmem:v15+s21+$0x0], $0xffff  }
0x152: {  	v14 =	vor.u32 v9, v14;
	v16 =	vand.u32 $0x780, v16;
	v18 =	vshll.u32 v18, $0x7;
	v17 =	vld.idx.msk [tilespmem:v17+s21+$0x0], $0xffff  }
0x153: {  	v16 =	vor.u32 v9, v16;
	v18 =	vand.u32 $0x780, v18;
	v20 =	vshll.u32 v20, $0x7;
	v19 =	vld.idx.msk [tilespmem:v19+s21+$0x0], $0xffff  }
0x154: {  	v18 =	vor.u32 v9, v18;
	v20 =	vand.u32 $0x780, v20;
	v21 =	vld.idx.msk [tilespmem:v21+s21+$0x0], $0xffff;
	v11 =	vmul.f32 $8.000000000e+00, v11  }
0x155: {  	v22 =	vshll.u32 v22, $0x7;
	v58 =	vshll.u32 v24, $0x7;
	v13 =	vmul.f32 $8.000000000e+00, v13;
	v23 =	vld.idx.msk [tilespmem:v23+s21+$0x0], $0xffff  }
0x156: {  	v57 =	vld.idx.msk [tilespmem:v25+s21+$0x0], $0xffff;
	v15 =	vmul.f32 $8.000000000e+00, v15;
	[tilespmem:v10+s1+$0x0] =	vst.idx.msk $0xffff, v11;
	v10 =	vor.u32 v9, v20;
	v11 =	vand.u32 $0x780, v22  }
0x157: {  	v60 =	vand.u32 $0x780, v58;
	[tilespmem:v12+s1+$0x0] =	vst.idx.msk $0xffff, v13;
	v59 =	vmul.f32 $8.000000000e+00, v17;
	v11 =	vor.u32 v9, v11  }
0x158: {  	p1 =	por p0, p0;
	v13 =	vor.u32 v9, v60;
	[tilespmem:v14+s1+$0x0] =	vst.idx.msk $0xffff, v15;
	v61 =	vmul.f32 $8.000000000e+00, v19  }
.Ltmp11:
0x159: {  	[tilespmem:v16+s1+$0x0] =	vst.idx.msk $0xffff, v59;
	v62 =	vmul.f32 $8.000000000e+00, v21;
	(pc) =	sbr.rel @p1 .LBB2_26-.Ltmp11, $4  }
0x15a: {  	[tilespmem:v18+s1+$0x0] =	vst.idx.msk $0xffff, v61;
	v63 =	vmul.f32 $8.000000000e+00, v23  }
0x15b: {  	[tilespmem:v10+s1+$0x0] =	vst.idx.msk $0xffff, v62;
	v10 =	vmul.f32 $8.000000000e+00, v57  }
0x15c: {  	[tilespmem:v11+s1+$0x0] =	vst.idx.msk $0xffff, v63  }
0x15d: {  	p0 =	por $0x0, $0x0;
	s17 =	simm.s32 $0x8;
	[tilespmem:v13+s1+$0x0] =	vst.idx.msk $0xffff, v10  }
0x15e: {  	[tilespmem:$0x1E400] =	vst v10;
	s17 =	simm.s32 $0x0;
	p0 =	por $0x1, $0x1  }
.LBB2_28:
0x15f: {  	s10 =	sor.u32 $0x1, s17;
	v8 =	vadd.s32 s17, v0  }
0x160: {  	v9 =	vadd.s32 s10, v0;
	v8 =	vand.u32 $0xF, v8  }
0x161: {  	s10 =	sor.u32 $0x2, s17;
	v10 =	vand.u32 $0xF, v9;
	v8 =	vor.u32 $0x20, v8;
	v13 =	vand.u32 $0x7, v9  }
0x162: {  	v42 =	vadd.s32 s10, v0;
	v9 =	vshll.u32 v9, $0x7;
	v10 =	vor.u32 $0x20, v10  }
0x163: {  	s10 =	sor.u32 $0x3, s17;
	v11 =	vand.u32 $0x28, v8;
	v8 =	vshll.u32 v8, $0x7;
	v14 =	vand.u32 $0xF, v42  }
0x164: {  	v9 =	vand.u32 $0x380, v9;
	v16 =	vand.u32 $0x7, v42;
	v17 =	vadd.s32 s10, v0  }
0x165: {  	v12 =	vand.u32 $0x28, v10;
	v11 =	vor.u32 v11, v4;
	v8 =	vand.u32 $0x1400, v8  }
0x166: {  	s10 =	sor.u32 $0x4, s17;
	v10 =	vshll.u32 v10, $0x7;
	v14 =	vor.u32 $0x20, v14;
	v43 =	vand.u32 $0xF, v17  }
0x167: {  	v18 =	vand.u32 $0x7, v17;
	v46 =	vadd.s32 s10, v0;
	v17 =	vshll.u32 v17, $0x7  }
0x168: {  	v12 =	vor.u32 v12, v13;
	v10 =	vand.u32 $0x1400, v10;
	v15 =	vand.u32 $0x28, v14  }
0x169: {  	s10 =	sor.u32 $0x5, s17;
	v14 =	vshll.u32 v14, $0x7;
	v13 =	vshll.u32 v42, $0x7;
	v47 =	vand.u32 $0xF, v46  }
0x16a: {  	v17 =	vand.u32 $0x380, v17;
	v20 =	vand.u32 $0x7, v46;
	v21 =	vadd.s32 s10, v0  }
0x16b: {  	v8 =	vor.u32 v8, v5;
	v12 =	vor.u32 v6, v12;
	v9 =	vor.u32 v10, v9  }
0x16c: {  	v10 =	vor.u32 v15, v16;
	v15 =	vor.u32 $0x20, v43;
	v14 =	vand.u32 $0x1400, v14  }
0x16d: {  	s10 =	sor.u32 $0x6, s17;
	s17 =	sor.u32 $0x7, s17;
	v13 =	vand.u32 $0x380, v13;
	v49 =	vand.u32 $0xF, v21;
	v22 =	vand.u32 $0x7, v21  }
0x16e: {  	v52 =	vshll.u32 v21, $0x7;
	v53 =	vadd.s32 s10, v0;
	v23 =	vadd.s32 s17, v0  }
0x16f: {  	v10 =	vor.u32 v6, v10;
	v44 =	vand.u32 $0x28, v15;
	v13 =	vor.u32 v14, v13  }
0x170: {  	v15 =	vshll.u32 v15, $0x7;
	v54 =	vand.u32 $0xF, v53;
	v56 =	vand.u32 $0xF, v23  }
0x171: {  	v25 =	vand.u32 $0x7, v53;
	v26 =	vand.u32 $0x7, v23;
	v21 =	vshll.u32 v53, $0x7  }
0x172: {  	v9 =	vor.u32 v7, v9;
	v23 =	vshll.u32 v23, $0x7;
	v16 =	vor.u32 v44, v18  }
0x173: {  	v15 =	vand.u32 $0x1400, v15;
	v18 =	vor.u32 $0x20, v47;
	v55 =	vor.u32 $0x20, v54  }
0x174: {  	v21 =	vand.u32 $0x380, v21;
	v13 =	vor.u32 v7, v13;
	v60 =	vand.u32 $0x380, v23  }
0x175: {  	v45 =	vor.u32 v6, v16;
	v19 =	vand.u32 $0x28, v18;
	v15 =	vor.u32 v15, v17  }
0x176: {  	v18 =	vshll.u32 v18, $0x7;
	v48 =	vor.u32 v19, v20;
	v19 =	vor.u32 $0x20, v49  }
0x177: {  	v16 =	vshll.u32 v46, $0x7;
	v24 =	vand.u32 $0x28, v55;
	v50 =	vand.u32 $0x28, v19  }
0x178: {  	v17 =	vor.u32 v6, v48;
	v20 =	vor.u32 v50, v22;
	v22 =	vor.u32 $0x20, v56  }
0x179: {  	v11 =	vld.idx.msk [tilespmem:v11+s21+$0x0], $0xffff;
	v24 =	vor.u32 v24, v25;
	v51 =	vor.u32 v6, v20;
	v57 =	vand.u32 $0x28, v22  }
0x17a: {  	v18 =	vand.u32 $0x1400, v18;
	v12 =	vld.idx.msk [tilespmem:v12+s21+$0x0], $0xffff;
	v24 =	vor.u32 v6, v24;
	v25 =	vor.u32 v57, v26  }
0x17b: {  	v16 =	vand.u32 $0x380, v16;
	v19 =	vshll.u32 v19, $0x7;
	v10 =	vld.idx.msk [tilespmem:v10+s21+$0x0], $0xffff;
	v25 =	vor.u32 v6, v25  }
0x17c: {  	v15 =	vor.u32 v7, v15;
	v19 =	vand.u32 $0x1400, v19;
	v20 =	vand.u32 $0x380, v52;
	v14 =	vld.idx.msk [tilespmem:v45+s21+$0x0], $0xffff  }
0x17d: {  	v16 =	vor.u32 v18, v16;
	v19 =	vor.u32 v19, v20;
	v20 =	vshll.u32 v55, $0x7;
	v17 =	vld.idx.msk [tilespmem:v17+s21+$0x0], $0xffff  }
0x17e: {  	v16 =	vor.u32 v7, v16;
	v11 =	vmul.f32 $8.000000000e+00, v11;
	v20 =	vand.u32 $0x1400, v20;
	v18 =	vld.idx.msk [tilespmem:v51+s21+$0x0], $0xffff  }
0x17f: {  	v22 =	vshll.u32 v22, $0x7;
	v20 =	vor.u32 v20, v21;
	v12 =	vmul.f32 $8.000000000e+00, v12;
	v58 =	vld.idx.msk [tilespmem:v24+s21+$0x0], $0xffff  }
0x180: {  	v59 =	vand.u32 $0x1400, v22;
	[tilespmem:v8+s1+$0x0] =	vst.idx.msk $0xffff, v11;
	v8 =	vor.u32 v7, v19;
	v10 =	vmul.f32 $8.000000000e+00, v10;
	v11 =	vld.idx.msk [tilespmem:v25+s21+$0x0], $0xffff  }
0x181: {  	v62 =	vor.u32 v7, v20;
	[tilespmem:v9+s1+$0x0] =	vst.idx.msk $0xffff, v12;
	v9 =	vor.u32 v59, v60;
	v61 =	vmul.f32 $8.000000000e+00, v14  }
0x182: {  	p1 =	por p0, p0;
	[tilespmem:v13+s1+$0x0] =	vst.idx.msk $0xffff, v10;
	v9 =	vor.u32 v7, v9;
	v10 =	vmul.f32 $8.000000000e+00, v17  }
.Ltmp12:
0x183: {  	[tilespmem:v15+s1+$0x0] =	vst.idx.msk $0xffff, v61;
	v63 =	vmul.f32 $8.000000000e+00, v18;
	(pc) =	sbr.rel @p1 .LBB2_28-.Ltmp12, $4  }
0x184: {  	[tilespmem:v16+s1+$0x0] =	vst.idx.msk $0xffff, v10;
	v10 =	vmul.f32 $8.000000000e+00, v58  }
0x185: {  	[tilespmem:v8+s1+$0x0] =	vst.idx.msk $0xffff, v63;
	v8 =	vmul.f32 $8.000000000e+00, v11  }
0x186: {  	[tilespmem:v62+s1+$0x0] =	vst.idx.msk $0xffff, v10  }
0x187: {  	p0 =	por $0x0, $0x0;
	s17 =	simm.s32 $0x8;
	[tilespmem:v9+s1+$0x0] =	vst.idx.msk $0xffff, v8  }
0x188: {  	[tilespmem:$0x1E400] =	vst v8;
	v6 =	vor.u32 $0x30, v6;
	v7 =	vor.u32 $0x1800, v7;
	s17 =	simm.s32 $0x0;
	p0 =	por $0x1, $0x1  }
.LBB2_30:
0x189: {  	v8 =	vadd.s32 s17, v0  }
0x18a: {  	s10 =	sor.u32 $0x1, s17;
	v8 =	vor.u32 $0x30, v8  }
0x18b: {  	v10 =	vadd.s32 s10, v0;
	v9 =	vand.u32 $0x38, v8  }
0x18c: {  	s10 =	sor.u32 $0x2, s17;
	v11 =	vor.u32 v6, v10;
	v9 =	vor.u32 v9, v4  }
0x18d: {  	v12 =	vadd.s32 s10, v0;
	v8 =	vshll.u32 v8, $0x7;
	s10 =	sor.u32 $0x3, s17;
	v10 =	vshll.u32 v10, $0x7  }
0x18e: {  	v13 =	vor.u32 v6, v12;
	v8 =	vand.u32 $0x1C00, v8;
	v14 =	vadd.s32 s10, v0;
	s10 =	sor.u32 $0x4, s17  }
0x18f: {  	v10 =	vand.u32 $0x780, v10;
	v15 =	vor.u32 v6, v14;
	v16 =	vadd.s32 s10, v0;
	s10 =	sor.u32 $0x5, s17  }
0x190: {  	v12 =	vshll.u32 v12, $0x7;
	v17 =	vor.u32 v6, v16;
	v18 =	vadd.s32 s10, v0;
	s10 =	sor.u32 $0x6, s17  }
0x191: {  	v8 =	vor.u32 v8, v5;
	s17 =	sor.u32 $0x7, s17;
	v19 =	vor.u32 v6, v18;
	v20 =	vadd.s32 s10, v0;
	v9 =	vld.idx.msk [tilespmem:v9+s21+$0x0], $0xffff  }
0x192: {  	v10 =	vor.u32 v7, v10;
	v22 =	vadd.s32 s17, v0;
	v11 =	vld.idx.msk [tilespmem:v11+s21+$0x0], $0xffff;
	v21 =	vor.u32 v6, v20  }
0x193: {  	v12 =	vand.u32 $0x780, v12;
	v14 =	vshll.u32 v14, $0x7;
	v23 =	vor.u32 v6, v22;
	v13 =	vld.idx.msk [tilespmem:v13+s21+$0x0], $0xffff  }
0x194: {  	v12 =	vor.u32 v7, v12;
	v14 =	vand.u32 $0x780, v14;
	v16 =	vshll.u32 v16, $0x7;
	v15 =	vld.idx.msk [tilespmem:v15+s21+$0x0], $0xffff  }
0x195: {  	v14 =	vor.u32 v7, v14;
	v16 =	vand.u32 $0x780, v16;
	v18 =	vshll.u32 v18, $0x7;
	v17 =	vld.idx.msk [tilespmem:v17+s21+$0x0], $0xffff  }
0x196: {  	v16 =	vor.u32 v7, v16;
	v18 =	vand.u32 $0x780, v18;
	v19 =	vld.idx.msk [tilespmem:v19+s21+$0x0], $0xffff;
	v9 =	vmul.f32 $8.000000000e+00, v9  }
0x197: {  	v20 =	vshll.u32 v20, $0x7;
	v61 =	vshll.u32 v22, $0x7;
	v11 =	vmul.f32 $8.000000000e+00, v11;
	v21 =	vld.idx.msk [tilespmem:v21+s21+$0x0], $0xffff  }
0x198: {  	v60 =	vld.idx.msk [tilespmem:v23+s21+$0x0], $0xffff;
	v13 =	vmul.f32 $8.000000000e+00, v13;
	[tilespmem:v8+s1+$0x0] =	vst.idx.msk $0xffff, v9;
	v8 =	vor.u32 v7, v18;
	v9 =	vand.u32 $0x780, v20  }
0x199: {  	[tilespmem:v10+s1+$0x0] =	vst.idx.msk $0xffff, v11;
	v10 =	vmul.f32 $8.000000000e+00, v15;
	v11 =	vand.u32 $0x780, v61;
	v9 =	vor.u32 v7, v9  }
0x19a: {  	p1 =	por p0, p0;
	[tilespmem:v12+s1+$0x0] =	vst.idx.msk $0xffff, v13;
	v62 =	vmul.f32 $8.000000000e+00, v17;
	v11 =	vor.u32 v7, v11  }
.Ltmp13:
0x19b: {  	[tilespmem:v14+s1+$0x0] =	vst.idx.msk $0xffff, v10;
	v10 =	vmul.f32 $8.000000000e+00, v19;
	(pc) =	sbr.rel @p1 .LBB2_30-.Ltmp13, $4  }
0x19c: {  	[tilespmem:v16+s1+$0x0] =	vst.idx.msk $0xffff, v62;
	v63 =	vmul.f32 $8.000000000e+00, v21  }
0x19d: {  	[tilespmem:v8+s1+$0x0] =	vst.idx.msk $0xffff, v10;
	v8 =	vmul.f32 $8.000000000e+00, v60  }
0x19e: {  	[tilespmem:v9+s1+$0x0] =	vst.idx.msk $0xffff, v63  }
0x19f: {  	p0 =	por $0x0, $0x0;
	s17 =	simm.s32 $0x8;
	[tilespmem:v11+s1+$0x0] =	vst.idx.msk $0xffff, v8  }
0x1a0: {  	s14 =	sadd.s32 $0x1, s14  }
0x1a1: {  	p0 =	sne.s32 s14, $0x8  }
.Ltmp14:
0x1a2: {  	_ = 	snop;
	(pc) =	sbr.rel @p0 .LBB2_23-.Ltmp14, $2  }
0x1a3: {  	_ =	sdelay $0x2  }
0x1a4: {  	[tilespmem:$0x1E400] =	vst v8  }
0x1a5: {  	s10 =	sadd.s32 s12, s8  }
0x1a6: {  	[hbm4b:s10+s26] =	stream.strided.scatter [tilespmem:s1], [sflag:$0x7], $0x2000, s28, s26, $0x38;
	[tilespmem:$0x1E410] =	vst v63  }
0x1a7: {  	_ =	swait.ge [sflag:s16], $0x2000  }
0x1a8: {  	[sflag:s16] =	ssyncset.done $0x0  }
0x1a9: {  	s17 =	sadd.s32 $0x280, s13;
	[sflag:s16] =	ssyncadd.s32 $0xFFFFE000  }
0x1aa: {  	[tilespmem:s19], [sflag:$0x2] =	stream.indirect.gather [hbm4b:s4+s15], $0x80, s17, s15, $0xb8;
	[tilespmem:$0x1E410] =	vst v63  }
0x1ab: {  	_ =	swait.ge [sflag:s20], $0x4000  }
0x1ac: {  	[sflag:s20] =	ssyncset.done $0x0  }
0x1ad: {  	s14 =	simm.s32 $0x0;
	[sflag:s20] =	ssyncadd.s32 $0xFFFFC000  }
.LBB2_33:
0x1ae: {  	s10 =	sshll.u32 s14, $0x4  }
0x1af: {  	v7 =	vor.u32 s10, v0  }
0x1b0: {  	v6 =	vshll.u32 v7, $0x7;
	v5 =	vand.u32 $0x78, v7  }
0x1b1: {  	p0 =	por $0x1, $0x1;
	s17 =	simm.s32 $0x0;
	v7 =	vand.u32 v3, v7;
	v4 =	vor.u32 v1, v6;
	v5 =	vor.u32 v2, v5  }
.LBB2_34:
0x1b2: {  	v8 =	vadd.s32 s17, v0;
	s10 =	sor.u32 $0x1, s17  }
0x1b3: {  	v9 =	vand.u32 $0x8, v8;
	v10 =	vadd.s32 s10, v0  }
0x1b4: {  	s10 =	sor.u32 $0x2, s17;
	v8 =	vshll.u32 v8, $0x7;
	v9 =	vor.u32 v9, v4;
	v11 =	vand.u32 $0xF, v10  }
0x1b5: {  	v12 =	vadd.s32 s10, v0;
	v8 =	vand.u32 $0x400, v8;
	v10 =	vshll.u32 v10, $0x7  }
0x1b6: {  	s10 =	sor.u32 $0x3, s17;
	v11 =	vor.u32 v6, v11;
	v13 =	vand.u32 $0xF, v12;
	v8 =	vor.u32 v8, v5  }
0x1b7: {  	v14 =	vadd.s32 s10, v0;
	s10 =	sor.u32 $0x4, s17;
	v10 =	vand.u32 $0x780, v10;
	v12 =	vshll.u32 v12, $0x7  }
0x1b8: {  	v13 =	vor.u32 v6, v13;
	v15 =	vand.u32 $0xF, v14;
	v16 =	vadd.s32 s10, v0;
	s10 =	sor.u32 $0x5, s17  }
0x1b9: {  	v15 =	vor.u32 v6, v15;
	v17 =	vand.u32 $0xF, v16;
	v18 =	vadd.s32 s10, v0;
	s10 =	sor.u32 $0x6, s17  }
0x1ba: {  	s17 =	sor.u32 $0x7, s17;
	v17 =	vor.u32 v6, v17;
	v19 =	vand.u32 $0xF, v18;
	v20 =	vadd.s32 s10, v0  }
0x1bb: {  	v22 =	vadd.s32 s17, v0;
	v9 =	vld.idx.msk [tilespmem:v9+s23+$0x0], $0xffff;
	v19 =	vor.u32 v6, v19;
	v21 =	vand.u32 $0xF, v20  }
0x1bc: {  	v10 =	vor.u32 v10, v7;
	v23 =	vand.u32 $0xF, v22;
	v11 =	vld.idx.msk [tilespmem:v11+s23+$0x0], $0xffff;
	v21 =	vor.u32 v6, v21  }
0x1bd: {  	v12 =	vand.u32 $0x780, v12;
	v14 =	vshll.u32 v14, $0x7;
	v23 =	vor.u32 v6, v23;
	v13 =	vld.idx.msk [tilespmem:v13+s23+$0x0], $0xffff  }
0x1be: {  	v12 =	vor.u32 v12, v7;
	v14 =	vand.u32 $0x780, v14;
	v16 =	vshll.u32 v16, $0x7;
	v15 =	vld.idx.msk [tilespmem:v15+s23+$0x0], $0xffff  }
0x1bf: {  	v14 =	vor.u32 v14, v7;
	v16 =	vand.u32 $0x780, v16;
	v18 =	vshll.u32 v18, $0x7;
	v17 =	vld.idx.msk [tilespmem:v17+s23+$0x0], $0xffff  }
0x1c0: {  	v16 =	vor.u32 v16, v7;
	v18 =	vand.u32 $0x780, v18;
	v9 =	vmul.f32 $8.000000000e+00, v9;
	v19 =	vld.idx.msk [tilespmem:v19+s23+$0x0], $0xffff  }
0x1c1: {  	v20 =	vshll.u32 v20, $0x7;
	v61 =	vshll.u32 v22, $0x7;
	v11 =	vmul.f32 $8.000000000e+00, v11;
	v21 =	vld.idx.msk [tilespmem:v21+s23+$0x0], $0xffff  }
0x1c2: {  	v60 =	vld.idx.msk [tilespmem:v23+s23+$0x0], $0xffff;
	v13 =	vmul.f32 $8.000000000e+00, v13;
	[tilespmem:v8+s22+$0x0] =	vst.idx.msk $0xffff, v9;
	v8 =	vor.u32 v18, v7;
	v9 =	vand.u32 $0x780, v20  }
0x1c3: {  	[tilespmem:v10+s22+$0x0] =	vst.idx.msk $0xffff, v11;
	v10 =	vmul.f32 $8.000000000e+00, v15;
	v9 =	vor.u32 v9, v7;
	v11 =	vand.u32 $0x780, v61  }
0x1c4: {  	p1 =	por p0, p0;
	[tilespmem:v12+s22+$0x0] =	vst.idx.msk $0xffff, v13;
	v62 =	vmul.f32 $8.000000000e+00, v17;
	v11 =	vor.u32 v11, v7  }
.Ltmp15:
0x1c5: {  	[tilespmem:v14+s22+$0x0] =	vst.idx.msk $0xffff, v10;
	v10 =	vmul.f32 $8.000000000e+00, v19;
	(pc) =	sbr.rel @p1 .LBB2_34-.Ltmp15, $4  }
0x1c6: {  	[tilespmem:v16+s22+$0x0] =	vst.idx.msk $0xffff, v62;
	v63 =	vmul.f32 $8.000000000e+00, v21  }
0x1c7: {  	[tilespmem:v8+s22+$0x0] =	vst.idx.msk $0xffff, v10;
	v8 =	vmul.f32 $8.000000000e+00, v60  }
0x1c8: {  	[tilespmem:v9+s22+$0x0] =	vst.idx.msk $0xffff, v63  }
0x1c9: {  	p0 =	por $0x0, $0x0;
	s17 =	simm.s32 $0x8;
	[tilespmem:v11+s22+$0x0] =	vst.idx.msk $0xffff, v8  }
0x1ca: {  	[tilespmem:$0x1E400] =	vst v8;
	v8 =	vor.u32 $0x10, v6;
	v9 =	vor.u32 $0x800, v7;
	s17 =	simm.s32 $0x0;
	p0 =	por $0x1, $0x1  }
.LBB2_36:
0x1cb: {  	v10 =	vadd.s32 s17, v0  }
0x1cc: {  	s10 =	sor.u32 $0x1, s17;
	v10 =	vor.u32 $0x10, v10  }
0x1cd: {  	v12 =	vadd.s32 s10, v0;
	v11 =	vand.u32 $0x18, v10  }
0x1ce: {  	s10 =	sor.u32 $0x2, s17;
	v13 =	vor.u32 v8, v12;
	v11 =	vor.u32 v11, v4  }
0x1cf: {  	v14 =	vadd.s32 s10, v0;
	v10 =	vshll.u32 v10, $0x7;
	s10 =	sor.u32 $0x3, s17;
	v12 =	vshll.u32 v12, $0x7  }
0x1d0: {  	v15 =	vor.u32 v8, v14;
	v10 =	vand.u32 $0xC00, v10;
	v16 =	vadd.s32 s10, v0;
	s10 =	sor.u32 $0x4, s17  }
0x1d1: {  	v12 =	vand.u32 $0x780, v12;
	v17 =	vor.u32 v8, v16;
	v18 =	vadd.s32 s10, v0;
	s10 =	sor.u32 $0x5, s17  }
0x1d2: {  	v14 =	vshll.u32 v14, $0x7;
	v19 =	vor.u32 v8, v18;
	v20 =	vadd.s32 s10, v0;
	s10 =	sor.u32 $0x6, s17  }
0x1d3: {  	v10 =	vor.u32 v10, v5;
	s17 =	sor.u32 $0x7, s17;
	v21 =	vor.u32 v8, v20;
	v22 =	vadd.s32 s10, v0;
	v11 =	vld.idx.msk [tilespmem:v11+s23+$0x0], $0xffff  }
0x1d4: {  	v12 =	vor.u32 v9, v12;
	v24 =	vadd.s32 s17, v0;
	v13 =	vld.idx.msk [tilespmem:v13+s23+$0x0], $0xffff;
	v23 =	vor.u32 v8, v22  }
0x1d5: {  	v14 =	vand.u32 $0x780, v14;
	v16 =	vshll.u32 v16, $0x7;
	v25 =	vor.u32 v8, v24;
	v15 =	vld.idx.msk [tilespmem:v15+s23+$0x0], $0xffff  }
0x1d6: {  	v14 =	vor.u32 v9, v14;
	v16 =	vand.u32 $0x780, v16;
	v18 =	vshll.u32 v18, $0x7;
	v17 =	vld.idx.msk [tilespmem:v17+s23+$0x0], $0xffff  }
0x1d7: {  	v16 =	vor.u32 v9, v16;
	v18 =	vand.u32 $0x780, v18;
	v20 =	vshll.u32 v20, $0x7;
	v19 =	vld.idx.msk [tilespmem:v19+s23+$0x0], $0xffff  }
0x1d8: {  	v18 =	vor.u32 v9, v18;
	v20 =	vand.u32 $0x780, v20;
	v21 =	vld.idx.msk [tilespmem:v21+s23+$0x0], $0xffff;
	v11 =	vmul.f32 $8.000000000e+00, v11  }
0x1d9: {  	v22 =	vshll.u32 v22, $0x7;
	v58 =	vshll.u32 v24, $0x7;
	v13 =	vmul.f32 $8.000000000e+00, v13;
	v23 =	vld.idx.msk [tilespmem:v23+s23+$0x0], $0xffff  }
0x1da: {  	v57 =	vld.idx.msk [tilespmem:v25+s23+$0x0], $0xffff;
	v15 =	vmul.f32 $8.000000000e+00, v15;
	[tilespmem:v10+s22+$0x0] =	vst.idx.msk $0xffff, v11;
	v10 =	vor.u32 v9, v20;
	v11 =	vand.u32 $0x780, v22  }
0x1db: {  	v60 =	vand.u32 $0x780, v58;
	[tilespmem:v12+s22+$0x0] =	vst.idx.msk $0xffff, v13;
	v59 =	vmul.f32 $8.000000000e+00, v17;
	v11 =	vor.u32 v9, v11  }
0x1dc: {  	p1 =	por p0, p0;
	v13 =	vor.u32 v9, v60;
	[tilespmem:v14+s22+$0x0] =	vst.idx.msk $0xffff, v15;
	v61 =	vmul.f32 $8.000000000e+00, v19  }
.Ltmp16:
0x1dd: {  	[tilespmem:v16+s22+$0x0] =	vst.idx.msk $0xffff, v59;
	v62 =	vmul.f32 $8.000000000e+00, v21;
	(pc) =	sbr.rel @p1 .LBB2_36-.Ltmp16, $4  }
0x1de: {  	[tilespmem:v18+s22+$0x0] =	vst.idx.msk $0xffff, v61;
	v63 =	vmul.f32 $8.000000000e+00, v23  }
0x1df: {  	[tilespmem:v10+s22+$0x0] =	vst.idx.msk $0xffff, v62;
	v10 =	vmul.f32 $8.000000000e+00, v57  }
0x1e0: {  	[tilespmem:v11+s22+$0x0] =	vst.idx.msk $0xffff, v63  }
0x1e1: {  	p0 =	por $0x0, $0x0;
	s17 =	simm.s32 $0x8;
	[tilespmem:v13+s22+$0x0] =	vst.idx.msk $0xffff, v10  }
0x1e2: {  	[tilespmem:$0x1E400] =	vst v10;
	s17 =	simm.s32 $0x0;
	p0 =	por $0x1, $0x1  }
.LBB2_38:
0x1e3: {  	s10 =	sor.u32 $0x1, s17;
	v8 =	vadd.s32 s17, v0  }
0x1e4: {  	v9 =	vadd.s32 s10, v0;
	v8 =	vand.u32 $0xF, v8  }
0x1e5: {  	s10 =	sor.u32 $0x2, s17;
	v10 =	vand.u32 $0xF, v9;
	v8 =	vor.u32 $0x20, v8;
	v13 =	vand.u32 $0x7, v9  }
0x1e6: {  	v42 =	vadd.s32 s10, v0;
	v9 =	vshll.u32 v9, $0x7;
	v10 =	vor.u32 $0x20, v10  }
0x1e7: {  	s10 =	sor.u32 $0x3, s17;
	v11 =	vand.u32 $0x28, v8;
	v8 =	vshll.u32 v8, $0x7;
	v14 =	vand.u32 $0xF, v42  }
0x1e8: {  	v9 =	vand.u32 $0x380, v9;
	v16 =	vand.u32 $0x7, v42;
	v17 =	vadd.s32 s10, v0  }
0x1e9: {  	v12 =	vand.u32 $0x28, v10;
	v11 =	vor.u32 v11, v4;
	v8 =	vand.u32 $0x1400, v8  }
0x1ea: {  	s10 =	sor.u32 $0x4, s17;
	v10 =	vshll.u32 v10, $0x7;
	v14 =	vor.u32 $0x20, v14;
	v43 =	vand.u32 $0xF, v17  }
0x1eb: {  	v18 =	vand.u32 $0x7, v17;
	v46 =	vadd.s32 s10, v0;
	v17 =	vshll.u32 v17, $0x7  }
0x1ec: {  	v12 =	vor.u32 v12, v13;
	v10 =	vand.u32 $0x1400, v10;
	v15 =	vand.u32 $0x28, v14  }
0x1ed: {  	s10 =	sor.u32 $0x5, s17;
	v14 =	vshll.u32 v14, $0x7;
	v13 =	vshll.u32 v42, $0x7;
	v47 =	vand.u32 $0xF, v46  }
0x1ee: {  	v17 =	vand.u32 $0x380, v17;
	v20 =	vand.u32 $0x7, v46;
	v21 =	vadd.s32 s10, v0  }
0x1ef: {  	v8 =	vor.u32 v8, v5;
	v12 =	vor.u32 v6, v12;
	v9 =	vor.u32 v10, v9  }
0x1f0: {  	v10 =	vor.u32 v15, v16;
	v15 =	vor.u32 $0x20, v43;
	v14 =	vand.u32 $0x1400, v14  }
0x1f1: {  	s10 =	sor.u32 $0x6, s17;
	s17 =	sor.u32 $0x7, s17;
	v13 =	vand.u32 $0x380, v13;
	v49 =	vand.u32 $0xF, v21;
	v22 =	vand.u32 $0x7, v21  }
0x1f2: {  	v52 =	vshll.u32 v21, $0x7;
	v53 =	vadd.s32 s10, v0;
	v23 =	vadd.s32 s17, v0  }
0x1f3: {  	v10 =	vor.u32 v6, v10;
	v44 =	vand.u32 $0x28, v15;
	v13 =	vor.u32 v14, v13  }
0x1f4: {  	v15 =	vshll.u32 v15, $0x7;
	v54 =	vand.u32 $0xF, v53;
	v56 =	vand.u32 $0xF, v23  }
0x1f5: {  	v25 =	vand.u32 $0x7, v53;
	v26 =	vand.u32 $0x7, v23;
	v21 =	vshll.u32 v53, $0x7  }
0x1f6: {  	v9 =	vor.u32 v7, v9;
	v23 =	vshll.u32 v23, $0x7;
	v16 =	vor.u32 v44, v18  }
0x1f7: {  	v15 =	vand.u32 $0x1400, v15;
	v18 =	vor.u32 $0x20, v47;
	v55 =	vor.u32 $0x20, v54  }
0x1f8: {  	v21 =	vand.u32 $0x380, v21;
	v13 =	vor.u32 v7, v13;
	v60 =	vand.u32 $0x380, v23  }
0x1f9: {  	v45 =	vor.u32 v6, v16;
	v19 =	vand.u32 $0x28, v18;
	v15 =	vor.u32 v15, v17  }
0x1fa: {  	v18 =	vshll.u32 v18, $0x7;
	v48 =	vor.u32 v19, v20;
	v19 =	vor.u32 $0x20, v49  }
0x1fb: {  	v16 =	vshll.u32 v46, $0x7;
	v24 =	vand.u32 $0x28, v55;
	v50 =	vand.u32 $0x28, v19  }
0x1fc: {  	v17 =	vor.u32 v6, v48;
	v20 =	vor.u32 v50, v22;
	v22 =	vor.u32 $0x20, v56  }
0x1fd: {  	v11 =	vld.idx.msk [tilespmem:v11+s23+$0x0], $0xffff;
	v24 =	vor.u32 v24, v25;
	v51 =	vor.u32 v6, v20;
	v57 =	vand.u32 $0x28, v22  }
0x1fe: {  	v18 =	vand.u32 $0x1400, v18;
	v12 =	vld.idx.msk [tilespmem:v12+s23+$0x0], $0xffff;
	v24 =	vor.u32 v6, v24;
	v25 =	vor.u32 v57, v26  }
0x1ff: {  	v16 =	vand.u32 $0x380, v16;
	v19 =	vshll.u32 v19, $0x7;
	v10 =	vld.idx.msk [tilespmem:v10+s23+$0x0], $0xffff;
	v25 =	vor.u32 v6, v25  }
0x200: {  	v15 =	vor.u32 v7, v15;
	v19 =	vand.u32 $0x1400, v19;
	v20 =	vand.u32 $0x380, v52;
	v14 =	vld.idx.msk [tilespmem:v45+s23+$0x0], $0xffff  }
0x201: {  	v16 =	vor.u32 v18, v16;
	v19 =	vor.u32 v19, v20;
	v20 =	vshll.u32 v55, $0x7;
	v17 =	vld.idx.msk [tilespmem:v17+s23+$0x0], $0xffff  }
0x202: {  	v16 =	vor.u32 v7, v16;
	v11 =	vmul.f32 $8.000000000e+00, v11;
	v20 =	vand.u32 $0x1400, v20;
	v18 =	vld.idx.msk [tilespmem:v51+s23+$0x0], $0xffff  }
0x203: {  	v22 =	vshll.u32 v22, $0x7;
	v20 =	vor.u32 v20, v21;
	v12 =	vmul.f32 $8.000000000e+00, v12;
	v58 =	vld.idx.msk [tilespmem:v24+s23+$0x0], $0xffff  }
0x204: {  	v59 =	vand.u32 $0x1400, v22;
	[tilespmem:v8+s22+$0x0] =	vst.idx.msk $0xffff, v11;
	v8 =	vor.u32 v7, v19;
	v10 =	vmul.f32 $8.000000000e+00, v10;
	v11 =	vld.idx.msk [tilespmem:v25+s23+$0x0], $0xffff  }
0x205: {  	v62 =	vor.u32 v7, v20;
	[tilespmem:v9+s22+$0x0] =	vst.idx.msk $0xffff, v12;
	v9 =	vor.u32 v59, v60;
	v61 =	vmul.f32 $8.000000000e+00, v14  }
0x206: {  	p1 =	por p0, p0;
	[tilespmem:v13+s22+$0x0] =	vst.idx.msk $0xffff, v10;
	v9 =	vor.u32 v7, v9;
	v10 =	vmul.f32 $8.000000000e+00, v17  }
.Ltmp17:
0x207: {  	[tilespmem:v15+s22+$0x0] =	vst.idx.msk $0xffff, v61;
	v63 =	vmul.f32 $8.000000000e+00, v18;
	(pc) =	sbr.rel @p1 .LBB2_38-.Ltmp17, $4  }
0x208: {  	[tilespmem:v16+s22+$0x0] =	vst.idx.msk $0xffff, v10;
	v10 =	vmul.f32 $8.000000000e+00, v58  }
0x209: {  	[tilespmem:v8+s22+$0x0] =	vst.idx.msk $0xffff, v63;
	v8 =	vmul.f32 $8.000000000e+00, v11  }
0x20a: {  	[tilespmem:v62+s22+$0x0] =	vst.idx.msk $0xffff, v10  }
0x20b: {  	p0 =	por $0x0, $0x0;
	s17 =	simm.s32 $0x8;
	[tilespmem:v9+s22+$0x0] =	vst.idx.msk $0xffff, v8  }
0x20c: {  	[tilespmem:$0x1E400] =	vst v8;
	v6 =	vor.u32 $0x30, v6;
	v7 =	vor.u32 $0x1800, v7;
	s17 =	simm.s32 $0x0;
	p0 =	por $0x1, $0x1  }
.LBB2_40:
0x20d: {  	v8 =	vadd.s32 s17, v0  }
0x20e: {  	s10 =	sor.u32 $0x1, s17;
	v8 =	vor.u32 $0x30, v8  }
0x20f: {  	v10 =	vadd.s32 s10, v0;
	v9 =	vand.u32 $0x38, v8  }
0x210: {  	s10 =	sor.u32 $0x2, s17;
	v11 =	vor.u32 v6, v10;
	v9 =	vor.u32 v9, v4  }
0x211: {  	v12 =	vadd.s32 s10, v0;
	v8 =	vshll.u32 v8, $0x7;
	s10 =	sor.u32 $0x3, s17;
	v10 =	vshll.u32 v10, $0x7  }
0x212: {  	v13 =	vor.u32 v6, v12;
	v8 =	vand.u32 $0x1C00, v8;
	v14 =	vadd.s32 s10, v0;
	s10 =	sor.u32 $0x4, s17  }
0x213: {  	v10 =	vand.u32 $0x780, v10;
	v15 =	vor.u32 v6, v14;
	v16 =	vadd.s32 s10, v0;
	s10 =	sor.u32 $0x5, s17  }
0x214: {  	v12 =	vshll.u32 v12, $0x7;
	v17 =	vor.u32 v6, v16;
	v18 =	vadd.s32 s10, v0;
	s10 =	sor.u32 $0x6, s17  }
0x215: {  	v8 =	vor.u32 v8, v5;
	s17 =	sor.u32 $0x7, s17;
	v19 =	vor.u32 v6, v18;
	v20 =	vadd.s32 s10, v0;
	v9 =	vld.idx.msk [tilespmem:v9+s23+$0x0], $0xffff  }
0x216: {  	v10 =	vor.u32 v7, v10;
	v22 =	vadd.s32 s17, v0;
	v11 =	vld.idx.msk [tilespmem:v11+s23+$0x0], $0xffff;
	v21 =	vor.u32 v6, v20  }
0x217: {  	v12 =	vand.u32 $0x780, v12;
	v14 =	vshll.u32 v14, $0x7;
	v23 =	vor.u32 v6, v22;
	v13 =	vld.idx.msk [tilespmem:v13+s23+$0x0], $0xffff  }
0x218: {  	v12 =	vor.u32 v7, v12;
	v14 =	vand.u32 $0x780, v14;
	v16 =	vshll.u32 v16, $0x7;
	v15 =	vld.idx.msk [tilespmem:v15+s23+$0x0], $0xffff  }
0x219: {  	v14 =	vor.u32 v7, v14;
	v16 =	vand.u32 $0x780, v16;
	v18 =	vshll.u32 v18, $0x7;
	v17 =	vld.idx.msk [tilespmem:v17+s23+$0x0], $0xffff  }
0x21a: {  	v16 =	vor.u32 v7, v16;
	v18 =	vand.u32 $0x780, v18;
	v19 =	vld.idx.msk [tilespmem:v19+s23+$0x0], $0xffff;
	v9 =	vmul.f32 $8.000000000e+00, v9  }
0x21b: {  	v20 =	vshll.u32 v20, $0x7;
	v61 =	vshll.u32 v22, $0x7;
	v11 =	vmul.f32 $8.000000000e+00, v11;
	v21 =	vld.idx.msk [tilespmem:v21+s23+$0x0], $0xffff  }
0x21c: {  	v60 =	vld.idx.msk [tilespmem:v23+s23+$0x0], $0xffff;
	v13 =	vmul.f32 $8.000000000e+00, v13;
	[tilespmem:v8+s22+$0x0] =	vst.idx.msk $0xffff, v9;
	v8 =	vor.u32 v7, v18;
	v9 =	vand.u32 $0x780, v20  }
0x21d: {  	[tilespmem:v10+s22+$0x0] =	vst.idx.msk $0xffff, v11;
	v10 =	vmul.f32 $8.000000000e+00, v15;
	v11 =	vand.u32 $0x780, v61;
	v9 =	vor.u32 v7, v9  }
0x21e: {  	p1 =	por p0, p0;
	[tilespmem:v12+s22+$0x0] =	vst.idx.msk $0xffff, v13;
	v62 =	vmul.f32 $8.000000000e+00, v17;
	v11 =	vor.u32 v7, v11  }
.Ltmp18:
0x21f: {  	[tilespmem:v14+s22+$0x0] =	vst.idx.msk $0xffff, v10;
	v10 =	vmul.f32 $8.000000000e+00, v19;
	(pc) =	sbr.rel @p1 .LBB2_40-.Ltmp18, $4  }
0x220: {  	[tilespmem:v16+s22+$0x0] =	vst.idx.msk $0xffff, v62;
	v63 =	vmul.f32 $8.000000000e+00, v21  }
0x221: {  	[tilespmem:v8+s22+$0x0] =	vst.idx.msk $0xffff, v10;
	v8 =	vmul.f32 $8.000000000e+00, v60  }
0x222: {  	[tilespmem:v9+s22+$0x0] =	vst.idx.msk $0xffff, v63  }
0x223: {  	p0 =	por $0x0, $0x0;
	s17 =	simm.s32 $0x8;
	[tilespmem:v11+s22+$0x0] =	vst.idx.msk $0xffff, v8  }
0x224: {  	s14 =	sadd.s32 $0x1, s14  }
0x225: {  	p0 =	sne.s32 s14, $0x8  }
.Ltmp19:
0x226: {  	_ = 	snop;
	(pc) =	sbr.rel @p0 .LBB2_33-.Ltmp19, $2  }
0x227: {  	_ =	sdelay $0x2  }
0x228: {  	[tilespmem:$0x1E400] =	vst v8  }
0x229: {  	s10 =	sadd.s32 s12, s9  }
0x22a: {  	[hbm4b:s10+s26] =	stream.strided.scatter [tilespmem:s22], [sflag:$0x8], $0x2000, s28, s26, $0x38;
	[tilespmem:$0x1E410] =	vst v63  }
0x22b: {  	_ =	swait.ge [sflag:s3], $0x2000  }
0x22c: {  	s11 =	sadd.s32 $0x1, s11;
	[sflag:s3] =	ssyncset.done $0x0  }
0x22d: {  	s14 =	sadd.s32 $0x300, s13;
	p0 =	sne.s32 s11, $0x31;
	[sflag:s3] =	ssyncadd.s32 $0xFFFFE000  }
0x22e: {  	[tilespmem:s21], [sflag:$0x3] =	stream.indirect.gather [hbm4b:s4+s15], $0x80, s14, s15, $0xb8;
	[tilespmem:$0x1E410] =	vst v63  }
.Ltmp20:
0x22f: {  	_ = 	snop;
	(pc) =	sbr.rel @p0 .LBB2_2-.Ltmp20, $4  }
0x230: {  	_ =	swait.ge [sflag:s5], $0x2000  }
0x231: {  	[sflag:s5] =	ssyncset.done $0x0  }
0x232: {  	s17 =	sadd.s32 $0x380, s13;
	[sflag:s5] =	ssyncadd.s32 $0xFFFFE000  }
0x233: {  	[tilespmem:s23], [sflag:$0x4] =	stream.indirect.gather [hbm4b:s4+s15], $0x80, s17, s15, $0xb8;
	[tilespmem:$0x1E410] =	vst v63  }
0x234: {  	_ =	swait.ge [sflag:s24], $0x4000  }
0x235: {  	[sflag:s24] =	ssyncset.done $0x0  }
0x236: {  	s11 =	simm.s32 $0x0;
	[sflag:s24] =	ssyncadd.s32 $0xFFFFC000  }
.LBB2_44:
0x237: {  	s10 =	sshll.u32 s11, $0x4  }
0x238: {  	v7 =	vor.u32 s10, v0  }
0x239: {  	v6 =	vshll.u32 v7, $0x7;
	v5 =	vand.u32 $0x78, v7  }
0x23a: {  	p0 =	por $0x1, $0x1;
	s12 =	simm.s32 $0x0;
	v7 =	vand.u32 v3, v7;
	v4 =	vor.u32 v1, v6;
	v5 =	vor.u32 v2, v5  }
.LBB2_45:
0x23b: {  	v8 =	vadd.s32 s12, v0;
	s10 =	sor.u32 $0x1, s12  }
0x23c: {  	s13 =	sor.u32 $0x2, s12;
	s14 =	sor.u32 $0x3, s12;
	v9 =	vand.u32 $0x8, v8;
	v10 =	vadd.s32 s10, v0  }
0x23d: {  	s17 =	sor.u32 $0x4, s12;
	v12 =	vadd.s32 s13, v0;
	v8 =	vshll.u32 v8, $0x7;
	v14 =	vadd.s32 s14, v0  }
0x23e: {  	v16 =	vadd.s32 s17, v0;
	v9 =	vor.u32 v9, v4;
	v11 =	vand.u32 $0xF, v10  }
0x23f: {  	v13 =	vand.u32 $0xF, v12;
	v8 =	vand.u32 $0x400, v8;
	v10 =	vshll.u32 v10, $0x7  }
0x240: {  	s13 =	sor.u32 $0x5, s12;
	s14 =	sor.u32 $0x6, s12;
	v15 =	vand.u32 $0xF, v14;
	v17 =	vand.u32 $0xF, v16;
	v11 =	vor.u32 v6, v11  }
0x241: {  	s17 =	sor.u32 $0x7, s12;
	v18 =	vadd.s32 s13, v0;
	v20 =	vadd.s32 s14, v0;
	v13 =	vor.u32 v6, v13  }
0x242: {  	v22 =	vadd.s32 s17, v0;
	v12 =	vshll.u32 v12, $0x7;
	v15 =	vor.u32 v6, v15  }
0x243: {  	v14 =	vshll.u32 v14, $0x7;
	v17 =	vor.u32 v6, v17;
	v19 =	vand.u32 $0xF, v18  }
0x244: {  	v16 =	vshll.u32 v16, $0x7;
	v21 =	vand.u32 $0xF, v20;
	v19 =	vor.u32 v6, v19;
	v9 =	vld.idx.msk [tilespmem:v9+s18+$0x0], $0xffff  }
0x245: {  	v8 =	vor.u32 v8, v5;
	v23 =	vand.u32 $0xF, v22;
	v21 =	vor.u32 v6, v21;
	v11 =	vld.idx.msk [tilespmem:v11+s18+$0x0], $0xffff  }
0x246: {  	v10 =	vand.u32 $0x780, v10;
	v12 =	vand.u32 $0x780, v12;
	v23 =	vor.u32 v6, v23;
	v13 =	vld.idx.msk [tilespmem:v13+s18+$0x0], $0xffff  }
0x247: {  	v14 =	vand.u32 $0x780, v14;
	v16 =	vand.u32 $0x780, v16;
	v10 =	vor.u32 v10, v7;
	v15 =	vld.idx.msk [tilespmem:v15+s18+$0x0], $0xffff  }
0x248: {  	v18 =	vshll.u32 v18, $0x7;
	v20 =	vshll.u32 v20, $0x7;
	v12 =	vor.u32 v12, v7;
	v17 =	vld.idx.msk [tilespmem:v17+s18+$0x0], $0xffff  }
0x249: {  	v61 =	vshll.u32 v22, $0x7;
	v14 =	vor.u32 v14, v7;
	v19 =	vld.idx.msk [tilespmem:v19+s18+$0x0], $0xffff;
	v9 =	vmul.f32 $8.000000000e+00, v9  }
0x24a: {  	v16 =	vor.u32 v16, v7;
	v18 =	vand.u32 $0x780, v18;
	v21 =	vld.idx.msk [tilespmem:v21+s18+$0x0], $0xffff;
	v11 =	vmul.f32 $8.000000000e+00, v11  }
0x24b: {  	v60 =	vld.idx.msk [tilespmem:v23+s18+$0x0], $0xffff;
	v13 =	vmul.f32 $8.000000000e+00, v13;
	[tilespmem:v8+s25+$0x0] =	vst.idx.msk $0xffff, v9;
	v8 =	vor.u32 v18, v7;
	v9 =	vand.u32 $0x780, v20  }
0x24c: {  	[tilespmem:v10+s25+$0x0] =	vst.idx.msk $0xffff, v11;
	v10 =	vmul.f32 $8.000000000e+00, v15;
	v9 =	vor.u32 v9, v7;
	v11 =	vand.u32 $0x780, v61  }
0x24d: {  	p1 =	por p0, p0;
	v62 =	vmul.f32 $8.000000000e+00, v17;
	[tilespmem:v12+s25+$0x0] =	vst.idx.msk $0xffff, v13;
	v11 =	vor.u32 v11, v7  }
.Ltmp21:
0x24e: {  	[tilespmem:v14+s25+$0x0] =	vst.idx.msk $0xffff, v10;
	v10 =	vmul.f32 $8.000000000e+00, v19;
	(pc) =	sbr.rel @p1 .LBB2_45-.Ltmp21, $4  }
0x24f: {  	v63 =	vmul.f32 $8.000000000e+00, v21;
	[tilespmem:v16+s25+$0x0] =	vst.idx.msk $0xffff, v62  }
0x250: {  	[tilespmem:v8+s25+$0x0] =	vst.idx.msk $0xffff, v10;
	v8 =	vmul.f32 $8.000000000e+00, v60  }
0x251: {  	[tilespmem:v9+s25+$0x0] =	vst.idx.msk $0xffff, v63  }
0x252: {  	p0 =	por $0x0, $0x0;
	s12 =	simm.s32 $0x8;
	[tilespmem:v11+s25+$0x0] =	vst.idx.msk $0xffff, v8  }
0x253: {  	[tilespmem:$0x1E400] =	vst v8;
	v8 =	vor.u32 $0x10, v6;
	v9 =	vor.u32 $0x800, v7;
	s12 =	simm.s32 $0x0;
	p0 =	por $0x1, $0x1  }
.LBB2_47:
0x254: {  	v10 =	vadd.s32 s12, v0  }
0x255: {  	v10 =	vor.u32 $0x10, v10  }
0x256: {  	s10 =	sor.u32 $0x1, s12;
	s13 =	sor.u32 $0x2, s12;
	v11 =	vand.u32 $0x18, v10  }
0x257: {  	s14 =	sor.u32 $0x3, s12;
	s17 =	sor.u32 $0x4, s12;
	v12 =	vadd.s32 s10, v0;
	v14 =	vadd.s32 s13, v0;
	v11 =	vor.u32 v11, v4  }
0x258: {  	v16 =	vadd.s32 s14, v0;
	v18 =	vadd.s32 s17, v0;
	v13 =	vor.u32 v8, v12  }
0x259: {  	s13 =	sor.u32 $0x5, s12;
	v15 =	vor.u32 v8, v14;
	v10 =	vshll.u32 v10, $0x7;
	v17 =	vor.u32 v8, v16  }
0x25a: {  	s14 =	sor.u32 $0x6, s12;
	s17 =	sor.u32 $0x7, s12;
	v19 =	vor.u32 v8, v18;
	v20 =	vadd.s32 s13, v0;
	v12 =	vshll.u32 v12, $0x7  }
0x25b: {  	v22 =	vadd.s32 s14, v0;
	v24 =	vadd.s32 s17, v0;
	v14 =	vshll.u32 v14, $0x7  }
0x25c: {  	v16 =	vshll.u32 v16, $0x7;
	v18 =	vshll.u32 v18, $0x7;
	v21 =	vor.u32 v8, v20;
	v11 =	vld.idx.msk [tilespmem:v11+s18+$0x0], $0xffff  }
0x25d: {  	v10 =	vand.u32 $0xC00, v10;
	v12 =	vand.u32 $0x780, v12;
	v23 =	vor.u32 v8, v22;
	v13 =	vld.idx.msk [tilespmem:v13+s18+$0x0], $0xffff  }
0x25e: {  	v25 =	vor.u32 v8, v24;
	v14 =	vand.u32 $0x780, v14;
	v10 =	vor.u32 v10, v5;
	v15 =	vld.idx.msk [tilespmem:v15+s18+$0x0], $0xffff  }
0x25f: {  	v16 =	vand.u32 $0x780, v16;
	v18 =	vand.u32 $0x780, v18;
	v12 =	vor.u32 v9, v12;
	v17 =	vld.idx.msk [tilespmem:v17+s18+$0x0], $0xffff  }
0x260: {  	v20 =	vshll.u32 v20, $0x7;
	v22 =	vshll.u32 v22, $0x7;
	v14 =	vor.u32 v9, v14;
	v19 =	vld.idx.msk [tilespmem:v19+s18+$0x0], $0xffff  }
0x261: {  	v58 =	vshll.u32 v24, $0x7;
	v16 =	vor.u32 v9, v16;
	v21 =	vld.idx.msk [tilespmem:v21+s18+$0x0], $0xffff;
	v11 =	vmul.f32 $8.000000000e+00, v11  }
0x262: {  	v18 =	vor.u32 v9, v18;
	v20 =	vand.u32 $0x780, v20;
	v23 =	vld.idx.msk [tilespmem:v23+s18+$0x0], $0xffff;
	v13 =	vmul.f32 $8.000000000e+00, v13  }
0x263: {  	v57 =	vld.idx.msk [tilespmem:v25+s18+$0x0], $0xffff;
	v15 =	vmul.f32 $8.000000000e+00, v15;
	[tilespmem:v10+s25+$0x0] =	vst.idx.msk $0xffff, v11;
	v10 =	vor.u32 v9, v20;
	v11 =	vand.u32 $0x780, v22  }
0x264: {  	v60 =	vand.u32 $0x780, v58;
	v59 =	vmul.f32 $8.000000000e+00, v17;
	[tilespmem:v12+s25+$0x0] =	vst.idx.msk $0xffff, v13;
	v11 =	vor.u32 v9, v11  }
0x265: {  	p1 =	por p0, p0;
	v61 =	vmul.f32 $8.000000000e+00, v19;
	[tilespmem:v14+s25+$0x0] =	vst.idx.msk $0xffff, v15;
	v13 =	vor.u32 v9, v60  }
.Ltmp22:
0x266: {  	v62 =	vmul.f32 $8.000000000e+00, v21;
	[tilespmem:v16+s25+$0x0] =	vst.idx.msk $0xffff, v59;
	(pc) =	sbr.rel @p1 .LBB2_47-.Ltmp22, $4  }
0x267: {  	v63 =	vmul.f32 $8.000000000e+00, v23;
	[tilespmem:v18+s25+$0x0] =	vst.idx.msk $0xffff, v61  }
0x268: {  	[tilespmem:v10+s25+$0x0] =	vst.idx.msk $0xffff, v62;
	v10 =	vmul.f32 $8.000000000e+00, v57  }
0x269: {  	[tilespmem:v11+s25+$0x0] =	vst.idx.msk $0xffff, v63  }
0x26a: {  	p0 =	por $0x0, $0x0;
	s12 =	simm.s32 $0x8;
	[tilespmem:v13+s25+$0x0] =	vst.idx.msk $0xffff, v10  }
0x26b: {  	[tilespmem:$0x1E400] =	vst v10;
	s12 =	simm.s32 $0x0;
	p0 =	por $0x1, $0x1  }
.LBB2_49:
0x26c: {  	s10 =	sor.u32 $0x1, s12;
	v8 =	vadd.s32 s12, v0  }
0x26d: {  	s13 =	sor.u32 $0x2, s12;
	s14 =	sor.u32 $0x3, s12;
	s17 =	sor.u32 $0x4, s12;
	v9 =	vadd.s32 s10, v0;
	v8 =	vand.u32 $0xF, v8  }
0x26e: {  	v42 =	vadd.s32 s13, v0;
	v17 =	vadd.s32 s14, v0;
	v46 =	vadd.s32 s17, v0  }
0x26f: {  	v10 =	vand.u32 $0xF, v9;
	v8 =	vor.u32 $0x20, v8;
	v13 =	vand.u32 $0x7, v9  }
0x270: {  	v9 =	vshll.u32 v9, $0x7;
	v14 =	vand.u32 $0xF, v42;
	v16 =	vand.u32 $0x7, v42  }
0x271: {  	s13 =	sor.u32 $0x5, s12;
	v43 =	vand.u32 $0xF, v17;
	v18 =	vand.u32 $0x7, v17;
	v17 =	vshll.u32 v17, $0x7  }
0x272: {  	s14 =	sor.u32 $0x6, s12;
	s17 =	sor.u32 $0x7, s12;
	v47 =	vand.u32 $0xF, v46;
	v20 =	vand.u32 $0x7, v46;
	v21 =	vadd.s32 s13, v0  }
0x273: {  	v53 =	vadd.s32 s14, v0;
	v23 =	vadd.s32 s17, v0;
	v10 =	vor.u32 $0x20, v10  }
0x274: {  	v11 =	vand.u32 $0x28, v8;
	v8 =	vshll.u32 v8, $0x7;
	v9 =	vand.u32 $0x380, v9  }
0x275: {  	v14 =	vor.u32 $0x20, v14;
	v17 =	vand.u32 $0x380, v17;
	v49 =	vand.u32 $0xF, v21  }
0x276: {  	v22 =	vand.u32 $0x7, v21;
	v52 =	vshll.u32 v21, $0x7;
	v54 =	vand.u32 $0xF, v53  }
0x277: {  	v56 =	vand.u32 $0xF, v23;
	v25 =	vand.u32 $0x7, v53;
	v26 =	vand.u32 $0x7, v23  }
0x278: {  	v21 =	vshll.u32 v53, $0x7;
	v23 =	vshll.u32 v23, $0x7;
	v12 =	vand.u32 $0x28, v10  }
0x279: {  	v11 =	vor.u32 v11, v4;
	v8 =	vand.u32 $0x1400, v8;
	v10 =	vshll.u32 v10, $0x7  }
0x27a: {  	v15 =	vand.u32 $0x28, v14;
	v14 =	vshll.u32 v14, $0x7;
	v55 =	vor.u32 $0x20, v54  }
0x27b: {  	v21 =	vand.u32 $0x380, v21;
	v60 =	vand.u32 $0x380, v23;
	v12 =	vor.u32 v12, v13  }
0x27c: {  	v10 =	vand.u32 $0x1400, v10;
	v13 =	vshll.u32 v42, $0x7;
	v14 =	vand.u32 $0x1400, v14  }
0x27d: {  	v24 =	vand.u32 $0x28, v55;
	v8 =	vor.u32 v8, v5;
	v12 =	vor.u32 v6, v12  }
0x27e: {  	v9 =	vor.u32 v10, v9;
	v10 =	vor.u32 v15, v16;
	v15 =	vor.u32 $0x20, v43  }
0x27f: {  	v13 =	vand.u32 $0x380, v13;
	v24 =	vor.u32 v24, v25;
	v10 =	vor.u32 v6, v10  }
0x280: {  	v44 =	vand.u32 $0x28, v15;
	v13 =	vor.u32 v14, v13;
	v15 =	vshll.u32 v15, $0x7  }
0x281: {  	v24 =	vor.u32 v6, v24;
	v16 =	vor.u32 v44, v18;
	v18 =	vor.u32 $0x20, v47  }
0x282: {  	v9 =	vor.u32 v7, v9;
	v15 =	vand.u32 $0x1400, v15;
	v19 =	vand.u32 $0x28, v18  }
0x283: {  	v13 =	vor.u32 v7, v13;
	v48 =	vor.u32 v19, v20;
	v19 =	vor.u32 $0x20, v49  }
0x284: {  	v45 =	vor.u32 v6, v16;
	v15 =	vor.u32 v15, v17;
	v50 =	vand.u32 $0x28, v19  }
0x285: {  	v17 =	vor.u32 v6, v48;
	v20 =	vor.u32 v50, v22;
	v22 =	vor.u32 $0x20, v56  }
0x286: {  	v18 =	vshll.u32 v18, $0x7;
	v11 =	vld.idx.msk [tilespmem:v11+s18+$0x0], $0xffff;
	v51 =	vor.u32 v6, v20;
	v57 =	vand.u32 $0x28, v22  }
0x287: {  	v16 =	vshll.u32 v46, $0x7;
	v18 =	vand.u32 $0x1400, v18;
	v12 =	vld.idx.msk [tilespmem:v12+s18+$0x0], $0xffff;
	v25 =	vor.u32 v57, v26  }
0x288: {  	v16 =	vand.u32 $0x380, v16;
	v19 =	vshll.u32 v19, $0x7;
	v10 =	vld.idx.msk [tilespmem:v10+s18+$0x0], $0xffff;
	v25 =	vor.u32 v6, v25  }
0x289: {  	v15 =	vor.u32 v7, v15;
	v19 =	vand.u32 $0x1400, v19;
	v20 =	vand.u32 $0x380, v52;
	v14 =	vld.idx.msk [tilespmem:v45+s18+$0x0], $0xffff  }
0x28a: {  	v16 =	vor.u32 v18, v16;
	v19 =	vor.u32 v19, v20;
	v20 =	vshll.u32 v55, $0x7;
	v17 =	vld.idx.msk [tilespmem:v17+s18+$0x0], $0xffff  }
0x28b: {  	v16 =	vor.u32 v7, v16;
	v11 =	vmul.f32 $8.000000000e+00, v11;
	v20 =	vand.u32 $0x1400, v20;
	v18 =	vld.idx.msk [tilespmem:v51+s18+$0x0], $0xffff  }
0x28c: {  	v58 =	vld.idx.msk [tilespmem:v24+s18+$0x0], $0xffff;
	v22 =	vshll.u32 v22, $0x7;
	v20 =	vor.u32 v20, v21;
	v12 =	vmul.f32 $8.000000000e+00, v12  }
0x28d: {  	v59 =	vand.u32 $0x1400, v22;
	[tilespmem:v8+s25+$0x0] =	vst.idx.msk $0xffff, v11;
	v8 =	vor.u32 v7, v19;
	v10 =	vmul.f32 $8.000000000e+00, v10;
	v11 =	vld.idx.msk [tilespmem:v25+s18+$0x0], $0xffff  }
0x28e: {  	v62 =	vor.u32 v7, v20;
	[tilespmem:v9+s25+$0x0] =	vst.idx.msk $0xffff, v12;
	v9 =	vor.u32 v59, v60;
	v61 =	vmul.f32 $8.000000000e+00, v14  }
0x28f: {  	p1 =	por p0, p0;
	[tilespmem:v13+s25+$0x0] =	vst.idx.msk $0xffff, v10;
	v9 =	vor.u32 v7, v9;
	v10 =	vmul.f32 $8.000000000e+00, v17  }
.Ltmp23:
0x290: {  	[tilespmem:v15+s25+$0x0] =	vst.idx.msk $0xffff, v61;
	v63 =	vmul.f32 $8.000000000e+00, v18;
	(pc) =	sbr.rel @p1 .LBB2_49-.Ltmp23, $4  }
0x291: {  	[tilespmem:v16+s25+$0x0] =	vst.idx.msk $0xffff, v10;
	v10 =	vmul.f32 $8.000000000e+00, v58  }
0x292: {  	[tilespmem:v8+s25+$0x0] =	vst.idx.msk $0xffff, v63;
	v8 =	vmul.f32 $8.000000000e+00, v11  }
0x293: {  	[tilespmem:v62+s25+$0x0] =	vst.idx.msk $0xffff, v10  }
0x294: {  	p0 =	por $0x0, $0x0;
	s12 =	simm.s32 $0x8;
	[tilespmem:v9+s25+$0x0] =	vst.idx.msk $0xffff, v8  }
0x295: {  	[tilespmem:$0x1E400] =	vst v8;
	v6 =	vor.u32 $0x30, v6;
	v7 =	vor.u32 $0x1800, v7;
	s12 =	simm.s32 $0x0;
	p0 =	por $0x1, $0x1  }
.LBB2_51:
0x296: {  	v8 =	vadd.s32 s12, v0  }
0x297: {  	v8 =	vor.u32 $0x30, v8  }
0x298: {  	s10 =	sor.u32 $0x1, s12;
	s13 =	sor.u32 $0x2, s12;
	v9 =	vand.u32 $0x38, v8  }
0x299: {  	s14 =	sor.u32 $0x3, s12;
	s17 =	sor.u32 $0x4, s12;
	v10 =	vadd.s32 s10, v0;
	v12 =	vadd.s32 s13, v0;
	v9 =	vor.u32 v9, v4  }
0x29a: {  	v14 =	vadd.s32 s14, v0;
	v16 =	vadd.s32 s17, v0;
	v11 =	vor.u32 v6, v10  }
0x29b: {  	s13 =	sor.u32 $0x5, s12;
	v13 =	vor.u32 v6, v12;
	v8 =	vshll.u32 v8, $0x7;
	v15 =	vor.u32 v6, v14  }
0x29c: {  	s14 =	sor.u32 $0x6, s12;
	s17 =	sor.u32 $0x7, s12;
	v17 =	vor.u32 v6, v16;
	v18 =	vadd.s32 s13, v0;
	v10 =	vshll.u32 v10, $0x7  }
0x29d: {  	v20 =	vadd.s32 s14, v0;
	v22 =	vadd.s32 s17, v0;
	v12 =	vshll.u32 v12, $0x7  }
0x29e: {  	v14 =	vshll.u32 v14, $0x7;
	v16 =	vshll.u32 v16, $0x7;
	v19 =	vor.u32 v6, v18;
	v9 =	vld.idx.msk [tilespmem:v9+s18+$0x0], $0xffff  }
0x29f: {  	v8 =	vand.u32 $0x1C00, v8;
	v10 =	vand.u32 $0x780, v10;
	v21 =	vor.u32 v6, v20;
	v11 =	vld.idx.msk [tilespmem:v11+s18+$0x0], $0xffff  }
0x2a0: {  	v23 =	vor.u32 v6, v22;
	v12 =	vand.u32 $0x780, v12;
	v8 =	vor.u32 v8, v5;
	v13 =	vld.idx.msk [tilespmem:v13+s18+$0x0], $0xffff  }
0x2a1: {  	v14 =	vand.u32 $0x780, v14;
	v16 =	vand.u32 $0x780, v16;
	v10 =	vor.u32 v7, v10;
	v15 =	vld.idx.msk [tilespmem:v15+s18+$0x0], $0xffff  }
0x2a2: {  	v18 =	vshll.u32 v18, $0x7;
	v20 =	vshll.u32 v20, $0x7;
	v12 =	vor.u32 v7, v12;
	v17 =	vld.idx.msk [tilespmem:v17+s18+$0x0], $0xffff  }
0x2a3: {  	v61 =	vshll.u32 v22, $0x7;
	v14 =	vor.u32 v7, v14;
	v19 =	vld.idx.msk [tilespmem:v19+s18+$0x0], $0xffff;
	v9 =	vmul.f32 $8.000000000e+00, v9  }
0x2a4: {  	v16 =	vor.u32 v7, v16;
	v18 =	vand.u32 $0x780, v18;
	v21 =	vld.idx.msk [tilespmem:v21+s18+$0x0], $0xffff;
	v11 =	vmul.f32 $8.000000000e+00, v11  }
0x2a5: {  	v60 =	vld.idx.msk [tilespmem:v23+s18+$0x0], $0xffff;
	v13 =	vmul.f32 $8.000000000e+00, v13;
	[tilespmem:v8+s25+$0x0] =	vst.idx.msk $0xffff, v9;
	v8 =	vor.u32 v7, v18;
	v9 =	vand.u32 $0x780, v20  }
0x2a6: {  	[tilespmem:v10+s25+$0x0] =	vst.idx.msk $0xffff, v11;
	v10 =	vmul.f32 $8.000000000e+00, v15;
	v11 =	vand.u32 $0x780, v61;
	v9 =	vor.u32 v7, v9  }
0x2a7: {  	p1 =	por p0, p0;
	v62 =	vmul.f32 $8.000000000e+00, v17;
	[tilespmem:v12+s25+$0x0] =	vst.idx.msk $0xffff, v13;
	v11 =	vor.u32 v7, v11  }
.Ltmp24:
0x2a8: {  	[tilespmem:v14+s25+$0x0] =	vst.idx.msk $0xffff, v10;
	v10 =	vmul.f32 $8.000000000e+00, v19;
	(pc) =	sbr.rel @p1 .LBB2_51-.Ltmp24, $4  }
0x2a9: {  	v63 =	vmul.f32 $8.000000000e+00, v21;
	[tilespmem:v16+s25+$0x0] =	vst.idx.msk $0xffff, v62  }
0x2aa: {  	[tilespmem:v8+s25+$0x0] =	vst.idx.msk $0xffff, v10;
	v8 =	vmul.f32 $8.000000000e+00, v60  }
0x2ab: {  	[tilespmem:v9+s25+$0x0] =	vst.idx.msk $0xffff, v63  }
0x2ac: {  	p0 =	por $0x0, $0x0;
	s12 =	simm.s32 $0x8;
	[tilespmem:v11+s25+$0x0] =	vst.idx.msk $0xffff, v8  }
0x2ad: {  	s11 =	sadd.s32 $0x1, s11  }
0x2ae: {  	p0 =	sne.s32 s11, $0x8  }
.Ltmp25:
0x2af: {  	_ = 	snop;
	(pc) =	sbr.rel @p0 .LBB2_44-.Ltmp25, $2  }
0x2b0: {  	_ =	sdelay $0x2  }
0x2b1: {  	[tilespmem:$0x1E400] =	vst v8  }
0x2b2: {  	s10 =	rddreg [dreg:$0x4]  }
0x2b3: {  	[hbm4b:s10+s26] =	stream.strided.scatter [tilespmem:s25], [sflag:$0x5], $0x2000, s28, s26, $0x38;
	[tilespmem:$0x1E410] =	vst v63  }
0x2b4: {  	_ =	swait.ge [sflag:s29], $0x4000  }
0x2b5: {  	[sflag:s29] =	ssyncset.done $0x0  }
0x2b6: {  	s11 =	simm.s32 $0x0;
	[sflag:s29] =	ssyncadd.s32 $0xFFFFC000  }
.LBB2_54:
0x2b7: {  	s10 =	sshll.u32 s11, $0x4  }
0x2b8: {  	v7 =	vor.u32 s10, v0  }
0x2b9: {  	v6 =	vshll.u32 v7, $0x7;
	v5 =	vand.u32 $0x78, v7  }
0x2ba: {  	p0 =	por $0x1, $0x1;
	s12 =	simm.s32 $0x0;
	v7 =	vand.u32 v3, v7;
	v4 =	vor.u32 v1, v6;
	v5 =	vor.u32 v2, v5  }
.LBB2_55:
0x2bb: {  	v8 =	vadd.s32 s12, v0;
	s10 =	sor.u32 $0x1, s12  }
0x2bc: {  	s13 =	sor.u32 $0x2, s12;
	s14 =	sor.u32 $0x3, s12;
	v9 =	vand.u32 $0x8, v8;
	v10 =	vadd.s32 s10, v0  }
0x2bd: {  	s17 =	sor.u32 $0x4, s12;
	v12 =	vadd.s32 s13, v0;
	v8 =	vshll.u32 v8, $0x7;
	v14 =	vadd.s32 s14, v0  }
0x2be: {  	v16 =	vadd.s32 s17, v0;
	v9 =	vor.u32 v9, v4;
	v11 =	vand.u32 $0xF, v10  }
0x2bf: {  	v13 =	vand.u32 $0xF, v12;
	v8 =	vand.u32 $0x400, v8;
	v10 =	vshll.u32 v10, $0x7  }
0x2c0: {  	s13 =	sor.u32 $0x5, s12;
	s14 =	sor.u32 $0x6, s12;
	v15 =	vand.u32 $0xF, v14;
	v17 =	vand.u32 $0xF, v16;
	v11 =	vor.u32 v6, v11  }
0x2c1: {  	s17 =	sor.u32 $0x7, s12;
	v18 =	vadd.s32 s13, v0;
	v20 =	vadd.s32 s14, v0;
	v13 =	vor.u32 v6, v13  }
0x2c2: {  	v22 =	vadd.s32 s17, v0;
	v12 =	vshll.u32 v12, $0x7;
	v15 =	vor.u32 v6, v15  }
0x2c3: {  	v14 =	vshll.u32 v14, $0x7;
	v17 =	vor.u32 v6, v17;
	v19 =	vand.u32 $0xF, v18  }
0x2c4: {  	v16 =	vshll.u32 v16, $0x7;
	v21 =	vand.u32 $0xF, v20;
	v19 =	vor.u32 v6, v19;
	v9 =	vld.idx.msk [tilespmem:v9+s19+$0x0], $0xffff  }
0x2c5: {  	v8 =	vor.u32 v8, v5;
	v23 =	vand.u32 $0xF, v22;
	v21 =	vor.u32 v6, v21;
	v11 =	vld.idx.msk [tilespmem:v11+s19+$0x0], $0xffff  }
0x2c6: {  	v10 =	vand.u32 $0x780, v10;
	v12 =	vand.u32 $0x780, v12;
	v23 =	vor.u32 v6, v23;
	v13 =	vld.idx.msk [tilespmem:v13+s19+$0x0], $0xffff  }
0x2c7: {  	v14 =	vand.u32 $0x780, v14;
	v16 =	vand.u32 $0x780, v16;
	v10 =	vor.u32 v10, v7;
	v15 =	vld.idx.msk [tilespmem:v15+s19+$0x0], $0xffff  }
0x2c8: {  	v18 =	vshll.u32 v18, $0x7;
	v20 =	vshll.u32 v20, $0x7;
	v12 =	vor.u32 v12, v7;
	v17 =	vld.idx.msk [tilespmem:v17+s19+$0x0], $0xffff  }
0x2c9: {  	v61 =	vshll.u32 v22, $0x7;
	v14 =	vor.u32 v14, v7;
	v19 =	vld.idx.msk [tilespmem:v19+s19+$0x0], $0xffff;
	v9 =	vmul.f32 $8.000000000e+00, v9  }
0x2ca: {  	v16 =	vor.u32 v16, v7;
	v18 =	vand.u32 $0x780, v18;
	v21 =	vld.idx.msk [tilespmem:v21+s19+$0x0], $0xffff;
	v11 =	vmul.f32 $8.000000000e+00, v11  }
0x2cb: {  	v60 =	vld.idx.msk [tilespmem:v23+s19+$0x0], $0xffff;
	v13 =	vmul.f32 $8.000000000e+00, v13;
	[tilespmem:v8+s30+$0x0] =	vst.idx.msk $0xffff, v9;
	v8 =	vor.u32 v18, v7;
	v9 =	vand.u32 $0x780, v20  }
0x2cc: {  	[tilespmem:v10+s30+$0x0] =	vst.idx.msk $0xffff, v11;
	v10 =	vmul.f32 $8.000000000e+00, v15;
	v9 =	vor.u32 v9, v7;
	v11 =	vand.u32 $0x780, v61  }
0x2cd: {  	p1 =	por p0, p0;
	v62 =	vmul.f32 $8.000000000e+00, v17;
	[tilespmem:v12+s30+$0x0] =	vst.idx.msk $0xffff, v13;
	v11 =	vor.u32 v11, v7  }
.Ltmp26:
0x2ce: {  	[tilespmem:v14+s30+$0x0] =	vst.idx.msk $0xffff, v10;
	v10 =	vmul.f32 $8.000000000e+00, v19;
	(pc) =	sbr.rel @p1 .LBB2_55-.Ltmp26, $4  }
0x2cf: {  	v63 =	vmul.f32 $8.000000000e+00, v21;
	[tilespmem:v16+s30+$0x0] =	vst.idx.msk $0xffff, v62  }
0x2d0: {  	[tilespmem:v8+s30+$0x0] =	vst.idx.msk $0xffff, v10;
	v8 =	vmul.f32 $8.000000000e+00, v60  }
0x2d1: {  	[tilespmem:v9+s30+$0x0] =	vst.idx.msk $0xffff, v63  }
0x2d2: {  	p0 =	por $0x0, $0x0;
	s12 =	simm.s32 $0x8;
	[tilespmem:v11+s30+$0x0] =	vst.idx.msk $0xffff, v8  }
0x2d3: {  	[tilespmem:$0x1E400] =	vst v8;
	v8 =	vor.u32 $0x10, v6;
	v9 =	vor.u32 $0x800, v7;
	s12 =	simm.s32 $0x0;
	p0 =	por $0x1, $0x1  }
.LBB2_57:
0x2d4: {  	v10 =	vadd.s32 s12, v0  }
0x2d5: {  	v10 =	vor.u32 $0x10, v10  }
0x2d6: {  	s10 =	sor.u32 $0x1, s12;
	s13 =	sor.u32 $0x2, s12;
	v11 =	vand.u32 $0x18, v10  }
0x2d7: {  	s14 =	sor.u32 $0x3, s12;
	s17 =	sor.u32 $0x4, s12;
	v12 =	vadd.s32 s10, v0;
	v14 =	vadd.s32 s13, v0;
	v11 =	vor.u32 v11, v4  }
0x2d8: {  	v16 =	vadd.s32 s14, v0;
	v18 =	vadd.s32 s17, v0;
	v13 =	vor.u32 v8, v12  }
0x2d9: {  	s13 =	sor.u32 $0x5, s12;
	v15 =	vor.u32 v8, v14;
	v10 =	vshll.u32 v10, $0x7;
	v17 =	vor.u32 v8, v16  }
0x2da: {  	s14 =	sor.u32 $0x6, s12;
	s17 =	sor.u32 $0x7, s12;
	v19 =	vor.u32 v8, v18;
	v20 =	vadd.s32 s13, v0;
	v12 =	vshll.u32 v12, $0x7  }
0x2db: {  	v22 =	vadd.s32 s14, v0;
	v24 =	vadd.s32 s17, v0;
	v14 =	vshll.u32 v14, $0x7  }
0x2dc: {  	v16 =	vshll.u32 v16, $0x7;
	v18 =	vshll.u32 v18, $0x7;
	v21 =	vor.u32 v8, v20;
	v11 =	vld.idx.msk [tilespmem:v11+s19+$0x0], $0xffff  }
0x2dd: {  	v10 =	vand.u32 $0xC00, v10;
	v12 =	vand.u32 $0x780, v12;
	v23 =	vor.u32 v8, v22;
	v13 =	vld.idx.msk [tilespmem:v13+s19+$0x0], $0xffff  }
0x2de: {  	v25 =	vor.u32 v8, v24;
	v14 =	vand.u32 $0x780, v14;
	v10 =	vor.u32 v10, v5;
	v15 =	vld.idx.msk [tilespmem:v15+s19+$0x0], $0xffff  }
0x2df: {  	v16 =	vand.u32 $0x780, v16;
	v18 =	vand.u32 $0x780, v18;
	v12 =	vor.u32 v9, v12;
	v17 =	vld.idx.msk [tilespmem:v17+s19+$0x0], $0xffff  }
0x2e0: {  	v20 =	vshll.u32 v20, $0x7;
	v22 =	vshll.u32 v22, $0x7;
	v14 =	vor.u32 v9, v14;
	v19 =	vld.idx.msk [tilespmem:v19+s19+$0x0], $0xffff  }
0x2e1: {  	v58 =	vshll.u32 v24, $0x7;
	v16 =	vor.u32 v9, v16;
	v21 =	vld.idx.msk [tilespmem:v21+s19+$0x0], $0xffff;
	v11 =	vmul.f32 $8.000000000e+00, v11  }
0x2e2: {  	v18 =	vor.u32 v9, v18;
	v20 =	vand.u32 $0x780, v20;
	v23 =	vld.idx.msk [tilespmem:v23+s19+$0x0], $0xffff;
	v13 =	vmul.f32 $8.000000000e+00, v13  }
0x2e3: {  	v57 =	vld.idx.msk [tilespmem:v25+s19+$0x0], $0xffff;
	v15 =	vmul.f32 $8.000000000e+00, v15;
	[tilespmem:v10+s30+$0x0] =	vst.idx.msk $0xffff, v11;
	v10 =	vor.u32 v9, v20;
	v11 =	vand.u32 $0x780, v22  }
0x2e4: {  	v60 =	vand.u32 $0x780, v58;
	v59 =	vmul.f32 $8.000000000e+00, v17;
	[tilespmem:v12+s30+$0x0] =	vst.idx.msk $0xffff, v13;
	v11 =	vor.u32 v9, v11  }
0x2e5: {  	p1 =	por p0, p0;
	v61 =	vmul.f32 $8.000000000e+00, v19;
	[tilespmem:v14+s30+$0x0] =	vst.idx.msk $0xffff, v15;
	v13 =	vor.u32 v9, v60  }
.Ltmp27:
0x2e6: {  	v62 =	vmul.f32 $8.000000000e+00, v21;
	[tilespmem:v16+s30+$0x0] =	vst.idx.msk $0xffff, v59;
	(pc) =	sbr.rel @p1 .LBB2_57-.Ltmp27, $4  }
0x2e7: {  	v63 =	vmul.f32 $8.000000000e+00, v23;
	[tilespmem:v18+s30+$0x0] =	vst.idx.msk $0xffff, v61  }
0x2e8: {  	[tilespmem:v10+s30+$0x0] =	vst.idx.msk $0xffff, v62;
	v10 =	vmul.f32 $8.000000000e+00, v57  }
0x2e9: {  	[tilespmem:v11+s30+$0x0] =	vst.idx.msk $0xffff, v63  }
0x2ea: {  	p0 =	por $0x0, $0x0;
	s12 =	simm.s32 $0x8;
	[tilespmem:v13+s30+$0x0] =	vst.idx.msk $0xffff, v10  }
0x2eb: {  	[tilespmem:$0x1E400] =	vst v10;
	s12 =	simm.s32 $0x0;
	p0 =	por $0x1, $0x1  }
.LBB2_59:
0x2ec: {  	s10 =	sor.u32 $0x1, s12;
	v8 =	vadd.s32 s12, v0  }
0x2ed: {  	s13 =	sor.u32 $0x2, s12;
	s14 =	sor.u32 $0x3, s12;
	s17 =	sor.u32 $0x4, s12;
	v9 =	vadd.s32 s10, v0;
	v8 =	vand.u32 $0xF, v8  }
0x2ee: {  	v42 =	vadd.s32 s13, v0;
	v17 =	vadd.s32 s14, v0;
	v46 =	vadd.s32 s17, v0  }
0x2ef: {  	v10 =	vand.u32 $0xF, v9;
	v8 =	vor.u32 $0x20, v8;
	v13 =	vand.u32 $0x7, v9  }
0x2f0: {  	v9 =	vshll.u32 v9, $0x7;
	v14 =	vand.u32 $0xF, v42;
	v16 =	vand.u32 $0x7, v42  }
0x2f1: {  	s13 =	sor.u32 $0x5, s12;
	v43 =	vand.u32 $0xF, v17;
	v18 =	vand.u32 $0x7, v17;
	v17 =	vshll.u32 v17, $0x7  }
0x2f2: {  	s14 =	sor.u32 $0x6, s12;
	s17 =	sor.u32 $0x7, s12;
	v47 =	vand.u32 $0xF, v46;
	v20 =	vand.u32 $0x7, v46;
	v21 =	vadd.s32 s13, v0  }
0x2f3: {  	v53 =	vadd.s32 s14, v0;
	v23 =	vadd.s32 s17, v0;
	v10 =	vor.u32 $0x20, v10  }
0x2f4: {  	v11 =	vand.u32 $0x28, v8;
	v8 =	vshll.u32 v8, $0x7;
	v9 =	vand.u32 $0x380, v9  }
0x2f5: {  	v14 =	vor.u32 $0x20, v14;
	v17 =	vand.u32 $0x380, v17;
	v49 =	vand.u32 $0xF, v21  }
0x2f6: {  	v22 =	vand.u32 $0x7, v21;
	v52 =	vshll.u32 v21, $0x7;
	v54 =	vand.u32 $0xF, v53  }
0x2f7: {  	v56 =	vand.u32 $0xF, v23;
	v25 =	vand.u32 $0x7, v53;
	v26 =	vand.u32 $0x7, v23  }
0x2f8: {  	v21 =	vshll.u32 v53, $0x7;
	v23 =	vshll.u32 v23, $0x7;
	v12 =	vand.u32 $0x28, v10  }
0x2f9: {  	v11 =	vor.u32 v11, v4;
	v8 =	vand.u32 $0x1400, v8;
	v10 =	vshll.u32 v10, $0x7  }
0x2fa: {  	v15 =	vand.u32 $0x28, v14;
	v14 =	vshll.u32 v14, $0x7;
	v55 =	vor.u32 $0x20, v54  }
0x2fb: {  	v21 =	vand.u32 $0x380, v21;
	v60 =	vand.u32 $0x380, v23;
	v12 =	vor.u32 v12, v13  }
0x2fc: {  	v10 =	vand.u32 $0x1400, v10;
	v13 =	vshll.u32 v42, $0x7;
	v14 =	vand.u32 $0x1400, v14  }
0x2fd: {  	v24 =	vand.u32 $0x28, v55;
	v8 =	vor.u32 v8, v5;
	v12 =	vor.u32 v6, v12  }
0x2fe: {  	v9 =	vor.u32 v10, v9;
	v10 =	vor.u32 v15, v16;
	v15 =	vor.u32 $0x20, v43  }
0x2ff: {  	v13 =	vand.u32 $0x380, v13;
	v24 =	vor.u32 v24, v25;
	v10 =	vor.u32 v6, v10  }
0x300: {  	v44 =	vand.u32 $0x28, v15;
	v13 =	vor.u32 v14, v13;
	v15 =	vshll.u32 v15, $0x7  }
0x301: {  	v24 =	vor.u32 v6, v24;
	v16 =	vor.u32 v44, v18;
	v18 =	vor.u32 $0x20, v47  }
0x302: {  	v9 =	vor.u32 v7, v9;
	v15 =	vand.u32 $0x1400, v15;
	v19 =	vand.u32 $0x28, v18  }
0x303: {  	v13 =	vor.u32 v7, v13;
	v48 =	vor.u32 v19, v20;
	v19 =	vor.u32 $0x20, v49  }
0x304: {  	v45 =	vor.u32 v6, v16;
	v15 =	vor.u32 v15, v17;
	v50 =	vand.u32 $0x28, v19  }
0x305: {  	v17 =	vor.u32 v6, v48;
	v20 =	vor.u32 v50, v22;
	v22 =	vor.u32 $0x20, v56  }
0x306: {  	v18 =	vshll.u32 v18, $0x7;
	v11 =	vld.idx.msk [tilespmem:v11+s19+$0x0], $0xffff;
	v51 =	vor.u32 v6, v20;
	v57 =	vand.u32 $0x28, v22  }
0x307: {  	v16 =	vshll.u32 v46, $0x7;
	v18 =	vand.u32 $0x1400, v18;
	v12 =	vld.idx.msk [tilespmem:v12+s19+$0x0], $0xffff;
	v25 =	vor.u32 v57, v26  }
0x308: {  	v16 =	vand.u32 $0x380, v16;
	v19 =	vshll.u32 v19, $0x7;
	v10 =	vld.idx.msk [tilespmem:v10+s19+$0x0], $0xffff;
	v25 =	vor.u32 v6, v25  }
0x309: {  	v15 =	vor.u32 v7, v15;
	v19 =	vand.u32 $0x1400, v19;
	v20 =	vand.u32 $0x380, v52;
	v14 =	vld.idx.msk [tilespmem:v45+s19+$0x0], $0xffff  }
0x30a: {  	v16 =	vor.u32 v18, v16;
	v19 =	vor.u32 v19, v20;
	v20 =	vshll.u32 v55, $0x7;
	v17 =	vld.idx.msk [tilespmem:v17+s19+$0x0], $0xffff  }
0x30b: {  	v16 =	vor.u32 v7, v16;
	v11 =	vmul.f32 $8.000000000e+00, v11;
	v20 =	vand.u32 $0x1400, v20;
	v18 =	vld.idx.msk [tilespmem:v51+s19+$0x0], $0xffff  }
0x30c: {  	v58 =	vld.idx.msk [tilespmem:v24+s19+$0x0], $0xffff;
	v22 =	vshll.u32 v22, $0x7;
	v20 =	vor.u32 v20, v21;
	v12 =	vmul.f32 $8.000000000e+00, v12  }
0x30d: {  	v59 =	vand.u32 $0x1400, v22;
	[tilespmem:v8+s30+$0x0] =	vst.idx.msk $0xffff, v11;
	v8 =	vor.u32 v7, v19;
	v10 =	vmul.f32 $8.000000000e+00, v10;
	v11 =	vld.idx.msk [tilespmem:v25+s19+$0x0], $0xffff  }
0x30e: {  	v62 =	vor.u32 v7, v20;
	[tilespmem:v9+s30+$0x0] =	vst.idx.msk $0xffff, v12;
	v9 =	vor.u32 v59, v60;
	v61 =	vmul.f32 $8.000000000e+00, v14  }
0x30f: {  	p1 =	por p0, p0;
	[tilespmem:v13+s30+$0x0] =	vst.idx.msk $0xffff, v10;
	v9 =	vor.u32 v7, v9;
	v10 =	vmul.f32 $8.000000000e+00, v17  }
.Ltmp28:
0x310: {  	[tilespmem:v15+s30+$0x0] =	vst.idx.msk $0xffff, v61;
	v63 =	vmul.f32 $8.000000000e+00, v18;
	(pc) =	sbr.rel @p1 .LBB2_59-.Ltmp28, $4  }
0x311: {  	[tilespmem:v16+s30+$0x0] =	vst.idx.msk $0xffff, v10;
	v10 =	vmul.f32 $8.000000000e+00, v58  }
0x312: {  	[tilespmem:v8+s30+$0x0] =	vst.idx.msk $0xffff, v63;
	v8 =	vmul.f32 $8.000000000e+00, v11  }
0x313: {  	[tilespmem:v62+s30+$0x0] =	vst.idx.msk $0xffff, v10  }
0x314: {  	p0 =	por $0x0, $0x0;
	s12 =	simm.s32 $0x8;
	[tilespmem:v9+s30+$0x0] =	vst.idx.msk $0xffff, v8  }
0x315: {  	[tilespmem:$0x1E400] =	vst v8;
	v6 =	vor.u32 $0x30, v6;
	v7 =	vor.u32 $0x1800, v7;
	s12 =	simm.s32 $0x0;
	p0 =	por $0x1, $0x1  }
.LBB2_61:
0x316: {  	v8 =	vadd.s32 s12, v0  }
0x317: {  	v8 =	vor.u32 $0x30, v8  }
0x318: {  	s10 =	sor.u32 $0x1, s12;
	s13 =	sor.u32 $0x2, s12;
	v9 =	vand.u32 $0x38, v8  }
0x319: {  	s14 =	sor.u32 $0x3, s12;
	s17 =	sor.u32 $0x4, s12;
	v10 =	vadd.s32 s10, v0;
	v12 =	vadd.s32 s13, v0;
	v9 =	vor.u32 v9, v4  }
0x31a: {  	v14 =	vadd.s32 s14, v0;
	v16 =	vadd.s32 s17, v0;
	v11 =	vor.u32 v6, v10  }
0x31b: {  	s13 =	sor.u32 $0x5, s12;
	v13 =	vor.u32 v6, v12;
	v8 =	vshll.u32 v8, $0x7;
	v15 =	vor.u32 v6, v14  }
0x31c: {  	s14 =	sor.u32 $0x6, s12;
	s17 =	sor.u32 $0x7, s12;
	v17 =	vor.u32 v6, v16;
	v18 =	vadd.s32 s13, v0;
	v10 =	vshll.u32 v10, $0x7  }
0x31d: {  	v20 =	vadd.s32 s14, v0;
	v22 =	vadd.s32 s17, v0;
	v12 =	vshll.u32 v12, $0x7  }
0x31e: {  	v14 =	vshll.u32 v14, $0x7;
	v16 =	vshll.u32 v16, $0x7;
	v19 =	vor.u32 v6, v18;
	v9 =	vld.idx.msk [tilespmem:v9+s19+$0x0], $0xffff  }
0x31f: {  	v8 =	vand.u32 $0x1C00, v8;
	v10 =	vand.u32 $0x780, v10;
	v21 =	vor.u32 v6, v20;
	v11 =	vld.idx.msk [tilespmem:v11+s19+$0x0], $0xffff  }
0x320: {  	v23 =	vor.u32 v6, v22;
	v12 =	vand.u32 $0x780, v12;
	v8 =	vor.u32 v8, v5;
	v13 =	vld.idx.msk [tilespmem:v13+s19+$0x0], $0xffff  }
0x321: {  	v14 =	vand.u32 $0x780, v14;
	v16 =	vand.u32 $0x780, v16;
	v10 =	vor.u32 v7, v10;
	v15 =	vld.idx.msk [tilespmem:v15+s19+$0x0], $0xffff  }
0x322: {  	v18 =	vshll.u32 v18, $0x7;
	v20 =	vshll.u32 v20, $0x7;
	v12 =	vor.u32 v7, v12;
	v17 =	vld.idx.msk [tilespmem:v17+s19+$0x0], $0xffff  }
0x323: {  	v61 =	vshll.u32 v22, $0x7;
	v14 =	vor.u32 v7, v14;
	v19 =	vld.idx.msk [tilespmem:v19+s19+$0x0], $0xffff;
	v9 =	vmul.f32 $8.000000000e+00, v9  }
0x324: {  	v16 =	vor.u32 v7, v16;
	v18 =	vand.u32 $0x780, v18;
	v21 =	vld.idx.msk [tilespmem:v21+s19+$0x0], $0xffff;
	v11 =	vmul.f32 $8.000000000e+00, v11  }
0x325: {  	v60 =	vld.idx.msk [tilespmem:v23+s19+$0x0], $0xffff;
	v13 =	vmul.f32 $8.000000000e+00, v13;
	[tilespmem:v8+s30+$0x0] =	vst.idx.msk $0xffff, v9;
	v8 =	vor.u32 v7, v18;
	v9 =	vand.u32 $0x780, v20  }
0x326: {  	[tilespmem:v10+s30+$0x0] =	vst.idx.msk $0xffff, v11;
	v10 =	vmul.f32 $8.000000000e+00, v15;
	v11 =	vand.u32 $0x780, v61;
	v9 =	vor.u32 v7, v9  }
0x327: {  	p1 =	por p0, p0;
	v62 =	vmul.f32 $8.000000000e+00, v17;
	[tilespmem:v12+s30+$0x0] =	vst.idx.msk $0xffff, v13;
	v11 =	vor.u32 v7, v11  }
.Ltmp29:
0x328: {  	[tilespmem:v14+s30+$0x0] =	vst.idx.msk $0xffff, v10;
	v10 =	vmul.f32 $8.000000000e+00, v19;
	(pc) =	sbr.rel @p1 .LBB2_61-.Ltmp29, $4  }
0x329: {  	v63 =	vmul.f32 $8.000000000e+00, v21;
	[tilespmem:v16+s30+$0x0] =	vst.idx.msk $0xffff, v62  }
0x32a: {  	[tilespmem:v8+s30+$0x0] =	vst.idx.msk $0xffff, v10;
	v8 =	vmul.f32 $8.000000000e+00, v60  }
0x32b: {  	[tilespmem:v9+s30+$0x0] =	vst.idx.msk $0xffff, v63  }
0x32c: {  	p0 =	por $0x0, $0x0;
	s12 =	simm.s32 $0x8;
	[tilespmem:v11+s30+$0x0] =	vst.idx.msk $0xffff, v8  }
0x32d: {  	s11 =	sadd.s32 $0x1, s11  }
0x32e: {  	p0 =	sne.s32 s11, $0x8  }
.Ltmp30:
0x32f: {  	_ = 	snop;
	(pc) =	sbr.rel @p0 .LBB2_54-.Ltmp30, $2  }
0x330: {  	_ =	sdelay $0x2  }
0x331: {  	[tilespmem:$0x1E400] =	vst v8  }
0x332: {  	s10 =	rddreg [dreg:$0x5]  }
0x333: {  	[hbm4b:s10+s26] =	stream.strided.scatter [tilespmem:s30], [sflag:$0x6], $0x2000, s28, s26, $0x38;
	[tilespmem:$0x1E410] =	vst v63  }
0x334: {  	_ =	swait.ge [sflag:s0], $0x4000  }
0x335: {  	[sflag:s0] =	ssyncset.done $0x0  }
0x336: {  	s11 =	simm.s32 $0x0;
	[sflag:s0] =	ssyncadd.s32 $0xFFFFC000  }
.LBB2_64:
0x337: {  	s10 =	sshll.u32 s11, $0x4  }
0x338: {  	v7 =	vor.u32 s10, v0  }
0x339: {  	v6 =	vshll.u32 v7, $0x7;
	v5 =	vand.u32 $0x78, v7  }
0x33a: {  	p0 =	por $0x1, $0x1;
	s12 =	simm.s32 $0x0;
	v7 =	vand.u32 v3, v7;
	v4 =	vor.u32 v1, v6;
	v5 =	vor.u32 v2, v5  }
.LBB2_65:
0x33b: {  	v8 =	vadd.s32 s12, v0;
	s10 =	sor.u32 $0x1, s12  }
0x33c: {  	s13 =	sor.u32 $0x2, s12;
	s14 =	sor.u32 $0x3, s12;
	v9 =	vand.u32 $0x8, v8;
	v10 =	vadd.s32 s10, v0  }
0x33d: {  	s17 =	sor.u32 $0x4, s12;
	v12 =	vadd.s32 s13, v0;
	v8 =	vshll.u32 v8, $0x7;
	v14 =	vadd.s32 s14, v0  }
0x33e: {  	v16 =	vadd.s32 s17, v0;
	v9 =	vor.u32 v9, v4;
	v11 =	vand.u32 $0xF, v10  }
0x33f: {  	v13 =	vand.u32 $0xF, v12;
	v8 =	vand.u32 $0x400, v8;
	v10 =	vshll.u32 v10, $0x7  }
0x340: {  	s13 =	sor.u32 $0x5, s12;
	s14 =	sor.u32 $0x6, s12;
	v15 =	vand.u32 $0xF, v14;
	v17 =	vand.u32 $0xF, v16;
	v11 =	vor.u32 v6, v11  }
0x341: {  	s17 =	sor.u32 $0x7, s12;
	v18 =	vadd.s32 s13, v0;
	v20 =	vadd.s32 s14, v0;
	v13 =	vor.u32 v6, v13  }
0x342: {  	v22 =	vadd.s32 s17, v0;
	v12 =	vshll.u32 v12, $0x7;
	v15 =	vor.u32 v6, v15  }
0x343: {  	v14 =	vshll.u32 v14, $0x7;
	v17 =	vor.u32 v6, v17;
	v19 =	vand.u32 $0xF, v18  }
0x344: {  	v16 =	vshll.u32 v16, $0x7;
	v21 =	vand.u32 $0xF, v20;
	v19 =	vor.u32 v6, v19;
	v9 =	vld.idx.msk [tilespmem:v9+s21+$0x0], $0xffff  }
0x345: {  	v8 =	vor.u32 v8, v5;
	v23 =	vand.u32 $0xF, v22;
	v21 =	vor.u32 v6, v21;
	v11 =	vld.idx.msk [tilespmem:v11+s21+$0x0], $0xffff  }
0x346: {  	v10 =	vand.u32 $0x780, v10;
	v12 =	vand.u32 $0x780, v12;
	v23 =	vor.u32 v6, v23;
	v13 =	vld.idx.msk [tilespmem:v13+s21+$0x0], $0xffff  }
0x347: {  	v14 =	vand.u32 $0x780, v14;
	v16 =	vand.u32 $0x780, v16;
	v10 =	vor.u32 v10, v7;
	v15 =	vld.idx.msk [tilespmem:v15+s21+$0x0], $0xffff  }
0x348: {  	v18 =	vshll.u32 v18, $0x7;
	v20 =	vshll.u32 v20, $0x7;
	v12 =	vor.u32 v12, v7;
	v17 =	vld.idx.msk [tilespmem:v17+s21+$0x0], $0xffff  }
0x349: {  	v61 =	vshll.u32 v22, $0x7;
	v14 =	vor.u32 v14, v7;
	v19 =	vld.idx.msk [tilespmem:v19+s21+$0x0], $0xffff;
	v9 =	vmul.f32 $8.000000000e+00, v9  }
0x34a: {  	v16 =	vor.u32 v16, v7;
	v18 =	vand.u32 $0x780, v18;
	v21 =	vld.idx.msk [tilespmem:v21+s21+$0x0], $0xffff;
	v11 =	vmul.f32 $8.000000000e+00, v11  }
0x34b: {  	v60 =	vld.idx.msk [tilespmem:v23+s21+$0x0], $0xffff;
	v13 =	vmul.f32 $8.000000000e+00, v13;
	[tilespmem:v8+s1+$0x0] =	vst.idx.msk $0xffff, v9;
	v8 =	vor.u32 v18, v7;
	v9 =	vand.u32 $0x780, v20  }
0x34c: {  	[tilespmem:v10+s1+$0x0] =	vst.idx.msk $0xffff, v11;
	v10 =	vmul.f32 $8.000000000e+00, v15;
	v9 =	vor.u32 v9, v7;
	v11 =	vand.u32 $0x780, v61  }
0x34d: {  	p1 =	por p0, p0;
	v62 =	vmul.f32 $8.000000000e+00, v17;
	[tilespmem:v12+s1+$0x0] =	vst.idx.msk $0xffff, v13;
	v11 =	vor.u32 v11, v7  }
.Ltmp31:
0x34e: {  	[tilespmem:v14+s1+$0x0] =	vst.idx.msk $0xffff, v10;
	v10 =	vmul.f32 $8.000000000e+00, v19;
	(pc) =	sbr.rel @p1 .LBB2_65-.Ltmp31, $4  }
0x34f: {  	v63 =	vmul.f32 $8.000000000e+00, v21;
	[tilespmem:v16+s1+$0x0] =	vst.idx.msk $0xffff, v62  }
0x350: {  	[tilespmem:v8+s1+$0x0] =	vst.idx.msk $0xffff, v10;
	v8 =	vmul.f32 $8.000000000e+00, v60  }
0x351: {  	[tilespmem:v9+s1+$0x0] =	vst.idx.msk $0xffff, v63  }
0x352: {  	p0 =	por $0x0, $0x0;
	s12 =	simm.s32 $0x8;
	[tilespmem:v11+s1+$0x0] =	vst.idx.msk $0xffff, v8  }
0x353: {  	[tilespmem:$0x1E400] =	vst v8;
	v8 =	vor.u32 $0x10, v6;
	v9 =	vor.u32 $0x800, v7;
	s12 =	simm.s32 $0x0;
	p0 =	por $0x1, $0x1  }
.LBB2_67:
0x354: {  	v10 =	vadd.s32 s12, v0  }
0x355: {  	v10 =	vor.u32 $0x10, v10  }
0x356: {  	s10 =	sor.u32 $0x1, s12;
	s13 =	sor.u32 $0x2, s12;
	v11 =	vand.u32 $0x18, v10  }
0x357: {  	s14 =	sor.u32 $0x3, s12;
	s17 =	sor.u32 $0x4, s12;
	v12 =	vadd.s32 s10, v0;
	v14 =	vadd.s32 s13, v0;
	v11 =	vor.u32 v11, v4  }
0x358: {  	v16 =	vadd.s32 s14, v0;
	v18 =	vadd.s32 s17, v0;
	v13 =	vor.u32 v8, v12  }
0x359: {  	s13 =	sor.u32 $0x5, s12;
	v15 =	vor.u32 v8, v14;
	v10 =	vshll.u32 v10, $0x7;
	v17 =	vor.u32 v8, v16  }
0x35a: {  	s14 =	sor.u32 $0x6, s12;
	s17 =	sor.u32 $0x7, s12;
	v19 =	vor.u32 v8, v18;
	v20 =	vadd.s32 s13, v0;
	v12 =	vshll.u32 v12, $0x7  }
0x35b: {  	v22 =	vadd.s32 s14, v0;
	v24 =	vadd.s32 s17, v0;
	v14 =	vshll.u32 v14, $0x7  }
0x35c: {  	v16 =	vshll.u32 v16, $0x7;
	v18 =	vshll.u32 v18, $0x7;
	v21 =	vor.u32 v8, v20;
	v11 =	vld.idx.msk [tilespmem:v11+s21+$0x0], $0xffff  }
0x35d: {  	v10 =	vand.u32 $0xC00, v10;
	v12 =	vand.u32 $0x780, v12;
	v23 =	vor.u32 v8, v22;
	v13 =	vld.idx.msk [tilespmem:v13+s21+$0x0], $0xffff  }
0x35e: {  	v25 =	vor.u32 v8, v24;
	v14 =	vand.u32 $0x780, v14;
	v10 =	vor.u32 v10, v5;
	v15 =	vld.idx.msk [tilespmem:v15+s21+$0x0], $0xffff  }
0x35f: {  	v16 =	vand.u32 $0x780, v16;
	v18 =	vand.u32 $0x780, v18;
	v12 =	vor.u32 v9, v12;
	v17 =	vld.idx.msk [tilespmem:v17+s21+$0x0], $0xffff  }
0x360: {  	v20 =	vshll.u32 v20, $0x7;
	v22 =	vshll.u32 v22, $0x7;
	v14 =	vor.u32 v9, v14;
	v19 =	vld.idx.msk [tilespmem:v19+s21+$0x0], $0xffff  }
0x361: {  	v58 =	vshll.u32 v24, $0x7;
	v16 =	vor.u32 v9, v16;
	v21 =	vld.idx.msk [tilespmem:v21+s21+$0x0], $0xffff;
	v11 =	vmul.f32 $8.000000000e+00, v11  }
0x362: {  	v18 =	vor.u32 v9, v18;
	v20 =	vand.u32 $0x780, v20;
	v23 =	vld.idx.msk [tilespmem:v23+s21+$0x0], $0xffff;
	v13 =	vmul.f32 $8.000000000e+00, v13  }
0x363: {  	v57 =	vld.idx.msk [tilespmem:v25+s21+$0x0], $0xffff;
	v15 =	vmul.f32 $8.000000000e+00, v15;
	[tilespmem:v10+s1+$0x0] =	vst.idx.msk $0xffff, v11;
	v10 =	vor.u32 v9, v20;
	v11 =	vand.u32 $0x780, v22  }
0x364: {  	v60 =	vand.u32 $0x780, v58;
	v59 =	vmul.f32 $8.000000000e+00, v17;
	[tilespmem:v12+s1+$0x0] =	vst.idx.msk $0xffff, v13;
	v11 =	vor.u32 v9, v11  }
0x365: {  	p1 =	por p0, p0;
	v61 =	vmul.f32 $8.000000000e+00, v19;
	[tilespmem:v14+s1+$0x0] =	vst.idx.msk $0xffff, v15;
	v13 =	vor.u32 v9, v60  }
.Ltmp32:
0x366: {  	v62 =	vmul.f32 $8.000000000e+00, v21;
	[tilespmem:v16+s1+$0x0] =	vst.idx.msk $0xffff, v59;
	(pc) =	sbr.rel @p1 .LBB2_67-.Ltmp32, $4  }
0x367: {  	v63 =	vmul.f32 $8.000000000e+00, v23;
	[tilespmem:v18+s1+$0x0] =	vst.idx.msk $0xffff, v61  }
0x368: {  	[tilespmem:v10+s1+$0x0] =	vst.idx.msk $0xffff, v62;
	v10 =	vmul.f32 $8.000000000e+00, v57  }
0x369: {  	[tilespmem:v11+s1+$0x0] =	vst.idx.msk $0xffff, v63  }
0x36a: {  	p0 =	por $0x0, $0x0;
	s12 =	simm.s32 $0x8;
	[tilespmem:v13+s1+$0x0] =	vst.idx.msk $0xffff, v10  }
0x36b: {  	[tilespmem:$0x1E400] =	vst v10;
	s12 =	simm.s32 $0x0;
	p0 =	por $0x1, $0x1  }
.LBB2_69:
0x36c: {  	s10 =	sor.u32 $0x1, s12;
	v8 =	vadd.s32 s12, v0  }
0x36d: {  	s13 =	sor.u32 $0x2, s12;
	s14 =	sor.u32 $0x3, s12;
	s17 =	sor.u32 $0x4, s12;
	v9 =	vadd.s32 s10, v0;
	v8 =	vand.u32 $0xF, v8  }
0x36e: {  	v42 =	vadd.s32 s13, v0;
	v17 =	vadd.s32 s14, v0;
	v46 =	vadd.s32 s17, v0  }
0x36f: {  	v10 =	vand.u32 $0xF, v9;
	v8 =	vor.u32 $0x20, v8;
	v13 =	vand.u32 $0x7, v9  }
0x370: {  	v9 =	vshll.u32 v9, $0x7;
	v14 =	vand.u32 $0xF, v42;
	v16 =	vand.u32 $0x7, v42  }
0x371: {  	s13 =	sor.u32 $0x5, s12;
	v43 =	vand.u32 $0xF, v17;
	v18 =	vand.u32 $0x7, v17;
	v17 =	vshll.u32 v17, $0x7  }
0x372: {  	s14 =	sor.u32 $0x6, s12;
	s17 =	sor.u32 $0x7, s12;
	v47 =	vand.u32 $0xF, v46;
	v20 =	vand.u32 $0x7, v46;
	v21 =	vadd.s32 s13, v0  }
0x373: {  	v53 =	vadd.s32 s14, v0;
	v23 =	vadd.s32 s17, v0;
	v10 =	vor.u32 $0x20, v10  }
0x374: {  	v11 =	vand.u32 $0x28, v8;
	v8 =	vshll.u32 v8, $0x7;
	v9 =	vand.u32 $0x380, v9  }
0x375: {  	v14 =	vor.u32 $0x20, v14;
	v17 =	vand.u32 $0x380, v17;
	v49 =	vand.u32 $0xF, v21  }
0x376: {  	v22 =	vand.u32 $0x7, v21;
	v52 =	vshll.u32 v21, $0x7;
	v54 =	vand.u32 $0xF, v53  }
0x377: {  	v56 =	vand.u32 $0xF, v23;
	v25 =	vand.u32 $0x7, v53;
	v26 =	vand.u32 $0x7, v23  }
0x378: {  	v21 =	vshll.u32 v53, $0x7;
	v23 =	vshll.u32 v23, $0x7;
	v12 =	vand.u32 $0x28, v10  }
0x379: {  	v11 =	vor.u32 v11, v4;
	v8 =	vand.u32 $0x1400, v8;
	v10 =	vshll.u32 v10, $0x7  }
0x37a: {  	v15 =	vand.u32 $0x28, v14;
	v14 =	vshll.u32 v14, $0x7;
	v55 =	vor.u32 $0x20, v54  }
0x37b: {  	v21 =	vand.u32 $0x380, v21;
	v60 =	vand.u32 $0x380, v23;
	v12 =	vor.u32 v12, v13  }
0x37c: {  	v10 =	vand.u32 $0x1400, v10;
	v13 =	vshll.u32 v42, $0x7;
	v14 =	vand.u32 $0x1400, v14  }
0x37d: {  	v24 =	vand.u32 $0x28, v55;
	v8 =	vor.u32 v8, v5;
	v12 =	vor.u32 v6, v12  }
0x37e: {  	v9 =	vor.u32 v10, v9;
	v10 =	vor.u32 v15, v16;
	v15 =	vor.u32 $0x20, v43  }
0x37f: {  	v13 =	vand.u32 $0x380, v13;
	v24 =	vor.u32 v24, v25;
	v10 =	vor.u32 v6, v10  }
0x380: {  	v44 =	vand.u32 $0x28, v15;
	v13 =	vor.u32 v14, v13;
	v15 =	vshll.u32 v15, $0x7  }
0x381: {  	v24 =	vor.u32 v6, v24;
	v16 =	vor.u32 v44, v18;
	v18 =	vor.u32 $0x20, v47  }
0x382: {  	v9 =	vor.u32 v7, v9;
	v15 =	vand.u32 $0x1400, v15;
	v19 =	vand.u32 $0x28, v18  }
0x383: {  	v13 =	vor.u32 v7, v13;
	v48 =	vor.u32 v19, v20;
	v19 =	vor.u32 $0x20, v49  }
0x384: {  	v45 =	vor.u32 v6, v16;
	v15 =	vor.u32 v15, v17;
	v50 =	vand.u32 $0x28, v19  }
0x385: {  	v17 =	vor.u32 v6, v48;
	v20 =	vor.u32 v50, v22;
	v22 =	vor.u32 $0x20, v56  }
0x386: {  	v18 =	vshll.u32 v18, $0x7;
	v11 =	vld.idx.msk [tilespmem:v11+s21+$0x0], $0xffff;
	v51 =	vor.u32 v6, v20;
	v57 =	vand.u32 $0x28, v22  }
0x387: {  	v16 =	vshll.u32 v46, $0x7;
	v18 =	vand.u32 $0x1400, v18;
	v12 =	vld.idx.msk [tilespmem:v12+s21+$0x0], $0xffff;
	v25 =	vor.u32 v57, v26  }
0x388: {  	v16 =	vand.u32 $0x380, v16;
	v19 =	vshll.u32 v19, $0x7;
	v10 =	vld.idx.msk [tilespmem:v10+s21+$0x0], $0xffff;
	v25 =	vor.u32 v6, v25  }
0x389: {  	v15 =	vor.u32 v7, v15;
	v19 =	vand.u32 $0x1400, v19;
	v20 =	vand.u32 $0x380, v52;
	v14 =	vld.idx.msk [tilespmem:v45+s21+$0x0], $0xffff  }
0x38a: {  	v16 =	vor.u32 v18, v16;
	v19 =	vor.u32 v19, v20;
	v20 =	vshll.u32 v55, $0x7;
	v17 =	vld.idx.msk [tilespmem:v17+s21+$0x0], $0xffff  }
0x38b: {  	v16 =	vor.u32 v7, v16;
	v11 =	vmul.f32 $8.000000000e+00, v11;
	v20 =	vand.u32 $0x1400, v20;
	v18 =	vld.idx.msk [tilespmem:v51+s21+$0x0], $0xffff  }
0x38c: {  	v58 =	vld.idx.msk [tilespmem:v24+s21+$0x0], $0xffff;
	v22 =	vshll.u32 v22, $0x7;
	v20 =	vor.u32 v20, v21;
	v12 =	vmul.f32 $8.000000000e+00, v12  }
0x38d: {  	v59 =	vand.u32 $0x1400, v22;
	[tilespmem:v8+s1+$0x0] =	vst.idx.msk $0xffff, v11;
	v8 =	vor.u32 v7, v19;
	v10 =	vmul.f32 $8.000000000e+00, v10;
	v11 =	vld.idx.msk [tilespmem:v25+s21+$0x0], $0xffff  }
0x38e: {  	v62 =	vor.u32 v7, v20;
	[tilespmem:v9+s1+$0x0] =	vst.idx.msk $0xffff, v12;
	v9 =	vor.u32 v59, v60;
	v61 =	vmul.f32 $8.000000000e+00, v14  }
0x38f: {  	p1 =	por p0, p0;
	[tilespmem:v13+s1+$0x0] =	vst.idx.msk $0xffff, v10;
	v9 =	vor.u32 v7, v9;
	v10 =	vmul.f32 $8.000000000e+00, v17  }
.Ltmp33:
0x390: {  	[tilespmem:v15+s1+$0x0] =	vst.idx.msk $0xffff, v61;
	v63 =	vmul.f32 $8.000000000e+00, v18;
	(pc) =	sbr.rel @p1 .LBB2_69-.Ltmp33, $4  }
0x391: {  	[tilespmem:v16+s1+$0x0] =	vst.idx.msk $0xffff, v10;
	v10 =	vmul.f32 $8.000000000e+00, v58  }
0x392: {  	[tilespmem:v8+s1+$0x0] =	vst.idx.msk $0xffff, v63;
	v8 =	vmul.f32 $8.000000000e+00, v11  }
0x393: {  	[tilespmem:v62+s1+$0x0] =	vst.idx.msk $0xffff, v10  }
0x394: {  	p0 =	por $0x0, $0x0;
	s12 =	simm.s32 $0x8;
	[tilespmem:v9+s1+$0x0] =	vst.idx.msk $0xffff, v8  }
0x395: {  	[tilespmem:$0x1E400] =	vst v8;
	v6 =	vor.u32 $0x30, v6;
	v7 =	vor.u32 $0x1800, v7;
	s12 =	simm.s32 $0x0;
	p0 =	por $0x1, $0x1  }
.LBB2_71:
0x396: {  	v8 =	vadd.s32 s12, v0  }
0x397: {  	v8 =	vor.u32 $0x30, v8  }
0x398: {  	s10 =	sor.u32 $0x1, s12;
	s13 =	sor.u32 $0x2, s12;
	v9 =	vand.u32 $0x38, v8  }
0x399: {  	s14 =	sor.u32 $0x3, s12;
	s17 =	sor.u32 $0x4, s12;
	v10 =	vadd.s32 s10, v0;
	v12 =	vadd.s32 s13, v0;
	v9 =	vor.u32 v9, v4  }
0x39a: {  	v14 =	vadd.s32 s14, v0;
	v16 =	vadd.s32 s17, v0;
	v11 =	vor.u32 v6, v10  }
0x39b: {  	s13 =	sor.u32 $0x5, s12;
	v13 =	vor.u32 v6, v12;
	v8 =	vshll.u32 v8, $0x7;
	v15 =	vor.u32 v6, v14  }
0x39c: {  	s14 =	sor.u32 $0x6, s12;
	s17 =	sor.u32 $0x7, s12;
	v17 =	vor.u32 v6, v16;
	v18 =	vadd.s32 s13, v0;
	v10 =	vshll.u32 v10, $0x7  }
0x39d: {  	v20 =	vadd.s32 s14, v0;
	v22 =	vadd.s32 s17, v0;
	v12 =	vshll.u32 v12, $0x7  }
0x39e: {  	v14 =	vshll.u32 v14, $0x7;
	v16 =	vshll.u32 v16, $0x7;
	v19 =	vor.u32 v6, v18;
	v9 =	vld.idx.msk [tilespmem:v9+s21+$0x0], $0xffff  }
0x39f: {  	v8 =	vand.u32 $0x1C00, v8;
	v10 =	vand.u32 $0x780, v10;
	v21 =	vor.u32 v6, v20;
	v11 =	vld.idx.msk [tilespmem:v11+s21+$0x0], $0xffff  }
0x3a0: {  	v23 =	vor.u32 v6, v22;
	v12 =	vand.u32 $0x780, v12;
	v8 =	vor.u32 v8, v5;
	v13 =	vld.idx.msk [tilespmem:v13+s21+$0x0], $0xffff  }
0x3a1: {  	v14 =	vand.u32 $0x780, v14;
	v16 =	vand.u32 $0x780, v16;
	v10 =	vor.u32 v7, v10;
	v15 =	vld.idx.msk [tilespmem:v15+s21+$0x0], $0xffff  }
0x3a2: {  	v18 =	vshll.u32 v18, $0x7;
	v20 =	vshll.u32 v20, $0x7;
	v12 =	vor.u32 v7, v12;
	v17 =	vld.idx.msk [tilespmem:v17+s21+$0x0], $0xffff  }
0x3a3: {  	v61 =	vshll.u32 v22, $0x7;
	v14 =	vor.u32 v7, v14;
	v19 =	vld.idx.msk [tilespmem:v19+s21+$0x0], $0xffff;
	v9 =	vmul.f32 $8.000000000e+00, v9  }
0x3a4: {  	v16 =	vor.u32 v7, v16;
	v18 =	vand.u32 $0x780, v18;
	v21 =	vld.idx.msk [tilespmem:v21+s21+$0x0], $0xffff;
	v11 =	vmul.f32 $8.000000000e+00, v11  }
0x3a5: {  	v60 =	vld.idx.msk [tilespmem:v23+s21+$0x0], $0xffff;
	v13 =	vmul.f32 $8.000000000e+00, v13;
	[tilespmem:v8+s1+$0x0] =	vst.idx.msk $0xffff, v9;
	v8 =	vor.u32 v7, v18;
	v9 =	vand.u32 $0x780, v20  }
0x3a6: {  	[tilespmem:v10+s1+$0x0] =	vst.idx.msk $0xffff, v11;
	v10 =	vmul.f32 $8.000000000e+00, v15;
	v11 =	vand.u32 $0x780, v61;
	v9 =	vor.u32 v7, v9  }
0x3a7: {  	p1 =	por p0, p0;
	v62 =	vmul.f32 $8.000000000e+00, v17;
	[tilespmem:v12+s1+$0x0] =	vst.idx.msk $0xffff, v13;
	v11 =	vor.u32 v7, v11  }
.Ltmp34:
0x3a8: {  	[tilespmem:v14+s1+$0x0] =	vst.idx.msk $0xffff, v10;
	v10 =	vmul.f32 $8.000000000e+00, v19;
	(pc) =	sbr.rel @p1 .LBB2_71-.Ltmp34, $4  }
0x3a9: {  	v63 =	vmul.f32 $8.000000000e+00, v21;
	[tilespmem:v16+s1+$0x0] =	vst.idx.msk $0xffff, v62  }
0x3aa: {  	[tilespmem:v8+s1+$0x0] =	vst.idx.msk $0xffff, v10;
	v8 =	vmul.f32 $8.000000000e+00, v60  }
0x3ab: {  	[tilespmem:v9+s1+$0x0] =	vst.idx.msk $0xffff, v63  }
0x3ac: {  	p0 =	por $0x0, $0x0;
	s12 =	simm.s32 $0x8;
	[tilespmem:v11+s1+$0x0] =	vst.idx.msk $0xffff, v8  }
0x3ad: {  	s11 =	sadd.s32 $0x1, s11  }
0x3ae: {  	p0 =	sne.s32 s11, $0x8  }
.Ltmp35:
0x3af: {  	_ = 	snop;
	(pc) =	sbr.rel @p0 .LBB2_64-.Ltmp35, $2  }
0x3b0: {  	_ =	sdelay $0x2  }
0x3b1: {  	[tilespmem:$0x1E400] =	vst v8  }
0x3b2: {  	s10 =	rddreg [dreg:$0x6]  }
0x3b3: {  	[hbm4b:s10+s26] =	stream.strided.scatter [tilespmem:s1], [sflag:$0x7], $0x2000, s28, s26, $0x38;
	[tilespmem:$0x1E410] =	vst v63  }
0x3b4: {  	_ =	swait.ge [sflag:s20], $0x4000  }
0x3b5: {  	[sflag:s20] =	ssyncset.done $0x0  }
0x3b6: {  	s11 =	simm.s32 $0x0;
	[sflag:s20] =	ssyncadd.s32 $0xFFFFC000  }
.LBB2_74:
0x3b7: {  	s10 =	sshll.u32 s11, $0x4  }
0x3b8: {  	v7 =	vor.u32 s10, v0  }
0x3b9: {  	v6 =	vshll.u32 v7, $0x7;
	v5 =	vand.u32 $0x78, v7  }
0x3ba: {  	p0 =	por $0x1, $0x1;
	s12 =	simm.s32 $0x0;
	v7 =	vand.u32 v3, v7;
	v4 =	vor.u32 v1, v6;
	v5 =	vor.u32 v2, v5  }
.LBB2_75:
0x3bb: {  	v8 =	vadd.s32 s12, v0;
	s10 =	sor.u32 $0x1, s12  }
0x3bc: {  	s13 =	sor.u32 $0x2, s12;
	s14 =	sor.u32 $0x3, s12;
	v9 =	vand.u32 $0x8, v8;
	v10 =	vadd.s32 s10, v0  }
0x3bd: {  	s17 =	sor.u32 $0x4, s12;
	v12 =	vadd.s32 s13, v0;
	v8 =	vshll.u32 v8, $0x7;
	v14 =	vadd.s32 s14, v0  }
0x3be: {  	v16 =	vadd.s32 s17, v0;
	v9 =	vor.u32 v9, v4;
	v11 =	vand.u32 $0xF, v10  }
0x3bf: {  	v13 =	vand.u32 $0xF, v12;
	v8 =	vand.u32 $0x400, v8;
	v10 =	vshll.u32 v10, $0x7  }
0x3c0: {  	s13 =	sor.u32 $0x5, s12;
	s14 =	sor.u32 $0x6, s12;
	v15 =	vand.u32 $0xF, v14;
	v17 =	vand.u32 $0xF, v16;
	v11 =	vor.u32 v6, v11  }
0x3c1: {  	s17 =	sor.u32 $0x7, s12;
	v18 =	vadd.s32 s13, v0;
	v20 =	vadd.s32 s14, v0;
	v13 =	vor.u32 v6, v13  }
0x3c2: {  	v22 =	vadd.s32 s17, v0;
	v12 =	vshll.u32 v12, $0x7;
	v15 =	vor.u32 v6, v15  }
0x3c3: {  	v14 =	vshll.u32 v14, $0x7;
	v17 =	vor.u32 v6, v17;
	v19 =	vand.u32 $0xF, v18  }
0x3c4: {  	v16 =	vshll.u32 v16, $0x7;
	v21 =	vand.u32 $0xF, v20;
	v19 =	vor.u32 v6, v19;
	v9 =	vld.idx.msk [tilespmem:v9+s23+$0x0], $0xffff  }
0x3c5: {  	v8 =	vor.u32 v8, v5;
	v23 =	vand.u32 $0xF, v22;
	v21 =	vor.u32 v6, v21;
	v11 =	vld.idx.msk [tilespmem:v11+s23+$0x0], $0xffff  }
0x3c6: {  	v10 =	vand.u32 $0x780, v10;
	v12 =	vand.u32 $0x780, v12;
	v23 =	vor.u32 v6, v23;
	v13 =	vld.idx.msk [tilespmem:v13+s23+$0x0], $0xffff  }
0x3c7: {  	v14 =	vand.u32 $0x780, v14;
	v16 =	vand.u32 $0x780, v16;
	v10 =	vor.u32 v10, v7;
	v15 =	vld.idx.msk [tilespmem:v15+s23+$0x0], $0xffff  }
0x3c8: {  	v18 =	vshll.u32 v18, $0x7;
	v20 =	vshll.u32 v20, $0x7;
	v12 =	vor.u32 v12, v7;
	v17 =	vld.idx.msk [tilespmem:v17+s23+$0x0], $0xffff  }
0x3c9: {  	v61 =	vshll.u32 v22, $0x7;
	v14 =	vor.u32 v14, v7;
	v19 =	vld.idx.msk [tilespmem:v19+s23+$0x0], $0xffff;
	v9 =	vmul.f32 $8.000000000e+00, v9  }
0x3ca: {  	v16 =	vor.u32 v16, v7;
	v18 =	vand.u32 $0x780, v18;
	v21 =	vld.idx.msk [tilespmem:v21+s23+$0x0], $0xffff;
	v11 =	vmul.f32 $8.000000000e+00, v11  }
0x3cb: {  	v60 =	vld.idx.msk [tilespmem:v23+s23+$0x0], $0xffff;
	v13 =	vmul.f32 $8.000000000e+00, v13;
	[tilespmem:v8+s22+$0x0] =	vst.idx.msk $0xffff, v9;
	v8 =	vor.u32 v18, v7;
	v9 =	vand.u32 $0x780, v20  }
0x3cc: {  	[tilespmem:v10+s22+$0x0] =	vst.idx.msk $0xffff, v11;
	v10 =	vmul.f32 $8.000000000e+00, v15;
	v9 =	vor.u32 v9, v7;
	v11 =	vand.u32 $0x780, v61  }
0x3cd: {  	p1 =	por p0, p0;
	v62 =	vmul.f32 $8.000000000e+00, v17;
	[tilespmem:v12+s22+$0x0] =	vst.idx.msk $0xffff, v13;
	v11 =	vor.u32 v11, v7  }
.Ltmp36:
0x3ce: {  	[tilespmem:v14+s22+$0x0] =	vst.idx.msk $0xffff, v10;
	v10 =	vmul.f32 $8.000000000e+00, v19;
	(pc) =	sbr.rel @p1 .LBB2_75-.Ltmp36, $4  }
0x3cf: {  	v63 =	vmul.f32 $8.000000000e+00, v21;
	[tilespmem:v16+s22+$0x0] =	vst.idx.msk $0xffff, v62  }
0x3d0: {  	[tilespmem:v8+s22+$0x0] =	vst.idx.msk $0xffff, v10;
	v8 =	vmul.f32 $8.000000000e+00, v60  }
0x3d1: {  	[tilespmem:v9+s22+$0x0] =	vst.idx.msk $0xffff, v63  }
0x3d2: {  	p0 =	por $0x0, $0x0;
	s12 =	simm.s32 $0x8;
	[tilespmem:v11+s22+$0x0] =	vst.idx.msk $0xffff, v8  }
0x3d3: {  	[tilespmem:$0x1E400] =	vst v8;
	v8 =	vor.u32 $0x10, v6;
	v9 =	vor.u32 $0x800, v7;
	s12 =	simm.s32 $0x0;
	p0 =	por $0x1, $0x1  }
.LBB2_77:
0x3d4: {  	v10 =	vadd.s32 s12, v0  }
0x3d5: {  	v10 =	vor.u32 $0x10, v10  }
0x3d6: {  	s10 =	sor.u32 $0x1, s12;
	s13 =	sor.u32 $0x2, s12;
	v11 =	vand.u32 $0x18, v10  }
0x3d7: {  	s14 =	sor.u32 $0x3, s12;
	s17 =	sor.u32 $0x4, s12;
	v12 =	vadd.s32 s10, v0;
	v14 =	vadd.s32 s13, v0;
	v11 =	vor.u32 v11, v4  }
0x3d8: {  	v16 =	vadd.s32 s14, v0;
	v18 =	vadd.s32 s17, v0;
	v13 =	vor.u32 v8, v12  }
0x3d9: {  	s13 =	sor.u32 $0x5, s12;
	v15 =	vor.u32 v8, v14;
	v10 =	vshll.u32 v10, $0x7;
	v17 =	vor.u32 v8, v16  }
0x3da: {  	s14 =	sor.u32 $0x6, s12;
	s17 =	sor.u32 $0x7, s12;
	v19 =	vor.u32 v8, v18;
	v20 =	vadd.s32 s13, v0;
	v12 =	vshll.u32 v12, $0x7  }
0x3db: {  	v22 =	vadd.s32 s14, v0;
	v24 =	vadd.s32 s17, v0;
	v14 =	vshll.u32 v14, $0x7  }
0x3dc: {  	v16 =	vshll.u32 v16, $0x7;
	v18 =	vshll.u32 v18, $0x7;
	v21 =	vor.u32 v8, v20;
	v11 =	vld.idx.msk [tilespmem:v11+s23+$0x0], $0xffff  }
0x3dd: {  	v10 =	vand.u32 $0xC00, v10;
	v12 =	vand.u32 $0x780, v12;
	v23 =	vor.u32 v8, v22;
	v13 =	vld.idx.msk [tilespmem:v13+s23+$0x0], $0xffff  }
0x3de: {  	v25 =	vor.u32 v8, v24;
	v14 =	vand.u32 $0x780, v14;
	v10 =	vor.u32 v10, v5;
	v15 =	vld.idx.msk [tilespmem:v15+s23+$0x0], $0xffff  }
0x3df: {  	v16 =	vand.u32 $0x780, v16;
	v18 =	vand.u32 $0x780, v18;
	v12 =	vor.u32 v9, v12;
	v17 =	vld.idx.msk [tilespmem:v17+s23+$0x0], $0xffff  }
0x3e0: {  	v20 =	vshll.u32 v20, $0x7;
	v22 =	vshll.u32 v22, $0x7;
	v14 =	vor.u32 v9, v14;
	v19 =	vld.idx.msk [tilespmem:v19+s23+$0x0], $0xffff  }
0x3e1: {  	v58 =	vshll.u32 v24, $0x7;
	v16 =	vor.u32 v9, v16;
	v21 =	vld.idx.msk [tilespmem:v21+s23+$0x0], $0xffff;
	v11 =	vmul.f32 $8.000000000e+00, v11  }
0x3e2: {  	v18 =	vor.u32 v9, v18;
	v20 =	vand.u32 $0x780, v20;
	v23 =	vld.idx.msk [tilespmem:v23+s23+$0x0], $0xffff;
	v13 =	vmul.f32 $8.000000000e+00, v13  }
0x3e3: {  	v57 =	vld.idx.msk [tilespmem:v25+s23+$0x0], $0xffff;
	v15 =	vmul.f32 $8.000000000e+00, v15;
	[tilespmem:v10+s22+$0x0] =	vst.idx.msk $0xffff, v11;
	v10 =	vor.u32 v9, v20;
	v11 =	vand.u32 $0x780, v22  }
0x3e4: {  	v60 =	vand.u32 $0x780, v58;
	v59 =	vmul.f32 $8.000000000e+00, v17;
	[tilespmem:v12+s22+$0x0] =	vst.idx.msk $0xffff, v13;
	v11 =	vor.u32 v9, v11  }
0x3e5: {  	p1 =	por p0, p0;
	v61 =	vmul.f32 $8.000000000e+00, v19;
	[tilespmem:v14+s22+$0x0] =	vst.idx.msk $0xffff, v15;
	v13 =	vor.u32 v9, v60  }
.Ltmp37:
0x3e6: {  	v62 =	vmul.f32 $8.000000000e+00, v21;
	[tilespmem:v16+s22+$0x0] =	vst.idx.msk $0xffff, v59;
	(pc) =	sbr.rel @p1 .LBB2_77-.Ltmp37, $4  }
0x3e7: {  	v63 =	vmul.f32 $8.000000000e+00, v23;
	[tilespmem:v18+s22+$0x0] =	vst.idx.msk $0xffff, v61  }
0x3e8: {  	[tilespmem:v10+s22+$0x0] =	vst.idx.msk $0xffff, v62;
	v10 =	vmul.f32 $8.000000000e+00, v57  }
0x3e9: {  	[tilespmem:v11+s22+$0x0] =	vst.idx.msk $0xffff, v63  }
0x3ea: {  	p0 =	por $0x0, $0x0;
	s12 =	simm.s32 $0x8;
	[tilespmem:v13+s22+$0x0] =	vst.idx.msk $0xffff, v10  }
0x3eb: {  	[tilespmem:$0x1E400] =	vst v10;
	s12 =	simm.s32 $0x0;
	p0 =	por $0x1, $0x1  }
.LBB2_79:
0x3ec: {  	s10 =	sor.u32 $0x1, s12;
	v8 =	vadd.s32 s12, v0  }
0x3ed: {  	s13 =	sor.u32 $0x2, s12;
	s14 =	sor.u32 $0x3, s12;
	s17 =	sor.u32 $0x4, s12;
	v9 =	vadd.s32 s10, v0;
	v8 =	vand.u32 $0xF, v8  }
0x3ee: {  	v42 =	vadd.s32 s13, v0;
	v17 =	vadd.s32 s14, v0;
	v46 =	vadd.s32 s17, v0  }
0x3ef: {  	v10 =	vand.u32 $0xF, v9;
	v8 =	vor.u32 $0x20, v8;
	v13 =	vand.u32 $0x7, v9  }
0x3f0: {  	v9 =	vshll.u32 v9, $0x7;
	v14 =	vand.u32 $0xF, v42;
	v16 =	vand.u32 $0x7, v42  }
0x3f1: {  	s13 =	sor.u32 $0x5, s12;
	v43 =	vand.u32 $0xF, v17;
	v18 =	vand.u32 $0x7, v17;
	v17 =	vshll.u32 v17, $0x7  }
0x3f2: {  	s14 =	sor.u32 $0x6, s12;
	s17 =	sor.u32 $0x7, s12;
	v47 =	vand.u32 $0xF, v46;
	v20 =	vand.u32 $0x7, v46;
	v21 =	vadd.s32 s13, v0  }
0x3f3: {  	v53 =	vadd.s32 s14, v0;
	v23 =	vadd.s32 s17, v0;
	v10 =	vor.u32 $0x20, v10  }
0x3f4: {  	v11 =	vand.u32 $0x28, v8;
	v8 =	vshll.u32 v8, $0x7;
	v9 =	vand.u32 $0x380, v9  }
0x3f5: {  	v14 =	vor.u32 $0x20, v14;
	v17 =	vand.u32 $0x380, v17;
	v49 =	vand.u32 $0xF, v21  }
0x3f6: {  	v22 =	vand.u32 $0x7, v21;
	v52 =	vshll.u32 v21, $0x7;
	v54 =	vand.u32 $0xF, v53  }
0x3f7: {  	v56 =	vand.u32 $0xF, v23;
	v25 =	vand.u32 $0x7, v53;
	v26 =	vand.u32 $0x7, v23  }
0x3f8: {  	v21 =	vshll.u32 v53, $0x7;
	v23 =	vshll.u32 v23, $0x7;
	v12 =	vand.u32 $0x28, v10  }
0x3f9: {  	v11 =	vor.u32 v11, v4;
	v8 =	vand.u32 $0x1400, v8;
	v10 =	vshll.u32 v10, $0x7  }
0x3fa: {  	v15 =	vand.u32 $0x28, v14;
	v14 =	vshll.u32 v14, $0x7;
	v55 =	vor.u32 $0x20, v54  }
0x3fb: {  	v21 =	vand.u32 $0x380, v21;
	v60 =	vand.u32 $0x380, v23;
	v12 =	vor.u32 v12, v13  }
0x3fc: {  	v10 =	vand.u32 $0x1400, v10;
	v13 =	vshll.u32 v42, $0x7;
	v14 =	vand.u32 $0x1400, v14  }
0x3fd: {  	v24 =	vand.u32 $0x28, v55;
	v8 =	vor.u32 v8, v5;
	v12 =	vor.u32 v6, v12  }
0x3fe: {  	v9 =	vor.u32 v10, v9;
	v10 =	vor.u32 v15, v16;
	v15 =	vor.u32 $0x20, v43  }
0x3ff: {  	v13 =	vand.u32 $0x380, v13;
	v24 =	vor.u32 v24, v25;
	v10 =	vor.u32 v6, v10  }
0x400: {  	v44 =	vand.u32 $0x28, v15;
	v13 =	vor.u32 v14, v13;
	v15 =	vshll.u32 v15, $0x7  }
0x401: {  	v24 =	vor.u32 v6, v24;
	v16 =	vor.u32 v44, v18;
	v18 =	vor.u32 $0x20, v47  }
0x402: {  	v9 =	vor.u32 v7, v9;
	v15 =	vand.u32 $0x1400, v15;
	v19 =	vand.u32 $0x28, v18  }
0x403: {  	v13 =	vor.u32 v7, v13;
	v48 =	vor.u32 v19, v20;
	v19 =	vor.u32 $0x20, v49  }
0x404: {  	v45 =	vor.u32 v6, v16;
	v15 =	vor.u32 v15, v17;
	v50 =	vand.u32 $0x28, v19  }
0x405: {  	v17 =	vor.u32 v6, v48;
	v20 =	vor.u32 v50, v22;
	v22 =	vor.u32 $0x20, v56  }
0x406: {  	v18 =	vshll.u32 v18, $0x7;
	v11 =	vld.idx.msk [tilespmem:v11+s23+$0x0], $0xffff;
	v51 =	vor.u32 v6, v20;
	v57 =	vand.u32 $0x28, v22  }
0x407: {  	v16 =	vshll.u32 v46, $0x7;
	v18 =	vand.u32 $0x1400, v18;
	v12 =	vld.idx.msk [tilespmem:v12+s23+$0x0], $0xffff;
	v25 =	vor.u32 v57, v26  }
0x408: {  	v16 =	vand.u32 $0x380, v16;
	v19 =	vshll.u32 v19, $0x7;
	v10 =	vld.idx.msk [tilespmem:v10+s23+$0x0], $0xffff;
	v25 =	vor.u32 v6, v25  }
0x409: {  	v15 =	vor.u32 v7, v15;
	v19 =	vand.u32 $0x1400, v19;
	v20 =	vand.u32 $0x380, v52;
	v14 =	vld.idx.msk [tilespmem:v45+s23+$0x0], $0xffff  }
0x40a: {  	v16 =	vor.u32 v18, v16;
	v19 =	vor.u32 v19, v20;
	v20 =	vshll.u32 v55, $0x7;
	v17 =	vld.idx.msk [tilespmem:v17+s23+$0x0], $0xffff  }
0x40b: {  	v16 =	vor.u32 v7, v16;
	v11 =	vmul.f32 $8.000000000e+00, v11;
	v20 =	vand.u32 $0x1400, v20;
	v18 =	vld.idx.msk [tilespmem:v51+s23+$0x0], $0xffff  }
0x40c: {  	v58 =	vld.idx.msk [tilespmem:v24+s23+$0x0], $0xffff;
	v22 =	vshll.u32 v22, $0x7;
	v20 =	vor.u32 v20, v21;
	v12 =	vmul.f32 $8.000000000e+00, v12  }
0x40d: {  	v59 =	vand.u32 $0x1400, v22;
	[tilespmem:v8+s22+$0x0] =	vst.idx.msk $0xffff, v11;
	v8 =	vor.u32 v7, v19;
	v10 =	vmul.f32 $8.000000000e+00, v10;
	v11 =	vld.idx.msk [tilespmem:v25+s23+$0x0], $0xffff  }
0x40e: {  	v62 =	vor.u32 v7, v20;
	[tilespmem:v9+s22+$0x0] =	vst.idx.msk $0xffff, v12;
	v9 =	vor.u32 v59, v60;
	v61 =	vmul.f32 $8.000000000e+00, v14  }
0x40f: {  	p1 =	por p0, p0;
	[tilespmem:v13+s22+$0x0] =	vst.idx.msk $0xffff, v10;
	v9 =	vor.u32 v7, v9;
	v10 =	vmul.f32 $8.000000000e+00, v17  }
.Ltmp38:
0x410: {  	[tilespmem:v15+s22+$0x0] =	vst.idx.msk $0xffff, v61;
	v63 =	vmul.f32 $8.000000000e+00, v18;
	(pc) =	sbr.rel @p1 .LBB2_79-.Ltmp38, $4  }
0x411: {  	[tilespmem:v16+s22+$0x0] =	vst.idx.msk $0xffff, v10;
	v10 =	vmul.f32 $8.000000000e+00, v58  }
0x412: {  	[tilespmem:v8+s22+$0x0] =	vst.idx.msk $0xffff, v63;
	v8 =	vmul.f32 $8.000000000e+00, v11  }
0x413: {  	[tilespmem:v62+s22+$0x0] =	vst.idx.msk $0xffff, v10  }
0x414: {  	p0 =	por $0x0, $0x0;
	s12 =	simm.s32 $0x8;
	[tilespmem:v9+s22+$0x0] =	vst.idx.msk $0xffff, v8  }
0x415: {  	[tilespmem:$0x1E400] =	vst v8;
	v6 =	vor.u32 $0x30, v6;
	v7 =	vor.u32 $0x1800, v7;
	s12 =	simm.s32 $0x0;
	p0 =	por $0x1, $0x1  }
.LBB2_81:
0x416: {  	v8 =	vadd.s32 s12, v0  }
0x417: {  	v8 =	vor.u32 $0x30, v8  }
0x418: {  	s10 =	sor.u32 $0x1, s12;
	s13 =	sor.u32 $0x2, s12;
	v9 =	vand.u32 $0x38, v8  }
0x419: {  	s14 =	sor.u32 $0x3, s12;
	s17 =	sor.u32 $0x4, s12;
	v10 =	vadd.s32 s10, v0;
	v12 =	vadd.s32 s13, v0;
	v9 =	vor.u32 v9, v4  }
0x41a: {  	v14 =	vadd.s32 s14, v0;
	v16 =	vadd.s32 s17, v0;
	v11 =	vor.u32 v6, v10  }
0x41b: {  	s13 =	sor.u32 $0x5, s12;
	v13 =	vor.u32 v6, v12;
	v8 =	vshll.u32 v8, $0x7;
	v15 =	vor.u32 v6, v14  }
0x41c: {  	s14 =	sor.u32 $0x6, s12;
	s17 =	sor.u32 $0x7, s12;
	v17 =	vor.u32 v6, v16;
	v18 =	vadd.s32 s13, v0;
	v10 =	vshll.u32 v10, $0x7  }
0x41d: {  	v20 =	vadd.s32 s14, v0;
	v22 =	vadd.s32 s17, v0;
	v12 =	vshll.u32 v12, $0x7  }
0x41e: {  	v14 =	vshll.u32 v14, $0x7;
	v16 =	vshll.u32 v16, $0x7;
	v19 =	vor.u32 v6, v18;
	v9 =	vld.idx.msk [tilespmem:v9+s23+$0x0], $0xffff  }
0x41f: {  	v8 =	vand.u32 $0x1C00, v8;
	v10 =	vand.u32 $0x780, v10;
	v21 =	vor.u32 v6, v20;
	v11 =	vld.idx.msk [tilespmem:v11+s23+$0x0], $0xffff  }
0x420: {  	v23 =	vor.u32 v6, v22;
	v12 =	vand.u32 $0x780, v12;
	v8 =	vor.u32 v8, v5;
	v13 =	vld.idx.msk [tilespmem:v13+s23+$0x0], $0xffff  }
0x421: {  	v14 =	vand.u32 $0x780, v14;
	v16 =	vand.u32 $0x780, v16;
	v10 =	vor.u32 v7, v10;
	v15 =	vld.idx.msk [tilespmem:v15+s23+$0x0], $0xffff  }
0x422: {  	v18 =	vshll.u32 v18, $0x7;
	v20 =	vshll.u32 v20, $0x7;
	v12 =	vor.u32 v7, v12;
	v17 =	vld.idx.msk [tilespmem:v17+s23+$0x0], $0xffff  }
0x423: {  	v61 =	vshll.u32 v22, $0x7;
	v14 =	vor.u32 v7, v14;
	v19 =	vld.idx.msk [tilespmem:v19+s23+$0x0], $0xffff;
	v9 =	vmul.f32 $8.000000000e+00, v9  }
0x424: {  	v16 =	vor.u32 v7, v16;
	v18 =	vand.u32 $0x780, v18;
	v21 =	vld.idx.msk [tilespmem:v21+s23+$0x0], $0xffff;
	v11 =	vmul.f32 $8.000000000e+00, v11  }
0x425: {  	v60 =	vld.idx.msk [tilespmem:v23+s23+$0x0], $0xffff;
	v13 =	vmul.f32 $8.000000000e+00, v13;
	[tilespmem:v8+s22+$0x0] =	vst.idx.msk $0xffff, v9;
	v8 =	vor.u32 v7, v18;
	v9 =	vand.u32 $0x780, v20  }
0x426: {  	[tilespmem:v10+s22+$0x0] =	vst.idx.msk $0xffff, v11;
	v10 =	vmul.f32 $8.000000000e+00, v15;
	v11 =	vand.u32 $0x780, v61;
	v9 =	vor.u32 v7, v9  }
0x427: {  	p1 =	por p0, p0;
	v62 =	vmul.f32 $8.000000000e+00, v17;
	[tilespmem:v12+s22+$0x0] =	vst.idx.msk $0xffff, v13;
	v11 =	vor.u32 v7, v11  }
.Ltmp39:
0x428: {  	[tilespmem:v14+s22+$0x0] =	vst.idx.msk $0xffff, v10;
	v10 =	vmul.f32 $8.000000000e+00, v19;
	(pc) =	sbr.rel @p1 .LBB2_81-.Ltmp39, $4  }
0x429: {  	v63 =	vmul.f32 $8.000000000e+00, v21;
	[tilespmem:v16+s22+$0x0] =	vst.idx.msk $0xffff, v62  }
0x42a: {  	[tilespmem:v8+s22+$0x0] =	vst.idx.msk $0xffff, v10;
	v8 =	vmul.f32 $8.000000000e+00, v60  }
0x42b: {  	[tilespmem:v9+s22+$0x0] =	vst.idx.msk $0xffff, v63  }
0x42c: {  	p0 =	por $0x0, $0x0;
	s12 =	simm.s32 $0x8;
	[tilespmem:v11+s22+$0x0] =	vst.idx.msk $0xffff, v8  }
0x42d: {  	s11 =	sadd.s32 $0x1, s11  }
0x42e: {  	p0 =	sne.s32 s11, $0x8  }
.Ltmp40:
0x42f: {  	_ = 	snop;
	(pc) =	sbr.rel @p0 .LBB2_74-.Ltmp40, $2  }
0x430: {  	_ =	sdelay $0x2  }
0x431: {  	[tilespmem:$0x1E400] =	vst v8  }
0x432: {  	s10 =	rddreg [dreg:$0x7]  }
0x433: {  	[hbm4b:s10+s26] =	stream.strided.scatter [tilespmem:s22], [sflag:$0x8], $0x2000, s28, s26, $0x38;
	[tilespmem:$0x1E410] =	vst v63  }
0x434: {  	_ =	swait.ge [sflag:s31], $0x2000  }
0x435: {  	[sflag:s31] =	ssyncset.done $0x0  }
0x436: {  	[sflag:s31] =	ssyncadd.s32 $0xFFFFE000  }
0x437: {  	_ =	swait.ge [sflag:s16], $0x2000  }
0x438: {  	[sflag:s16] =	ssyncset.done $0x0  }
0x439: {  	[sflag:s16] =	ssyncadd.s32 $0xFFFFE000  }
0x43a: {  	_ =	swait.ge [sflag:s3], $0x2000  }
0x43b: {  	[sflag:s3] =	ssyncset.done $0x0  }
0x43c: {  	[sflag:s3] =	ssyncadd.s32 $0xFFFFE000  }
0x43d: {  	_ =	swait.ge [sflag:s5], $0x2000  }
0x43e: {  	s11 =	rddreg [dreg:$0x9]  }
0x43f: {  	s17 =	rddreg [dreg:$0x8];
	s11 =	sadd.s32 $0x1, s11  }
0x440: {  	p0 =	sne.s32 s11, s17  }
.Ltmp41:
0x441: {  	_ = 	snop;
	(pc) =	sbr.rel @p0 .LBB2_1-.Ltmp41, $3  }
0x442: {  	_ =	sdelay $0x1  }
0x443: {  	[sflag:s5] =	ssyncset.done $0x0  }
0x444: {  	[sflag:s5] =	ssyncadd.s32 $0xFFFFE000  }
0x445: {  	_ =	sfence.sel $0x180000  }
0x446: {  	[bflag:$0x0] =	sbarrier.arrive $0xFFFF  }
0x447: {  	_ =	strace $0x90000047  }
0x448: {  	s0 =	stileid.u32;
	[bflag:$0x2] =	sbarrier.arrive $0xFFFF  }
0x449: {  	p0 =	sne.s32 s0, $0x0;
	s0 =	rddreg [dreg:$0x2]  }
0x44a: {  	s0 =	sadd.s32 @!p0 $0x100000, s0  }
0x44b: {  	[sflag:s0] =	ssyncadd.tile.s32 @!p0 $0x1;
	_ =	shalt  }
.Lfunc_end2:
_tile_overlayer_lowered:
.L_overlay_start_2:
0x44c: {  	(tag) =	ssettag $0x2  }
0x44d: {  	s0 =	rddreg [dreg:$0x0];
	s2 =	stileid.u32  }
0x44e: {  	s1 =	rddreg [dreg:$0x1];
	p0 =	sne.s32 s2, $0x0  }
0x44f: {  	s3 =	rddreg [dreg:$0x2];
	[bflag:$0x3] =	sbarrier.arrive $0xFFFF;
	s2 =	simm.s32 @!p0 $0x1C09  }
0x450: {  	[timem:s3], [sflag:s2] =	dma.local @!p0 [hbm:s0], s1  }
0x451: {  	s0 =	simm.s32 @!p0 $0x9  }
0x452: {  	_ =	swait.ge @!p0 [sflag:s0], s1  }
0x453: {  	s1 =	ssub.s32 @!p0 $0x0, s1;
	[sflag:s0] =	ssyncset.done @!p0 $0x0  }
0x454: {  	[sflag:s0] =	ssyncadd.s32 @!p0 s1  }
0x455: {  	[bflag:$0x3] =	sbarrier.arrive $0xFFFF  }
0x456: {  	_ =	shalt  }

</sc_bundles>
